<compile_context>
chip_gen: v7x
topology: tpu7x:2x2x1
jax: 0.10.2.dev20260603
libtpu: 0.0.44.dev20260713+nightly
codegen_flags: <defaults>
</compile_context>

<pallas_src>
import functools

import jax
import jax.numpy as jnp
from jax import lax
from jax.experimental import pallas as pl
from jax.experimental.pallas import tpu as pltpu
from jax.experimental.pallas import tpu_sc as plsc

N = 10000
D = 128
E = 80000

NC = 2
NS = 16
CHUNK = 125
N_PAD = 10240
NCHUNK = E // CHUNK
ROWS_PER_TILE = N_PAD // NS

_mesh = plsc.VectorSubcoreMesh(core_axis_name="c", subcore_axis_name="s")


_CPT_DEG = NCHUNK // NS


def _deg_one_conv(s, dref, out_ref, zcol_h, idx_v, ones_v, sh):
    pltpu.sync_copy(zcol_h, sh.at[pl.ds(s * ROWS_PER_TILE, ROWS_PER_TILE)])
    plsc.subcore_barrier()

    pltpu.sync_copy(dref.at[pl.ds(s * _CPT_DEG, _CPT_DEG)], idx_v)

    @pl.loop(0, _CPT_DEG)
    def _(j):
        pltpu.sync_copy(ones_v, sh.at[idx_v.at[j]], add=True)

    plsc.subcore_barrier()
    pltpu.sync_copy(
        sh.at[pl.ds(s * ROWS_PER_TILE, ROWS_PER_TILE)],
        out_ref.at[pl.ds(s * ROWS_PER_TILE, ROWS_PER_TILE)],
    )
    plsc.subcore_barrier()


@functools.partial(
    pl.kernel,
    out_type=tuple(jax.ShapeDtypeStruct((N_PAD,), jnp.float32) for _ in range(4)),
    mesh=_mesh,
    scratch_types=[
        pltpu.VMEM((_CPT_DEG, CHUNK), jnp.int32),
        pltpu.VMEM((CHUNK,), jnp.float32),
        pltpu.VMEM_SHARED((N_PAD,), jnp.float32),
    ],
)
def _deg_kernel(d0, d1, d2, d3, ones_h, zcol_h,
                out0, out1, out2, out3,
                idx_v, ones_v, sh):
    c = lax.axis_index("c")
    s = lax.axis_index("s")

    pltpu.sync_copy(ones_h, ones_v)

    @pl.when(c == 0)
    def _():
        _deg_one_conv(s, d0, out0, zcol_h, idx_v, ones_v, sh)
        _deg_one_conv(s, d1, out1, zcol_h, idx_v, ones_v, sh)

    @pl.when(c == 1)
    def _():
        _deg_one_conv(s, d2, out2, zcol_h, idx_v, ones_v, sh)
        _deg_one_conv(s, d3, out3, zcol_h, idx_v, ones_v, sh)


_CPT_AGG = NCHUNK // NS


_NB = 2


def _agg_one_conv(s, g_ref, src_ref, dst_ref, out_ref,
                  sidx_v, didx_v, rows_v, acc_sh, gsems, ssems):
    pltpu.sync_copy(
        g_ref.at[pl.ds(s * ROWS_PER_TILE, ROWS_PER_TILE)],
        acc_sh.at[pl.ds(s * ROWS_PER_TILE, ROWS_PER_TILE)])
    plsc.subcore_barrier()

    pltpu.sync_copy(src_ref.at[pl.ds(s * _CPT_AGG, _CPT_AGG)], sidx_v)
    pltpu.sync_copy(dst_ref.at[pl.ds(s * _CPT_AGG, _CPT_AGG)], didx_v)

    for b in range(_NB):
        pltpu.async_copy(g_ref.at[sidx_v.at[b]], rows_v.at[b], gsems[b])

    @pl.loop(0, _CPT_AGG, step=_NB)
    def _(j):
        for b in range(_NB):
            jj = j + b
            pltpu.make_async_copy(
                g_ref.at[sidx_v.at[jj]], rows_v.at[b], gsems[b]).wait()
            pltpu.sync_copy(rows_v.at[b], acc_sh.at[didx_v.at[jj]], add=True)

            @pl.when(jj + _NB < _CPT_AGG)
            def _():
                pltpu.async_copy(
                    g_ref.at[sidx_v.at[jj + _NB]], rows_v.at[b], gsems[b])

    plsc.subcore_barrier()
    pltpu.sync_copy(
        acc_sh.at[pl.ds(s * ROWS_PER_TILE, ROWS_PER_TILE)],
        out_ref.at[pl.ds(s * ROWS_PER_TILE, ROWS_PER_TILE)],
    )
    plsc.subcore_barrier()


@functools.partial(
    pl.kernel,
    out_type=tuple(jax.ShapeDtypeStruct((N_PAD, D), jnp.float32) for _ in range(4)),
    mesh=_mesh,
    scratch_types=[
        pltpu.VMEM((_CPT_AGG, CHUNK), jnp.int32),
        pltpu.VMEM((_CPT_AGG, CHUNK), jnp.int32),
        pltpu.VMEM((_NB, CHUNK, D), jnp.float32),
        pltpu.VMEM_SHARED((N_PAD, D), jnp.float32),
    ] + [pltpu.SemaphoreType.DMA] * (2 * _NB),
)
def _agg_kernel(g0, g1, g2, g3, s0, s1, s2, s3, t0, t1, t2, t3,
                o0, o1, o2, o3,
                sidx_v, didx_v, rows_v, acc_sh, *sems):
    c = lax.axis_index("c")
    s = lax.axis_index("s")
    gsems, ssems = sems[:_NB], sems[_NB:]

    @pl.when(c == 0)
    def _():
        _agg_one_conv(s, g0, s0, t0, o0, sidx_v, didx_v, rows_v, acc_sh, gsems, ssems)
        _agg_one_conv(s, g1, s1, t1, o1, sidx_v, didx_v, rows_v, acc_sh, gsems, ssems)

    @pl.when(c == 1)
    def _():
        _agg_one_conv(s, g2, s2, t2, o2, sidx_v, didx_v, rows_v, acc_sh, gsems, ssems)
        _agg_one_conv(s, g3, s3, t3, o3, sidx_v, didx_v, rows_v, acc_sh, gsems, ssems)


BLK = 5120


def _scale_body(x_ref, w1_ref, w2_ref, degp_ref, g0, g1, g2, g3):
    h1 = jnp.dot(x_ref[...], w1_ref[...], preferred_element_type=jnp.float32)
    h2 = jnp.dot(x_ref[...], w2_ref[...], preferred_element_type=jnp.float32)
    dinv = lax.rsqrt(degp_ref[...] + 1.0)
    g0[...] = h1 * dinv[0][:, None]
    g1[...] = h1 * dinv[1][:, None]
    g2[...] = h2 * dinv[2][:, None]
    g3[...] = h2 * dinv[3][:, None]


def _scale_call(x, W1, W2, degp):
    grid = (N_PAD // BLK,)
    gspec = pl.BlockSpec((BLK, D), lambda i: (i, 0))
    return pl.pallas_call(
        _scale_body,
        grid=grid,
        in_specs=[
            pl.BlockSpec((BLK, D), lambda i: (i, 0)),
            pl.BlockSpec((D, D), lambda i: (0, 0)),
            pl.BlockSpec((D, D), lambda i: (0, 0)),
            pl.BlockSpec((8, BLK), lambda i: (0, i)),
        ],
        out_specs=[gspec, gspec, gspec, gspec],
        out_shape=[jax.ShapeDtypeStruct((N_PAD, D), jnp.float32)] * 4,
    )(x, W1, W2, degp)


def _finish_body(a0, a1, a2, a3, degp_ref,
                 b1_ref, b2_ref, wt_top_ref, wt_bot_ref, bt_ref,
                 xa_ref, xb_ref):
    dinv = lax.rsqrt(degp_ref[...] + 1.0)
    relu = lambda v: jnp.maximum(v, 0.0)
    o0 = relu(dinv[0][:, None] * a0[...] + b1_ref[...])
    o1 = relu(dinv[1][:, None] * a1[...] + b1_ref[...])
    o2 = relu(dinv[2][:, None] * a2[...] + b2_ref[...])
    o3 = relu(dinv[3][:, None] * a3[...] + b2_ref[...])
    wt_top = wt_top_ref[...]
    wt_bot = wt_bot_ref[...]
    xa_ref[...] = relu(
        jnp.dot(o0, wt_top, preferred_element_type=jnp.float32)
        + jnp.dot(o2, wt_bot, preferred_element_type=jnp.float32)
        + bt_ref[...])
    xb_ref[...] = relu(
        jnp.dot(o1, wt_top, preferred_element_type=jnp.float32)
        + jnp.dot(o3, wt_bot, preferred_element_type=jnp.float32)
        + bt_ref[...])


def _finish_call(accs, degp, b1, b2, Wt, bt):
    grid = (N_PAD // BLK,)
    nspec = pl.BlockSpec((BLK, D), lambda i: (i, 0))
    wspec = pl.BlockSpec((D, D), lambda i: (0, 0))
    bspec = pl.BlockSpec((1, D), lambda i: (0, 0))
    return pl.pallas_call(
        _finish_body,
        grid=grid,
        in_specs=[nspec] * 4 + [
            pl.BlockSpec((8, BLK), lambda i: (0, i)),
            bspec, bspec, wspec, wspec, bspec,
        ],
        out_specs=[nspec, nspec],
        out_shape=[jax.ShapeDtypeStruct((N, D), jnp.float32)] * 2,
    )(*accs, degp, b1.reshape(1, D), b2.reshape(1, D),
      Wt[:D], Wt[D:], bt.reshape(1, D))


def _pad_edges(ei):
    src = ei[0].astype(jnp.int32).reshape(NCHUNK, CHUNK)
    dst = ei[1].astype(jnp.int32).reshape(NCHUNK, CHUNK)
    return src, dst


def kernel(x, view_a_pos, view_a_neg, view_b_pos, view_b_neg,
           W1, b1, W2, b2, Wt, bt):
    edges = [_pad_edges(v) for v in
             (view_a_pos, view_b_pos, view_a_neg, view_b_neg)]
    srcs = [e[0] for e in edges]
    dsts = [e[1] for e in edges]

    ones_h = jnp.ones((CHUNK,), jnp.float32)
    zcol_h = jnp.zeros((ROWS_PER_TILE,), jnp.float32)

    deg4 = _deg_kernel(*dsts, ones_h, zcol_h)
    degp = jnp.concatenate(
        [jnp.stack(deg4), jnp.zeros((4, N_PAD), jnp.float32)], axis=0)
    gs = _scale_call(x, W1, W2, degp)
    accs = _agg_kernel(*gs, *srcs, *dsts)
    xa, xb = _finish_call(accs, degp, b1, b2, Wt, bt)
    return xa, xb

# --- scband reference (transcript-rebuilt; emitter-appended) ---
"""Pipeline reference for scband-my-grace-72456098283737 (READ-ONLY COPY).

The authoritative reference and input builder live on the scoring server;
editing this copy changes nothing except your own understanding.
"""

import jax, jax.numpy as jnp
import numpy as np

N = 10000
D = 128
E = 80000


def setup_inputs(seed: int = 0) -> dict:
    key = jax.random.key(seed)
    ks = jax.random.split(key, 12)
    inp = {
        "x": jax.random.normal(ks[0], (N, D), dtype=jnp.float32),
        "view_a_pos": jax.random.randint(ks[1], (2, E), 0, N, dtype=jnp.int64) if jax.config.jax_enable_x64 else jax.random.randint(ks[1], (2, E), 0, N),
        "view_a_neg": jax.random.randint(ks[2], (2, E), 0, N),
        "view_b_pos": jax.random.randint(ks[3], (2, E), 0, N),
        "view_b_neg": jax.random.randint(ks[4], (2, E), 0, N),
        # GCNConv weight/bias used for the positive-view encode (last loop iteration)
        "W1": jax.random.normal(ks[5], (D, D), dtype=jnp.float32) * (1.0 / np.sqrt(D)),
        "b1": jnp.zeros((D,), dtype=jnp.float32),
        # GCNConv weight/bias used for the negative-view encode
        "W2": jax.random.normal(ks[6], (D, D), dtype=jnp.float32) * (1.0 / np.sqrt(D)),
        "b2": jnp.zeros((D,), dtype=jnp.float32),
        # self.transforms: Linear(2*out_channels, out_channels)
        "Wt": jax.random.normal(ks[7], (2 * D, D), dtype=jnp.float32) * (1.0 / np.sqrt(2 * D)),
        "bt": jnp.zeros((D,), dtype=jnp.float32),
    }
    return inp


def gcn_conv(x, edge_index, W, b):
    # PyG GCNConv: add self loops, symmetric normalization D^{-1/2}(A+I)D^{-1/2} X W + b
    n = x.shape[0]
    loop = jnp.arange(n, dtype=edge_index.dtype)
    src = jnp.concatenate([edge_index[0], loop])
    dst = jnp.concatenate([edge_index[1], loop])
    deg = jnp.zeros((n,), dtype=x.dtype).at[dst].add(1.0)
    dinv = jnp.where(deg > 0, jax.lax.rsqrt(jnp.maximum(deg, 1e-12)), 0.0)
    norm = dinv[src] * dinv[dst]
    h = x @ W
    msg = h[src] * norm[:, None]
    out = jnp.zeros((n, h.shape[1]), dtype=x.dtype).at[dst].add(msg)
    return out + b


def reference(x, view_a_pos, view_a_neg, view_b_pos, view_b_neg, W1, b1, W2, b2, Wt, bt):
    relu = jax.nn.relu
    # encode(view_a_pos, view_b_pos): same encoder (W1,b1) applied to both views;
    # the torch loop re-derives x_a/x_b from x each iteration, so only the last layer matters.
    pos_x_a = relu(gcn_conv(x, view_a_pos, W1, b1))
    pos_x_b = relu(gcn_conv(x, view_b_pos, W1, b1))
    # encode(view_a_neg, view_b_neg): separate encoder (W2,b2)
    neg_x_a = relu(gcn_conv(x, view_a_neg, W2, b2))
    neg_x_b = relu(gcn_conv(x, view_b_neg, W2, b2))
    x_a = relu(jnp.concatenate([pos_x_a, neg_x_a], axis=1) @ Wt + bt)
    x_b = relu(jnp.concatenate([pos_x_b, neg_x_b], axis=1) @ Wt + bt)
    return (x_a, x_b)

if __name__ == "__main__":
    import jax
    _d = setup_inputs()
    print(jax.jit(kernel)(*tuple(_d.values())))

</pallas_src>

<mosaic_0001>
#map = affine_map<(d0, d1) -> (0, 0)>
#map1 = affine_map<(d0, d1) -> (0)>
module attributes {stable_mosaic.version = 14 : i64} {
  func.func @_deg_kernel(%arg0: i32, %arg1: i32, %arg2: memref<640x125xi32, #tpu.memory_space<hbm>>, %arg3: memref<640x125xi32, #tpu.memory_space<hbm>>, %arg4: memref<640x125xi32, #tpu.memory_space<hbm>>, %arg5: memref<640x125xi32, #tpu.memory_space<hbm>>, %arg6: memref<125xf32, #tpu.memory_space<hbm>>, %arg7: memref<640xf32, #tpu.memory_space<hbm>>, %arg8: memref<10240xf32, #tpu.memory_space<hbm>>, %arg9: memref<10240xf32, #tpu.memory_space<hbm>>, %arg10: memref<10240xf32, #tpu.memory_space<hbm>>, %arg11: memref<10240xf32, #tpu.memory_space<hbm>>, %arg12: memref<40x125xi32, #tpu.memory_space<vmem>>, %arg13: memref<125xf32, #tpu.memory_space<vmem>>, %arg14: memref<10240xf32, #tpu.memory_space<vmem_shared>>) attributes {dimension_semantics = [#tpu.dimension_semantics<core_parallel>, #tpu.dimension_semantics<subcore_parallel>], iteration_bounds = array<i64: 2, 16>, scalar_prefetch = 0 : i64, scratch_operands = 3 : i64, tpu.core_type = #tpu.core_type<sc_vector_subcore>, window_params = [{transform_indices = #map}, {transform_indices = #map}, {transform_indices = #map}, {transform_indices = #map}, {transform_indices = #map1}, {transform_indices = #map1}, {transform_indices = #map1}, {transform_indices = #map1}, {transform_indices = #map1}, {transform_indices = #map1}]} {
    "tpu.region"() ({
      %run_scoped3A = tpu.sem_alloc : memref<!tpu.dma_semaphore, #tpu.memory_space<semaphore_mem>>
      tpu.enqueue_dma source(%arg6 : memref<125xf32, #tpu.memory_space<hbm>>) target(%arg13 : memref<125xf32, #tpu.memory_space<vmem>>) target_semaphore(%run_scoped3A : memref<!tpu.dma_semaphore, #tpu.memory_space<semaphore_mem>>)
      tpu.wait_dma2 semaphore(%run_scoped3A : memref<!tpu.dma_semaphore, #tpu.memory_space<semaphore_mem>>) src(%arg6 : memref<125xf32, #tpu.memory_space<hbm>>) dst(%arg13 : memref<125xf32, #tpu.memory_space<vmem>>)
      tpu.yield
    }) : () -> ()
    %eq3A = arith.constant 0 : i32
    %eq3A_0 = arith.cmpi eq, %arg0, %eq3A : i32
    %convert_element_type3A = arith.extui %eq3A_0 : i1 to i32
    %cond3A = arith.constant 0 : i32
    %cond3A_1 = arith.cmpi ne, %convert_element_type3A, %cond3A : i32
    scf.if %cond3A_1 {
      %mul3A = arith.constant 640 : i32
      %mul3A_7 = arith.muli %arg1, %mul3A : i32
      "tpu.region"() ({
        %run_scoped3A = tpu.sem_alloc : memref<!tpu.dma_semaphore, #tpu.memory_space<semaphore_mem>>
        %dma_start3A = tpu.memref_slice %arg14[%mul3A_7] : memref<10240xf32, #tpu.memory_space<vmem_shared>> -> memref<640xf32, #tpu.memory_space<vmem_shared>>
        tpu.enqueue_dma source(%arg7 : memref<640xf32, #tpu.memory_space<hbm>>) target(%dma_start3A : memref<640xf32, #tpu.memory_space<vmem_shared>>) target_semaphore(%run_scoped3A : memref<!tpu.dma_semaphore, #tpu.memory_space<semaphore_mem>>)
        %dma_wait3A = tpu.memref_slice %arg14[%mul3A_7] : memref<10240xf32, #tpu.memory_space<vmem_shared>> -> memref<640xf32, #tpu.memory_space<vmem_shared>>
        tpu.wait_dma2 semaphore(%run_scoped3A : memref<!tpu.dma_semaphore, #tpu.memory_space<semaphore_mem>>) src(%arg7 : memref<640xf32, #tpu.memory_space<hbm>>) dst(%dma_wait3A : memref<640xf32, #tpu.memory_space<vmem_shared>>)
        tpu.yield
      }) : () -> ()
      %barrier3A = arith.constant 0 : index
      tpu.barrier barrier_id(%barrier3A)
      %mul3A_8 = arith.constant 40 : i32
      %mul3A_9 = arith.muli %arg1, %mul3A_8 : i32
      "tpu.region"() ({
        %run_scoped3A = tpu.sem_alloc : memref<!tpu.dma_semaphore, #tpu.memory_space<semaphore_mem>>
        %dma_start3A = arith.constant 0 : i32
        %dma_start3A_36 = tpu.memref_slice %arg2[%mul3A_9, %dma_start3A] : memref<640x125xi32, #tpu.memory_space<hbm>> -> memref<40x125xi32, #tpu.memory_space<hbm>>
        %dma_start3A_37 = arith.constant 0 : i32
        %dma_start3A_38 = tpu.memref_slice %arg2[%mul3A_9, %dma_start3A_37] : memref<640x125xi32, #tpu.memory_space<hbm>> -> memref<40x125xi32, #tpu.memory_space<hbm>>
        tpu.enqueue_dma source(%dma_start3A_38 : memref<40x125xi32, #tpu.memory_space<hbm>>) target(%arg12 : memref<40x125xi32, #tpu.memory_space<vmem>>) target_semaphore(%run_scoped3A : memref<!tpu.dma_semaphore, #tpu.memory_space<semaphore_mem>>)
        %dma_wait3A = arith.constant 0 : i32
        %dma_wait3A_39 = tpu.memref_slice %arg2[%mul3A_9, %dma_wait3A] : memref<640x125xi32, #tpu.memory_space<hbm>> -> memref<40x125xi32, #tpu.memory_space<hbm>>
        %dma_wait3A_40 = arith.constant 0 : i32
        %dma_wait3A_41 = tpu.memref_slice %arg2[%mul3A_9, %dma_wait3A_40] : memref<640x125xi32, #tpu.memory_space<hbm>> -> memref<40x125xi32, #tpu.memory_space<hbm>>
        tpu.wait_dma2 semaphore(%run_scoped3A : memref<!tpu.dma_semaphore, #tpu.memory_space<semaphore_mem>>) src(%dma_wait3A_41 : memref<40x125xi32, #tpu.memory_space<hbm>>) dst(%arg12 : memref<40x125xi32, #tpu.memory_space<vmem>>)
        tpu.yield
      }) : () -> ()
      %scan3A = arith.constant 0 : i32
      %scan3A_10 = arith.constant 40 : i32
      %scan3A_11 = arith.addi %scan3A, %scan3A_10 : i32
      %scan3A_12 = arith.constant 1 : i32
      scf.for %scan3A_36 = %scan3A to %scan3A_11 step %scan3A_12  : i32 {
        %mul3A_37 = arith.constant 1 : i32
        %mul3A_38 = arith.muli %scan3A_36, %mul3A_37 : i32
        %add3A = arith.constant 0 : i32
        %add3A_39 = arith.addi %add3A, %mul3A_38 : i32
        "tpu.region"() ({
          %run_scoped3A = tpu.sem_alloc : memref<!tpu.dma_semaphore, #tpu.memory_space<semaphore_mem>>
          %dma_start3A = arith.constant 0 : i32
          %dma_start3A_40 = tpu.memref_slice %arg12[%add3A_39, %dma_start3A] : memref<40x125xi32, #tpu.memory_space<vmem>> -> memref<1x125xi32, #tpu.memory_space<vmem>>
          %dma_start3A_41 = tpu.memref_squeeze %dma_start3A_40 : memref<1x125xi32, #tpu.memory_space<vmem>> -> memref<125xi32, #tpu.memory_space<vmem>>
          %dma_start3A_42 = arith.constant 0 : i32
          %dma_start3A_43 = tpu.memref_slice %arg14[%dma_start3A_42] : memref<10240xf32, #tpu.memory_space<vmem_shared>> -> memref<10240xf32, #tpu.memory_space<vmem_shared>>
          tpu.enqueue_indirect_dma source(%arg13 : memref<125xf32, #tpu.memory_space<vmem>>) target(%dma_start3A_43 : memref<10240xf32, #tpu.memory_space<vmem_shared>>) offsets(%dma_start3A_41 : memref<125xi32, #tpu.memory_space<vmem>>) semaphore(%run_scoped3A : memref<!tpu.dma_semaphore, #tpu.memory_space<semaphore_mem>>) {add = true}
          %dma_wait3A = arith.constant 0 : i32
          %dma_wait3A_44 = tpu.memref_slice %arg12[%add3A_39, %dma_wait3A] : memref<40x125xi32, #tpu.memory_space<vmem>> -> memref<1x125xi32, #tpu.memory_space<vmem>>
          %dma_wait3A_45 = tpu.memref_squeeze %dma_wait3A_44 : memref<1x125xi32, #tpu.memory_space<vmem>> -> memref<125xi32, #tpu.memory_space<vmem>>
          %dma_wait3A_46 = arith.constant 0 : i32
          %dma_wait3A_47 = tpu.memref_slice %arg14[%dma_wait3A_46] : memref<10240xf32, #tpu.memory_space<vmem_shared>> -> memref<10240xf32, #tpu.memory_space<vmem_shared>>
          tpu.wait_indirect_dma semaphore(%run_scoped3A : memref<!tpu.dma_semaphore, #tpu.memory_space<semaphore_mem>>) src(%arg13 : memref<125xf32, #tpu.memory_space<vmem>>) dst(%dma_wait3A_47 : memref<10240xf32, #tpu.memory_space<vmem_shared>>)
          tpu.yield
        }) : () -> ()
      }
      %scan3A_13 = arith.constant 40 : i32
      %barrier3A_14 = arith.constant 0 : index
      tpu.barrier barrier_id(%barrier3A_14)
      %mul3A_15 = arith.constant 640 : i32
      %mul3A_16 = arith.muli %arg1, %mul3A_15 : i32
      %mul3A_17 = arith.constant 640 : i32
      %mul3A_18 = arith.muli %arg1, %mul3A_17 : i32
      "tpu.region"() ({
        %run_scoped3A = tpu.sem_alloc : memref<!tpu.dma_semaphore, #tpu.memory_space<semaphore_mem>>
        %dma_start3A = tpu.memref_slice %arg8[%mul3A_18] : memref<10240xf32, #tpu.memory_space<hbm>> -> memref<640xf32, #tpu.memory_space<hbm>>
        %dma_start3A_36 = tpu.memref_slice %arg14[%mul3A_16] : memref<10240xf32, #tpu.memory_space<vmem_shared>> -> memref<640xf32, #tpu.memory_space<vmem_shared>>
        tpu.enqueue_dma source(%dma_start3A_36 : memref<640xf32, #tpu.memory_space<vmem_shared>>) target(%dma_start3A : memref<640xf32, #tpu.memory_space<hbm>>) target_semaphore(%run_scoped3A : memref<!tpu.dma_semaphore, #tpu.memory_space<semaphore_mem>>)
        %dma_wait3A = tpu.memref_slice %arg8[%mul3A_18] : memref<10240xf32, #tpu.memory_space<hbm>> -> memref<640xf32, #tpu.memory_space<hbm>>
        %dma_wait3A_37 = tpu.memref_slice %arg14[%mul3A_16] : memref<10240xf32, #tpu.memory_space<vmem_shared>> -> memref<640xf32, #tpu.memory_space<vmem_shared>>
        tpu.wait_dma2 semaphore(%run_scoped3A : memref<!tpu.dma_semaphore, #tpu.memory_space<semaphore_mem>>) src(%dma_wait3A_37 : memref<640xf32, #tpu.memory_space<vmem_shared>>) dst(%dma_wait3A : memref<640xf32, #tpu.memory_space<hbm>>)
        tpu.yield
      }) : () -> ()
      %barrier3A_19 = arith.constant 0 : index
      tpu.barrier barrier_id(%barrier3A_19)
      %mul3A_20 = arith.constant 640 : i32
      %mul3A_21 = arith.muli %arg1, %mul3A_20 : i32
      "tpu.region"() ({
        %run_scoped3A = tpu.sem_alloc : memref<!tpu.dma_semaphore, #tpu.memory_space<semaphore_mem>>
        %dma_start3A = tpu.memref_slice %arg14[%mul3A_21] : memref<10240xf32, #tpu.memory_space<vmem_shared>> -> memref<640xf32, #tpu.memory_space<vmem_shared>>
        tpu.enqueue_dma source(%arg7 : memref<640xf32, #tpu.memory_space<hbm>>) target(%dma_start3A : memref<640xf32, #tpu.memory_space<vmem_shared>>) target_semaphore(%run_scoped3A : memref<!tpu.dma_semaphore, #tpu.memory_space<semaphore_mem>>)
        %dma_wait3A = tpu.memref_slice %arg14[%mul3A_21] : memref<10240xf32, #tpu.memory_space<vmem_shared>> -> memref<640xf32, #tpu.memory_space<vmem_shared>>
        tpu.wait_dma2 semaphore(%run_scoped3A : memref<!tpu.dma_semaphore, #tpu.memory_space<semaphore_mem>>) src(%arg7 : memref<640xf32, #tpu.memory_space<hbm>>) dst(%dma_wait3A : memref<640xf32, #tpu.memory_space<vmem_shared>>)
        tpu.yield
      }) : () -> ()
      %barrier3A_22 = arith.constant 0 : index
      tpu.barrier barrier_id(%barrier3A_22)
      %mul3A_23 = arith.constant 40 : i32
      %mul3A_24 = arith.muli %arg1, %mul3A_23 : i32
      "tpu.region"() ({
        %run_scoped3A = tpu.sem_alloc : memref<!tpu.dma_semaphore, #tpu.memory_space<semaphore_mem>>
        %dma_start3A = arith.constant 0 : i32
        %dma_start3A_36 = tpu.memref_slice %arg3[%mul3A_24, %dma_start3A] : memref<640x125xi32, #tpu.memory_space<hbm>> -> memref<40x125xi32, #tpu.memory_space<hbm>>
        %dma_start3A_37 = arith.constant 0 : i32
        %dma_start3A_38 = tpu.memref_slice %arg3[%mul3A_24, %dma_start3A_37] : memref<640x125xi32, #tpu.memory_space<hbm>> -> memref<40x125xi32, #tpu.memory_space<hbm>>
        tpu.enqueue_dma source(%dma_start3A_38 : memref<40x125xi32, #tpu.memory_space<hbm>>) target(%arg12 : memref<40x125xi32, #tpu.memory_space<vmem>>) target_semaphore(%run_scoped3A : memref<!tpu.dma_semaphore, #tpu.memory_space<semaphore_mem>>)
        %dma_wait3A = arith.constant 0 : i32
        %dma_wait3A_39 = tpu.memref_slice %arg3[%mul3A_24, %dma_wait3A] : memref<640x125xi32, #tpu.memory_space<hbm>> -> memref<40x125xi32, #tpu.memory_space<hbm>>
        %dma_wait3A_40 = arith.constant 0 : i32
        %dma_wait3A_41 = tpu.memref_slice %arg3[%mul3A_24, %dma_wait3A_40] : memref<640x125xi32, #tpu.memory_space<hbm>> -> memref<40x125xi32, #tpu.memory_space<hbm>>
        tpu.wait_dma2 semaphore(%run_scoped3A : memref<!tpu.dma_semaphore, #tpu.memory_space<semaphore_mem>>) src(%dma_wait3A_41 : memref<40x125xi32, #tpu.memory_space<hbm>>) dst(%arg12 : memref<40x125xi32, #tpu.memory_space<vmem>>)
        tpu.yield
      }) : () -> ()
      %scan3A_25 = arith.constant 0 : i32
      %scan3A_26 = arith.constant 40 : i32
      %scan3A_27 = arith.addi %scan3A_25, %scan3A_26 : i32
      %scan3A_28 = arith.constant 1 : i32
      scf.for %scan3A_36 = %scan3A_25 to %scan3A_27 step %scan3A_28  : i32 {
        %mul3A_37 = arith.constant 1 : i32
        %mul3A_38 = arith.muli %scan3A_36, %mul3A_37 : i32
        %add3A = arith.constant 0 : i32
        %add3A_39 = arith.addi %add3A, %mul3A_38 : i32
        "tpu.region"() ({
          %run_scoped3A = tpu.sem_alloc : memref<!tpu.dma_semaphore, #tpu.memory_space<semaphore_mem>>
          %dma_start3A = arith.constant 0 : i32
          %dma_start3A_40 = tpu.memref_slice %arg12[%add3A_39, %dma_start3A] : memref<40x125xi32, #tpu.memory_space<vmem>> -> memref<1x125xi32, #tpu.memory_space<vmem>>
          %dma_start3A_41 = tpu.memref_squeeze %dma_start3A_40 : memref<1x125xi32, #tpu.memory_space<vmem>> -> memref<125xi32, #tpu.memory_space<vmem>>
          %dma_start3A_42 = arith.constant 0 : i32
          %dma_start3A_43 = tpu.memref_slice %arg14[%dma_start3A_42] : memref<10240xf32, #tpu.memory_space<vmem_shared>> -> memref<10240xf32, #tpu.memory_space<vmem_shared>>
          tpu.enqueue_indirect_dma source(%arg13 : memref<125xf32, #tpu.memory_space<vmem>>) target(%dma_start3A_43 : memref<10240xf32, #tpu.memory_space<vmem_shared>>) offsets(%dma_start3A_41 : memref<125xi32, #tpu.memory_space<vmem>>) semaphore(%run_scoped3A : memref<!tpu.dma_semaphore, #tpu.memory_space<semaphore_mem>>) {add = true}
          %dma_wait3A = arith.constant 0 : i32
          %dma_wait3A_44 = tpu.memref_slice %arg12[%add3A_39, %dma_wait3A] : memref<40x125xi32, #tpu.memory_space<vmem>> -> memref<1x125xi32, #tpu.memory_space<vmem>>
          %dma_wait3A_45 = tpu.memref_squeeze %dma_wait3A_44 : memref<1x125xi32, #tpu.memory_space<vmem>> -> memref<125xi32, #tpu.memory_space<vmem>>
          %dma_wait3A_46 = arith.constant 0 : i32
          %dma_wait3A_47 = tpu.memref_slice %arg14[%dma_wait3A_46] : memref<10240xf32, #tpu.memory_space<vmem_shared>> -> memref<10240xf32, #tpu.memory_space<vmem_shared>>
          tpu.wait_indirect_dma semaphore(%run_scoped3A : memref<!tpu.dma_semaphore, #tpu.memory_space<semaphore_mem>>) src(%arg13 : memref<125xf32, #tpu.memory_space<vmem>>) dst(%dma_wait3A_47 : memref<10240xf32, #tpu.memory_space<vmem_shared>>)
          tpu.yield
        }) : () -> ()
      }
      %scan3A_29 = arith.constant 40 : i32
      %barrier3A_30 = arith.constant 0 : index
      tpu.barrier barrier_id(%barrier3A_30)
      %mul3A_31 = arith.constant 640 : i32
      %mul3A_32 = arith.muli %arg1, %mul3A_31 : i32
      %mul3A_33 = arith.constant 640 : i32
      %mul3A_34 = arith.muli %arg1, %mul3A_33 : i32
      "tpu.region"() ({
        %run_scoped3A = tpu.sem_alloc : memref<!tpu.dma_semaphore, #tpu.memory_space<semaphore_mem>>
        %dma_start3A = tpu.memref_slice %arg9[%mul3A_34] : memref<10240xf32, #tpu.memory_space<hbm>> -> memref<640xf32, #tpu.memory_space<hbm>>
        %dma_start3A_36 = tpu.memref_slice %arg14[%mul3A_32] : memref<10240xf32, #tpu.memory_space<vmem_shared>> -> memref<640xf32, #tpu.memory_space<vmem_shared>>
        tpu.enqueue_dma source(%dma_start3A_36 : memref<640xf32, #tpu.memory_space<vmem_shared>>) target(%dma_start3A : memref<640xf32, #tpu.memory_space<hbm>>) target_semaphore(%run_scoped3A : memref<!tpu.dma_semaphore, #tpu.memory_space<semaphore_mem>>)
        %dma_wait3A = tpu.memref_slice %arg9[%mul3A_34] : memref<10240xf32, #tpu.memory_space<hbm>> -> memref<640xf32, #tpu.memory_space<hbm>>
        %dma_wait3A_37 = tpu.memref_slice %arg14[%mul3A_32] : memref<10240xf32, #tpu.memory_space<vmem_shared>> -> memref<640xf32, #tpu.memory_space<vmem_shared>>
        tpu.wait_dma2 semaphore(%run_scoped3A : memref<!tpu.dma_semaphore, #tpu.memory_space<semaphore_mem>>) src(%dma_wait3A_37 : memref<640xf32, #tpu.memory_space<vmem_shared>>) dst(%dma_wait3A : memref<640xf32, #tpu.memory_space<hbm>>)
        tpu.yield
      }) : () -> ()
      %barrier3A_35 = arith.constant 0 : index
      tpu.barrier barrier_id(%barrier3A_35)
    } else {
    }
    %eq3A_2 = arith.constant 1 : i32
    %eq3A_3 = arith.cmpi eq, %arg0, %eq3A_2 : i32
    %convert_element_type3A_4 = arith.extui %eq3A_3 : i1 to i32
    %cond3A_5 = arith.constant 0 : i32
    %cond3A_6 = arith.cmpi ne, %convert_element_type3A_4, %cond3A_5 : i32
    scf.if %cond3A_6 {
      %mul3A = arith.constant 640 : i32
      %mul3A_7 = arith.muli %arg1, %mul3A : i32
      "tpu.region"() ({
        %run_scoped3A = tpu.sem_alloc : memref<!tpu.dma_semaphore, #tpu.memory_space<semaphore_mem>>
        %dma_start3A = tpu.memref_slice %arg14[%mul3A_7] : memref<10240xf32, #tpu.memory_space<vmem_shared>> -> memref<640xf32, #tpu.memory_space<vmem_shared>>
        tpu.enqueue_dma source(%arg7 : memref<640xf32, #tpu.memory_space<hbm>>) target(%dma_start3A : memref<640xf32, #tpu.memory_space<vmem_shared>>) target_semaphore(%run_scoped3A : memref<!tpu.dma_semaphore, #tpu.memory_space<semaphore_mem>>)
        %dma_wait3A = tpu.memref_slice %arg14[%mul3A_7] : memref<10240xf32, #tpu.memory_space<vmem_shared>> -> memref<640xf32, #tpu.memory_space<vmem_shared>>
        tpu.wait_dma2 semaphore(%run_scoped3A : memref<!tpu.dma_semaphore, #tpu.memory_space<semaphore_mem>>) src(%arg7 : memref<640xf32, #tpu.memory_space<hbm>>) dst(%dma_wait3A : memref<640xf32, #tpu.memory_space<vmem_shared>>)
        tpu.yield
      }) : () -> ()
      %barrier3A = arith.constant 0 : index
      tpu.barrier barrier_id(%barrier3A)
      %mul3A_8 = arith.constant 40 : i32
      %mul3A_9 = arith.muli %arg1, %mul3A_8 : i32
      "tpu.region"() ({
        %run_scoped3A = tpu.sem_alloc : memref<!tpu.dma_semaphore, #tpu.memory_space<semaphore_mem>>
        %dma_start3A = arith.constant 0 : i32
        %dma_start3A_36 = tpu.memref_slice %arg4[%mul3A_9, %dma_start3A] : memref<640x125xi32, #tpu.memory_space<hbm>> -> memref<40x125xi32, #tpu.memory_space<hbm>>
        %dma_start3A_37 = arith.constant 0 : i32
        %dma_start3A_38 = tpu.memref_slice %arg4[%mul3A_9, %dma_start3A_37] : memref<640x125xi32, #tpu.memory_space<hbm>> -> memref<40x125xi32, #tpu.memory_space<hbm>>
        tpu.enqueue_dma source(%dma_start3A_38 : memref<40x125xi32, #tpu.memory_space<hbm>>) target(%arg12 : memref<40x125xi32, #tpu.memory_space<vmem>>) target_semaphore(%run_scoped3A : memref<!tpu.dma_semaphore, #tpu.memory_space<semaphore_mem>>)
        %dma_wait3A = arith.constant 0 : i32
        %dma_wait3A_39 = tpu.memref_slice %arg4[%mul3A_9, %dma_wait3A] : memref<640x125xi32, #tpu.memory_space<hbm>> -> memref<40x125xi32, #tpu.memory_space<hbm>>
        %dma_wait3A_40 = arith.constant 0 : i32
        %dma_wait3A_41 = tpu.memref_slice %arg4[%mul3A_9, %dma_wait3A_40] : memref<640x125xi32, #tpu.memory_space<hbm>> -> memref<40x125xi32, #tpu.memory_space<hbm>>
        tpu.wait_dma2 semaphore(%run_scoped3A : memref<!tpu.dma_semaphore, #tpu.memory_space<semaphore_mem>>) src(%dma_wait3A_41 : memref<40x125xi32, #tpu.memory_space<hbm>>) dst(%arg12 : memref<40x125xi32, #tpu.memory_space<vmem>>)
        tpu.yield
      }) : () -> ()
      %scan3A = arith.constant 0 : i32
      %scan3A_10 = arith.constant 40 : i32
      %scan3A_11 = arith.addi %scan3A, %scan3A_10 : i32
      %scan3A_12 = arith.constant 1 : i32
      scf.for %scan3A_36 = %scan3A to %scan3A_11 step %scan3A_12  : i32 {
        %mul3A_37 = arith.constant 1 : i32
        %mul3A_38 = arith.muli %scan3A_36, %mul3A_37 : i32
        %add3A = arith.constant 0 : i32
        %add3A_39 = arith.addi %add3A, %mul3A_38 : i32
        "tpu.region"() ({
          %run_scoped3A = tpu.sem_alloc : memref<!tpu.dma_semaphore, #tpu.memory_space<semaphore_mem>>
          %dma_start3A = arith.constant 0 : i32
          %dma_start3A_40 = tpu.memref_slice %arg12[%add3A_39, %dma_start3A] : memref<40x125xi32, #tpu.memory_space<vmem>> -> memref<1x125xi32, #tpu.memory_space<vmem>>
          %dma_start3A_41 = tpu.memref_squeeze %dma_start3A_40 : memref<1x125xi32, #tpu.memory_space<vmem>> -> memref<125xi32, #tpu.memory_space<vmem>>
          %dma_start3A_42 = arith.constant 0 : i32
          %dma_start3A_43 = tpu.memref_slice %arg14[%dma_start3A_42] : memref<10240xf32, #tpu.memory_space<vmem_shared>> -> memref<10240xf32, #tpu.memory_space<vmem_shared>>
          tpu.enqueue_indirect_dma source(%arg13 : memref<125xf32, #tpu.memory_space<vmem>>) target(%dma_start3A_43 : memref<10240xf32, #tpu.memory_space<vmem_shared>>) offsets(%dma_start3A_41 : memref<125xi32, #tpu.memory_space<vmem>>) semaphore(%run_scoped3A : memref<!tpu.dma_semaphore, #tpu.memory_space<semaphore_mem>>) {add = true}
          %dma_wait3A = arith.constant 0 : i32
          %dma_wait3A_44 = tpu.memref_slice %arg12[%add3A_39, %dma_wait3A] : memref<40x125xi32, #tpu.memory_space<vmem>> -> memref<1x125xi32, #tpu.memory_space<vmem>>
          %dma_wait3A_45 = tpu.memref_squeeze %dma_wait3A_44 : memref<1x125xi32, #tpu.memory_space<vmem>> -> memref<125xi32, #tpu.memory_space<vmem>>
          %dma_wait3A_46 = arith.constant 0 : i32
          %dma_wait3A_47 = tpu.memref_slice %arg14[%dma_wait3A_46] : memref<10240xf32, #tpu.memory_space<vmem_shared>> -> memref<10240xf32, #tpu.memory_space<vmem_shared>>
          tpu.wait_indirect_dma semaphore(%run_scoped3A : memref<!tpu.dma_semaphore, #tpu.memory_space<semaphore_mem>>) src(%arg13 : memref<125xf32, #tpu.memory_space<vmem>>) dst(%dma_wait3A_47 : memref<10240xf32, #tpu.memory_space<vmem_shared>>)
          tpu.yield
        }) : () -> ()
      }
      %scan3A_13 = arith.constant 40 : i32
      %barrier3A_14 = arith.constant 0 : index
      tpu.barrier barrier_id(%barrier3A_14)
      %mul3A_15 = arith.constant 640 : i32
      %mul3A_16 = arith.muli %arg1, %mul3A_15 : i32
      %mul3A_17 = arith.constant 640 : i32
      %mul3A_18 = arith.muli %arg1, %mul3A_17 : i32
      "tpu.region"() ({
        %run_scoped3A = tpu.sem_alloc : memref<!tpu.dma_semaphore, #tpu.memory_space<semaphore_mem>>
        %dma_start3A = tpu.memref_slice %arg10[%mul3A_18] : memref<10240xf32, #tpu.memory_space<hbm>> -> memref<640xf32, #tpu.memory_space<hbm>>
        %dma_start3A_36 = tpu.memref_slice %arg14[%mul3A_16] : memref<10240xf32, #tpu.memory_space<vmem_shared>> -> memref<640xf32, #tpu.memory_space<vmem_shared>>
        tpu.enqueue_dma source(%dma_start3A_36 : memref<640xf32, #tpu.memory_space<vmem_shared>>) target(%dma_start3A : memref<640xf32, #tpu.memory_space<hbm>>) target_semaphore(%run_scoped3A : memref<!tpu.dma_semaphore, #tpu.memory_space<semaphore_mem>>)
        %dma_wait3A = tpu.memref_slice %arg10[%mul3A_18] : memref<10240xf32, #tpu.memory_space<hbm>> -> memref<640xf32, #tpu.memory_space<hbm>>
        %dma_wait3A_37 = tpu.memref_slice %arg14[%mul3A_16] : memref<10240xf32, #tpu.memory_space<vmem_shared>> -> memref<640xf32, #tpu.memory_space<vmem_shared>>
        tpu.wait_dma2 semaphore(%run_scoped3A : memref<!tpu.dma_semaphore, #tpu.memory_space<semaphore_mem>>) src(%dma_wait3A_37 : memref<640xf32, #tpu.memory_space<vmem_shared>>) dst(%dma_wait3A : memref<640xf32, #tpu.memory_space<hbm>>)
        tpu.yield
      }) : () -> ()
      %barrier3A_19 = arith.constant 0 : index
      tpu.barrier barrier_id(%barrier3A_19)
      %mul3A_20 = arith.constant 640 : i32
      %mul3A_21 = arith.muli %arg1, %mul3A_20 : i32
      "tpu.region"() ({
        %run_scoped3A = tpu.sem_alloc : memref<!tpu.dma_semaphore, #tpu.memory_space<semaphore_mem>>
        %dma_start3A = tpu.memref_slice %arg14[%mul3A_21] : memref<10240xf32, #tpu.memory_space<vmem_shared>> -> memref<640xf32, #tpu.memory_space<vmem_shared>>
        tpu.enqueue_dma source(%arg7 : memref<640xf32, #tpu.memory_space<hbm>>) target(%dma_start3A : memref<640xf32, #tpu.memory_space<vmem_shared>>) target_semaphore(%run_scoped3A : memref<!tpu.dma_semaphore, #tpu.memory_space<semaphore_mem>>)
        %dma_wait3A = tpu.memref_slice %arg14[%mul3A_21] : memref<10240xf32, #tpu.memory_space<vmem_shared>> -> memref<640xf32, #tpu.memory_space<vmem_shared>>
        tpu.wait_dma2 semaphore(%run_scoped3A : memref<!tpu.dma_semaphore, #tpu.memory_space<semaphore_mem>>) src(%arg7 : memref<640xf32, #tpu.memory_space<hbm>>) dst(%dma_wait3A : memref<640xf32, #tpu.memory_space<vmem_shared>>)
        tpu.yield
      }) : () -> ()
      %barrier3A_22 = arith.constant 0 : index
      tpu.barrier barrier_id(%barrier3A_22)
      %mul3A_23 = arith.constant 40 : i32
      %mul3A_24 = arith.muli %arg1, %mul3A_23 : i32
      "tpu.region"() ({
        %run_scoped3A = tpu.sem_alloc : memref<!tpu.dma_semaphore, #tpu.memory_space<semaphore_mem>>
        %dma_start3A = arith.constant 0 : i32
        %dma_start3A_36 = tpu.memref_slice %arg5[%mul3A_24, %dma_start3A] : memref<640x125xi32, #tpu.memory_space<hbm>> -> memref<40x125xi32, #tpu.memory_space<hbm>>
        %dma_start3A_37 = arith.constant 0 : i32
        %dma_start3A_38 = tpu.memref_slice %arg5[%mul3A_24, %dma_start3A_37] : memref<640x125xi32, #tpu.memory_space<hbm>> -> memref<40x125xi32, #tpu.memory_space<hbm>>
        tpu.enqueue_dma source(%dma_start3A_38 : memref<40x125xi32, #tpu.memory_space<hbm>>) target(%arg12 : memref<40x125xi32, #tpu.memory_space<vmem>>) target_semaphore(%run_scoped3A : memref<!tpu.dma_semaphore, #tpu.memory_space<semaphore_mem>>)
        %dma_wait3A = arith.constant 0 : i32
        %dma_wait3A_39 = tpu.memref_slice %arg5[%mul3A_24, %dma_wait3A] : memref<640x125xi32, #tpu.memory_space<hbm>> -> memref<40x125xi32, #tpu.memory_space<hbm>>
        %dma_wait3A_40 = arith.constant 0 : i32
        %dma_wait3A_41 = tpu.memref_slice %arg5[%mul3A_24, %dma_wait3A_40] : memref<640x125xi32, #tpu.memory_space<hbm>> -> memref<40x125xi32, #tpu.memory_space<hbm>>
        tpu.wait_dma2 semaphore(%run_scoped3A : memref<!tpu.dma_semaphore, #tpu.memory_space<semaphore_mem>>) src(%dma_wait3A_41 : memref<40x125xi32, #tpu.memory_space<hbm>>) dst(%arg12 : memref<40x125xi32, #tpu.memory_space<vmem>>)
        tpu.yield
      }) : () -> ()
      %scan3A_25 = arith.constant 0 : i32
      %scan3A_26 = arith.constant 40 : i32
      %scan3A_27 = arith.addi %scan3A_25, %scan3A_26 : i32
      %scan3A_28 = arith.constant 1 : i32
      scf.for %scan3A_36 = %scan3A_25 to %scan3A_27 step %scan3A_28  : i32 {
        %mul3A_37 = arith.constant 1 : i32
        %mul3A_38 = arith.muli %scan3A_36, %mul3A_37 : i32
        %add3A = arith.constant 0 : i32
        %add3A_39 = arith.addi %add3A, %mul3A_38 : i32
        "tpu.region"() ({
          %run_scoped3A = tpu.sem_alloc : memref<!tpu.dma_semaphore, #tpu.memory_space<semaphore_mem>>
          %dma_start3A = arith.constant 0 : i32
          %dma_start3A_40 = tpu.memref_slice %arg12[%add3A_39, %dma_start3A] : memref<40x125xi32, #tpu.memory_space<vmem>> -> memref<1x125xi32, #tpu.memory_space<vmem>>
          %dma_start3A_41 = tpu.memref_squeeze %dma_start3A_40 : memref<1x125xi32, #tpu.memory_space<vmem>> -> memref<125xi32, #tpu.memory_space<vmem>>
          %dma_start3A_42 = arith.constant 0 : i32
          %dma_start3A_43 = tpu.memref_slice %arg14[%dma_start3A_42] : memref<10240xf32, #tpu.memory_space<vmem_shared>> -> memref<10240xf32, #tpu.memory_space<vmem_shared>>
          tpu.enqueue_indirect_dma source(%arg13 : memref<125xf32, #tpu.memory_space<vmem>>) target(%dma_start3A_43 : memref<10240xf32, #tpu.memory_space<vmem_shared>>) offsets(%dma_start3A_41 : memref<125xi32, #tpu.memory_space<vmem>>) semaphore(%run_scoped3A : memref<!tpu.dma_semaphore, #tpu.memory_space<semaphore_mem>>) {add = true}
          %dma_wait3A = arith.constant 0 : i32
          %dma_wait3A_44 = tpu.memref_slice %arg12[%add3A_39, %dma_wait3A] : memref<40x125xi32, #tpu.memory_space<vmem>> -> memref<1x125xi32, #tpu.memory_space<vmem>>
          %dma_wait3A_45 = tpu.memref_squeeze %dma_wait3A_44 : memref<1x125xi32, #tpu.memory_space<vmem>> -> memref<125xi32, #tpu.memory_space<vmem>>
          %dma_wait3A_46 = arith.constant 0 : i32
          %dma_wait3A_47 = tpu.memref_slice %arg14[%dma_wait3A_46] : memref<10240xf32, #tpu.memory_space<vmem_shared>> -> memref<10240xf32, #tpu.memory_space<vmem_shared>>
          tpu.wait_indirect_dma semaphore(%run_scoped3A : memref<!tpu.dma_semaphore, #tpu.memory_space<semaphore_mem>>) src(%arg13 : memref<125xf32, #tpu.memory_space<vmem>>) dst(%dma_wait3A_47 : memref<10240xf32, #tpu.memory_space<vmem_shared>>)
          tpu.yield
        }) : () -> ()
      }
      %scan3A_29 = arith.constant 40 : i32
      %barrier3A_30 = arith.constant 0 : index
      tpu.barrier barrier_id(%barrier3A_30)
      %mul3A_31 = arith.constant 640 : i32
      %mul3A_32 = arith.muli %arg1, %mul3A_31 : i32
      %mul3A_33 = arith.constant 640 : i32
      %mul3A_34 = arith.muli %arg1, %mul3A_33 : i32
      "tpu.region"() ({
        %run_scoped3A = tpu.sem_alloc : memref<!tpu.dma_semaphore, #tpu.memory_space<semaphore_mem>>
        %dma_start3A = tpu.memref_slice %arg11[%mul3A_34] : memref<10240xf32, #tpu.memory_space<hbm>> -> memref<640xf32, #tpu.memory_space<hbm>>
        %dma_start3A_36 = tpu.memref_slice %arg14[%mul3A_32] : memref<10240xf32, #tpu.memory_space<vmem_shared>> -> memref<640xf32, #tpu.memory_space<vmem_shared>>
        tpu.enqueue_dma source(%dma_start3A_36 : memref<640xf32, #tpu.memory_space<vmem_shared>>) target(%dma_start3A : memref<640xf32, #tpu.memory_space<hbm>>) target_semaphore(%run_scoped3A : memref<!tpu.dma_semaphore, #tpu.memory_space<semaphore_mem>>)
        %dma_wait3A = tpu.memref_slice %arg11[%mul3A_34] : memref<10240xf32, #tpu.memory_space<hbm>> -> memref<640xf32, #tpu.memory_space<hbm>>
        %dma_wait3A_37 = tpu.memref_slice %arg14[%mul3A_32] : memref<10240xf32, #tpu.memory_space<vmem_shared>> -> memref<640xf32, #tpu.memory_space<vmem_shared>>
        tpu.wait_dma2 semaphore(%run_scoped3A : memref<!tpu.dma_semaphore, #tpu.memory_space<semaphore_mem>>) src(%dma_wait3A_37 : memref<640xf32, #tpu.memory_space<vmem_shared>>) dst(%dma_wait3A : memref<640xf32, #tpu.memory_space<hbm>>)
        tpu.yield
      }) : () -> ()
      %barrier3A_35 = arith.constant 0 : index
      tpu.barrier barrier_id(%barrier3A_35)
    } else {
    }
    return
  }
}

#map = affine_map<(d0, d1) -> (0, 0)>
module attributes {stable_mosaic.version = 14 : i64} {
  func.func @_agg_kernel(%arg0: i32, %arg1: i32, %arg2: memref<10240x128xf32, #tpu.memory_space<hbm>>, %arg3: memref<10240x128xf32, #tpu.memory_space<hbm>>, %arg4: memref<10240x128xf32, #tpu.memory_space<hbm>>, %arg5: memref<10240x128xf32, #tpu.memory_space<hbm>>, %arg6: memref<640x125xi32, #tpu.memory_space<hbm>>, %arg7: memref<640x125xi32, #tpu.memory_space<hbm>>, %arg8: memref<640x125xi32, #tpu.memory_space<hbm>>, %arg9: memref<640x125xi32, #tpu.memory_space<hbm>>, %arg10: memref<640x125xi32, #tpu.memory_space<hbm>>, %arg11: memref<640x125xi32, #tpu.memory_space<hbm>>, %arg12: memref<640x125xi32, #tpu.memory_space<hbm>>, %arg13: memref<640x125xi32, #tpu.memory_space<hbm>>, %arg14: memref<10240x128xf32, #tpu.memory_space<hbm>>, %arg15: memref<10240x128xf32, #tpu.memory_space<hbm>>, %arg16: memref<10240x128xf32, #tpu.memory_space<hbm>>, %arg17: memref<10240x128xf32, #tpu.memory_space<hbm>>, %arg18: memref<40x125xi32, #tpu.memory_space<vmem>>, %arg19: memref<40x125xi32, #tpu.memory_space<vmem>>, %arg20: memref<2x125x128xf32, #tpu.memory_space<vmem>>, %arg21: memref<10240x128xf32, #tpu.memory_space<vmem_shared>>, %arg22: memref<!tpu.dma_semaphore, #tpu.memory_space<semaphore_mem>>, %arg23: memref<!tpu.dma_semaphore, #tpu.memory_space<semaphore_mem>>, %arg24: memref<!tpu.dma_semaphore, #tpu.memory_space<semaphore_mem>>, %arg25: memref<!tpu.dma_semaphore, #tpu.memory_space<semaphore_mem>>) attributes {dimension_semantics = [#tpu.dimension_semantics<core_parallel>, #tpu.dimension_semantics<subcore_parallel>], iteration_bounds = array<i64: 2, 16>, scalar_prefetch = 0 : i64, scratch_operands = 8 : i64, tpu.core_type = #tpu.core_type<sc_vector_subcore>, window_params = [{transform_indices = #map}, {transform_indices = #map}, {transform_indices = #map}, {transform_indices = #map}, {transform_indices = #map}, {transform_indices = #map}, {transform_indices = #map}, {transform_indices = #map}, {transform_indices = #map}, {transform_indices = #map}, {transform_indices = #map}, {transform_indices = #map}, {transform_indices = #map}, {transform_indices = #map}, {transform_indices = #map}, {transform_indices = #map}]} {
    %eq3A = arith.constant 0 : i32
    %eq3A_0 = arith.cmpi eq, %arg0, %eq3A : i32
    %convert_element_type3A = arith.extui %eq3A_0 : i1 to i32
    %cond3A = arith.constant 0 : i32
    %cond3A_1 = arith.cmpi ne, %convert_element_type3A, %cond3A : i32
    scf.if %cond3A_1 {
      %mul3A = arith.constant 640 : i32
      %mul3A_7 = arith.muli %arg1, %mul3A : i32
      %mul3A_8 = arith.constant 640 : i32
      %mul3A_9 = arith.muli %arg1, %mul3A_8 : i32
      "tpu.region"() ({
        %run_scoped3A = tpu.sem_alloc : memref<!tpu.dma_semaphore, #tpu.memory_space<semaphore_mem>>
        %dma_start3A_91 = arith.constant 0 : i32
        %dma_start3A_92 = tpu.memref_slice %arg21[%mul3A_9, %dma_start3A_91] : memref<10240x128xf32, #tpu.memory_space<vmem_shared>> -> memref<640x128xf32, #tpu.memory_space<vmem_shared>>
        %dma_start3A_93 = arith.constant 0 : i32
        %dma_start3A_94 = tpu.memref_slice %arg2[%mul3A_7, %dma_start3A_93] : memref<10240x128xf32, #tpu.memory_space<hbm>> -> memref<640x128xf32, #tpu.memory_space<hbm>>
        tpu.enqueue_dma source(%dma_start3A_94 : memref<640x128xf32, #tpu.memory_space<hbm>>) target(%dma_start3A_92 : memref<640x128xf32, #tpu.memory_space<vmem_shared>>) target_semaphore(%run_scoped3A : memref<!tpu.dma_semaphore, #tpu.memory_space<semaphore_mem>>)
        %dma_wait3A = arith.constant 0 : i32
        %dma_wait3A_95 = tpu.memref_slice %arg21[%mul3A_9, %dma_wait3A] : memref<10240x128xf32, #tpu.memory_space<vmem_shared>> -> memref<640x128xf32, #tpu.memory_space<vmem_shared>>
        %dma_wait3A_96 = arith.constant 0 : i32
        %dma_wait3A_97 = tpu.memref_slice %arg2[%mul3A_7, %dma_wait3A_96] : memref<10240x128xf32, #tpu.memory_space<hbm>> -> memref<640x128xf32, #tpu.memory_space<hbm>>
        tpu.wait_dma2 semaphore(%run_scoped3A : memref<!tpu.dma_semaphore, #tpu.memory_space<semaphore_mem>>) src(%dma_wait3A_97 : memref<640x128xf32, #tpu.memory_space<hbm>>) dst(%dma_wait3A_95 : memref<640x128xf32, #tpu.memory_space<vmem_shared>>)
        tpu.yield
      }) : () -> ()
      %barrier3A = arith.constant 0 : index
      tpu.barrier barrier_id(%barrier3A)
      %mul3A_10 = arith.constant 40 : i32
      %mul3A_11 = arith.muli %arg1, %mul3A_10 : i32
      "tpu.region"() ({
        %run_scoped3A = tpu.sem_alloc : memref<!tpu.dma_semaphore, #tpu.memory_space<semaphore_mem>>
        %dma_start3A_91 = arith.constant 0 : i32
        %dma_start3A_92 = tpu.memref_slice %arg6[%mul3A_11, %dma_start3A_91] : memref<640x125xi32, #tpu.memory_space<hbm>> -> memref<40x125xi32, #tpu.memory_space<hbm>>
        %dma_start3A_93 = arith.constant 0 : i32
        %dma_start3A_94 = tpu.memref_slice %arg6[%mul3A_11, %dma_start3A_93] : memref<640x125xi32, #tpu.memory_space<hbm>> -> memref<40x125xi32, #tpu.memory_space<hbm>>
        tpu.enqueue_dma source(%dma_start3A_94 : memref<40x125xi32, #tpu.memory_space<hbm>>) target(%arg18 : memref<40x125xi32, #tpu.memory_space<vmem>>) target_semaphore(%run_scoped3A : memref<!tpu.dma_semaphore, #tpu.memory_space<semaphore_mem>>)
        %dma_wait3A = arith.constant 0 : i32
        %dma_wait3A_95 = tpu.memref_slice %arg6[%mul3A_11, %dma_wait3A] : memref<640x125xi32, #tpu.memory_space<hbm>> -> memref<40x125xi32, #tpu.memory_space<hbm>>
        %dma_wait3A_96 = arith.constant 0 : i32
        %dma_wait3A_97 = tpu.memref_slice %arg6[%mul3A_11, %dma_wait3A_96] : memref<640x125xi32, #tpu.memory_space<hbm>> -> memref<40x125xi32, #tpu.memory_space<hbm>>
        tpu.wait_dma2 semaphore(%run_scoped3A : memref<!tpu.dma_semaphore, #tpu.memory_space<semaphore_mem>>) src(%dma_wait3A_97 : memref<40x125xi32, #tpu.memory_space<hbm>>) dst(%arg18 : memref<40x125xi32, #tpu.memory_space<vmem>>)
        tpu.yield
      }) : () -> ()
      %mul3A_12 = arith.constant 40 : i32
      %mul3A_13 = arith.muli %arg1, %mul3A_12 : i32
      "tpu.region"() ({
        %run_scoped3A = tpu.sem_alloc : memref<!tpu.dma_semaphore, #tpu.memory_space<semaphore_mem>>
        %dma_start3A_91 = arith.constant 0 : i32
        %dma_start3A_92 = tpu.memref_slice %arg10[%mul3A_13, %dma_start3A_91] : memref<640x125xi32, #tpu.memory_space<hbm>> -> memref<40x125xi32, #tpu.memory_space<hbm>>
        %dma_start3A_93 = arith.constant 0 : i32
        %dma_start3A_94 = tpu.memref_slice %arg10[%mul3A_13, %dma_start3A_93] : memref<640x125xi32, #tpu.memory_space<hbm>> -> memref<40x125xi32, #tpu.memory_space<hbm>>
        tpu.enqueue_dma source(%dma_start3A_94 : memref<40x125xi32, #tpu.memory_space<hbm>>) target(%arg19 : memref<40x125xi32, #tpu.memory_space<vmem>>) target_semaphore(%run_scoped3A : memref<!tpu.dma_semaphore, #tpu.memory_space<semaphore_mem>>)
        %dma_wait3A = arith.constant 0 : i32
        %dma_wait3A_95 = tpu.memref_slice %arg10[%mul3A_13, %dma_wait3A] : memref<640x125xi32, #tpu.memory_space<hbm>> -> memref<40x125xi32, #tpu.memory_space<hbm>>
        %dma_wait3A_96 = arith.constant 0 : i32
        %dma_wait3A_97 = tpu.memref_slice %arg10[%mul3A_13, %dma_wait3A_96] : memref<640x125xi32, #tpu.memory_space<hbm>> -> memref<40x125xi32, #tpu.memory_space<hbm>>
        tpu.wait_dma2 semaphore(%run_scoped3A : memref<!tpu.dma_semaphore, #tpu.memory_space<semaphore_mem>>) src(%dma_wait3A_97 : memref<40x125xi32, #tpu.memory_space<hbm>>) dst(%arg19 : memref<40x125xi32, #tpu.memory_space<vmem>>)
        tpu.yield
      }) : () -> ()
      %dma_start3A = arith.constant 0 : i32
      %dma_start3A_14 = arith.constant 0 : i32
      %dma_start3A_15 = arith.constant 0 : i32
      %dma_start3A_16 = arith.constant 0 : i32
      %dma_start3A_17 = tpu.memref_slice %arg20[%dma_start3A_14, %dma_start3A_15, %dma_start3A_16] : memref<2x125x128xf32, #tpu.memory_space<vmem>> -> memref<1x125x128xf32, #tpu.memory_space<vmem>>
      %dma_start3A_18 = tpu.memref_squeeze %dma_start3A_17 : memref<1x125x128xf32, #tpu.memory_space<vmem>> -> memref<125x128xf32, #tpu.memory_space<vmem>>
      %dma_start3A_19 = arith.constant 0 : i32
      %dma_start3A_20 = tpu.memref_slice %arg18[%dma_start3A, %dma_start3A_19] : memref<40x125xi32, #tpu.memory_space<vmem>> -> memref<1x125xi32, #tpu.memory_space<vmem>>
      %dma_start3A_21 = tpu.memref_squeeze %dma_start3A_20 : memref<1x125xi32, #tpu.memory_space<vmem>> -> memref<125xi32, #tpu.memory_space<vmem>>
      %dma_start3A_22 = arith.constant 0 : i32
      %dma_start3A_23 = arith.constant 0 : i32
      %dma_start3A_24 = tpu.memref_slice %arg2[%dma_start3A_22, %dma_start3A_23] : memref<10240x128xf32, #tpu.memory_space<hbm>> -> memref<10240x128xf32, #tpu.memory_space<hbm>>
      tpu.enqueue_indirect_dma source(%dma_start3A_24 : memref<10240x128xf32, #tpu.memory_space<hbm>>) target(%dma_start3A_18 : memref<125x128xf32, #tpu.memory_space<vmem>>) offsets(%dma_start3A_21 : memref<125xi32, #tpu.memory_space<vmem>>) semaphore(%arg22 : memref<!tpu.dma_semaphore, #tpu.memory_space<semaphore_mem>>)
      %dma_start3A_25 = arith.constant 1 : i32
      %dma_start3A_26 = arith.constant 1 : i32
      %dma_start3A_27 = arith.constant 0 : i32
      %dma_start3A_28 = arith.constant 0 : i32
      %dma_start3A_29 = tpu.memref_slice %arg20[%dma_start3A_26, %dma_start3A_27, %dma_start3A_28] : memref<2x125x128xf32, #tpu.memory_space<vmem>> -> memref<1x125x128xf32, #tpu.memory_space<vmem>>
      %dma_start3A_30 = tpu.memref_squeeze %dma_start3A_29 : memref<1x125x128xf32, #tpu.memory_space<vmem>> -> memref<125x128xf32, #tpu.memory_space<vmem>>
      %dma_start3A_31 = arith.constant 0 : i32
      %dma_start3A_32 = tpu.memref_slice %arg18[%dma_start3A_25, %dma_start3A_31] : memref<40x125xi32, #tpu.memory_space<vmem>> -> memref<1x125xi32, #tpu.memory_space<vmem>>
      %dma_start3A_33 = tpu.memref_squeeze %dma_start3A_32 : memref<1x125xi32, #tpu.memory_space<vmem>> -> memref<125xi32, #tpu.memory_space<vmem>>
      %dma_start3A_34 = arith.constant 0 : i32
      %dma_start3A_35 = arith.constant 0 : i32
      %dma_start3A_36 = tpu.memref_slice %arg2[%dma_start3A_34, %dma_start3A_35] : memref<10240x128xf32, #tpu.memory_space<hbm>> -> memref<10240x128xf32, #tpu.memory_space<hbm>>
      tpu.enqueue_indirect_dma source(%dma_start3A_36 : memref<10240x128xf32, #tpu.memory_space<hbm>>) target(%dma_start3A_30 : memref<125x128xf32, #tpu.memory_space<vmem>>) offsets(%dma_start3A_33 : memref<125xi32, #tpu.memory_space<vmem>>) semaphore(%arg23 : memref<!tpu.dma_semaphore, #tpu.memory_space<semaphore_mem>>)
      %scan3A = arith.constant 0 : i32
      %scan3A_37 = arith.constant 20 : i32
      %scan3A_38 = arith.addi %scan3A, %scan3A_37 : i32
      %scan3A_39 = arith.constant 1 : i32
      scf.for %scan3A_91 = %scan3A to %scan3A_38 step %scan3A_39  : i32 {
        %mul3A_92 = arith.constant 2 : i32
        %mul3A_93 = arith.muli %scan3A_91, %mul3A_92 : i32
        %add3A = arith.constant 0 : i32
        %add3A_94 = arith.addi %add3A, %mul3A_93 : i32
        %add3A_95 = arith.constant 0 : i32
        %add3A_96 = arith.addi %add3A_94, %add3A_95 : i32
        %dma_wait3A = arith.constant 0 : i32
        %dma_wait3A_97 = arith.constant 0 : i32
        %dma_wait3A_98 = arith.constant 0 : i32
        %dma_wait3A_99 = tpu.memref_slice %arg20[%dma_wait3A, %dma_wait3A_97, %dma_wait3A_98] : memref<2x125x128xf32, #tpu.memory_space<vmem>> -> memref<1x125x128xf32, #tpu.memory_space<vmem>>
        %dma_wait3A_100 = tpu.memref_squeeze %dma_wait3A_99 : memref<1x125x128xf32, #tpu.memory_space<vmem>> -> memref<125x128xf32, #tpu.memory_space<vmem>>
        %dma_wait3A_101 = arith.constant 0 : i32
        %dma_wait3A_102 = tpu.memref_slice %arg18[%add3A_96, %dma_wait3A_101] : memref<40x125xi32, #tpu.memory_space<vmem>> -> memref<1x125xi32, #tpu.memory_space<vmem>>
        %dma_wait3A_103 = tpu.memref_squeeze %dma_wait3A_102 : memref<1x125xi32, #tpu.memory_space<vmem>> -> memref<125xi32, #tpu.memory_space<vmem>>
        %dma_wait3A_104 = arith.constant 0 : i32
        %dma_wait3A_105 = arith.constant 0 : i32
        %dma_wait3A_106 = tpu.memref_slice %arg2[%dma_wait3A_104, %dma_wait3A_105] : memref<10240x128xf32, #tpu.memory_space<hbm>> -> memref<10240x128xf32, #tpu.memory_space<hbm>>
        tpu.wait_indirect_dma semaphore(%arg22 : memref<!tpu.dma_semaphore, #tpu.memory_space<semaphore_mem>>) src(%dma_wait3A_106 : memref<10240x128xf32, #tpu.memory_space<hbm>>) dst(%dma_wait3A_100 : memref<125x128xf32, #tpu.memory_space<vmem>>)
        %run_scoped3A = arith.constant 0 : i32
        "tpu.region"() ({
          %run_scoped3A_134 = tpu.sem_alloc : memref<!tpu.dma_semaphore, #tpu.memory_space<semaphore_mem>>
          %dma_start3A_135 = arith.constant 0 : i32
          %dma_start3A_136 = arith.constant 0 : i32
          %dma_start3A_137 = tpu.memref_slice %arg20[%run_scoped3A, %dma_start3A_135, %dma_start3A_136] : memref<2x125x128xf32, #tpu.memory_space<vmem>> -> memref<1x125x128xf32, #tpu.memory_space<vmem>>
          %dma_start3A_138 = tpu.memref_squeeze %dma_start3A_137 : memref<1x125x128xf32, #tpu.memory_space<vmem>> -> memref<125x128xf32, #tpu.memory_space<vmem>>
          %dma_start3A_139 = arith.constant 0 : i32
          %dma_start3A_140 = tpu.memref_slice %arg19[%add3A_96, %dma_start3A_139] : memref<40x125xi32, #tpu.memory_space<vmem>> -> memref<1x125xi32, #tpu.memory_space<vmem>>
          %dma_start3A_141 = tpu.memref_squeeze %dma_start3A_140 : memref<1x125xi32, #tpu.memory_space<vmem>> -> memref<125xi32, #tpu.memory_space<vmem>>
          %dma_start3A_142 = arith.constant 0 : i32
          %dma_start3A_143 = arith.constant 0 : i32
          %dma_start3A_144 = tpu.memref_slice %arg21[%dma_start3A_142, %dma_start3A_143] : memref<10240x128xf32, #tpu.memory_space<vmem_shared>> -> memref<10240x128xf32, #tpu.memory_space<vmem_shared>>
          tpu.enqueue_indirect_dma source(%dma_start3A_138 : memref<125x128xf32, #tpu.memory_space<vmem>>) target(%dma_start3A_144 : memref<10240x128xf32, #tpu.memory_space<vmem_shared>>) offsets(%dma_start3A_141 : memref<125xi32, #tpu.memory_space<vmem>>) semaphore(%run_scoped3A_134 : memref<!tpu.dma_semaphore, #tpu.memory_space<semaphore_mem>>) {add = true}
          %dma_wait3A_145 = arith.constant 0 : i32
          %dma_wait3A_146 = arith.constant 0 : i32
          %dma_wait3A_147 = tpu.memref_slice %arg20[%run_scoped3A, %dma_wait3A_145, %dma_wait3A_146] : memref<2x125x128xf32, #tpu.memory_space<vmem>> -> memref<1x125x128xf32, #tpu.memory_space<vmem>>
          %dma_wait3A_148 = tpu.memref_squeeze %dma_wait3A_147 : memref<1x125x128xf32, #tpu.memory_space<vmem>> -> memref<125x128xf32, #tpu.memory_space<vmem>>
          %dma_wait3A_149 = arith.constant 0 : i32
          %dma_wait3A_150 = tpu.memref_slice %arg19[%add3A_96, %dma_wait3A_149] : memref<40x125xi32, #tpu.memory_space<vmem>> -> memref<1x125xi32, #tpu.memory_space<vmem>>
          %dma_wait3A_151 = tpu.memref_squeeze %dma_wait3A_150 : memref<1x125xi32, #tpu.memory_space<vmem>> -> memref<125xi32, #tpu.memory_space<vmem>>
          %dma_wait3A_152 = arith.constant 0 : i32
          %dma_wait3A_153 = arith.constant 0 : i32
          %dma_wait3A_154 = tpu.memref_slice %arg21[%dma_wait3A_152, %dma_wait3A_153] : memref<10240x128xf32, #tpu.memory_space<vmem_shared>> -> memref<10240x128xf32, #tpu.memory_space<vmem_shared>>
          tpu.wait_indirect_dma semaphore(%run_scoped3A_134 : memref<!tpu.dma_semaphore, #tpu.memory_space<semaphore_mem>>) src(%dma_wait3A_148 : memref<125x128xf32, #tpu.memory_space<vmem>>) dst(%dma_wait3A_154 : memref<10240x128xf32, #tpu.memory_space<vmem_shared>>)
          tpu.yield
        }) : () -> ()
        %add3A_107 = arith.constant 2 : i32
        %add3A_108 = arith.addi %add3A_96, %add3A_107 : i32
        %lt3A = arith.constant 40 : i32
        %lt3A_109 = arith.cmpi slt, %add3A_108, %lt3A : i32
        %convert_element_type3A_110 = arith.extui %lt3A_109 : i1 to i32
        %cond3A_111 = arith.constant 0 : i32
        %cond3A_112 = arith.cmpi ne, %convert_element_type3A_110, %cond3A_111 : i32
        scf.if %cond3A_112 {
          %add3A_134 = arith.constant 2 : i32
          %add3A_135 = arith.addi %add3A_96, %add3A_134 : i32
          %dma_start3A_136 = arith.constant 0 : i32
          %dma_start3A_137 = arith.constant 0 : i32
          %dma_start3A_138 = arith.constant 0 : i32
          %dma_start3A_139 = tpu.memref_slice %arg20[%dma_start3A_136, %dma_start3A_137, %dma_start3A_138] : memref<2x125x128xf32, #tpu.memory_space<vmem>> -> memref<1x125x128xf32, #tpu.memory_space<vmem>>
          %dma_start3A_140 = tpu.memref_squeeze %dma_start3A_139 : memref<1x125x128xf32, #tpu.memory_space<vmem>> -> memref<125x128xf32, #tpu.memory_space<vmem>>
          %dma_start3A_141 = arith.constant 0 : i32
          %dma_start3A_142 = tpu.memref_slice %arg18[%add3A_135, %dma_start3A_141] : memref<40x125xi32, #tpu.memory_space<vmem>> -> memref<1x125xi32, #tpu.memory_space<vmem>>
          %dma_start3A_143 = tpu.memref_squeeze %dma_start3A_142 : memref<1x125xi32, #tpu.memory_space<vmem>> -> memref<125xi32, #tpu.memory_space<vmem>>
          %dma_start3A_144 = arith.constant 0 : i32
          %dma_start3A_145 = arith.constant 0 : i32
          %dma_start3A_146 = tpu.memref_slice %arg2[%dma_start3A_144, %dma_start3A_145] : memref<10240x128xf32, #tpu.memory_space<hbm>> -> memref<10240x128xf32, #tpu.memory_space<hbm>>
          tpu.enqueue_indirect_dma source(%dma_start3A_146 : memref<10240x128xf32, #tpu.memory_space<hbm>>) target(%dma_start3A_140 : memref<125x128xf32, #tpu.memory_space<vmem>>) offsets(%dma_start3A_143 : memref<125xi32, #tpu.memory_space<vmem>>) semaphore(%arg22 : memref<!tpu.dma_semaphore, #tpu.memory_space<semaphore_mem>>)
        } else {
        }
        %add3A_113 = arith.constant 1 : i32
        %add3A_114 = arith.addi %add3A_94, %add3A_113 : i32
        %dma_wait3A_115 = arith.constant 1 : i32
        %dma_wait3A_116 = arith.constant 0 : i32
        %dma_wait3A_117 = arith.constant 0 : i32
        %dma_wait3A_118 = tpu.memref_slice %arg20[%dma_wait3A_115, %dma_wait3A_116, %dma_wait3A_117] : memref<2x125x128xf32, #tpu.memory_space<vmem>> -> memref<1x125x128xf32, #tpu.memory_space<vmem>>
        %dma_wait3A_119 = tpu.memref_squeeze %dma_wait3A_118 : memref<1x125x128xf32, #tpu.memory_space<vmem>> -> memref<125x128xf32, #tpu.memory_space<vmem>>
        %dma_wait3A_120 = arith.constant 0 : i32
        %dma_wait3A_121 = tpu.memref_slice %arg18[%add3A_114, %dma_wait3A_120] : memref<40x125xi32, #tpu.memory_space<vmem>> -> memref<1x125xi32, #tpu.memory_space<vmem>>
        %dma_wait3A_122 = tpu.memref_squeeze %dma_wait3A_121 : memref<1x125xi32, #tpu.memory_space<vmem>> -> memref<125xi32, #tpu.memory_space<vmem>>
        %dma_wait3A_123 = arith.constant 0 : i32
        %dma_wait3A_124 = arith.constant 0 : i32
        %dma_wait3A_125 = tpu.memref_slice %arg2[%dma_wait3A_123, %dma_wait3A_124] : memref<10240x128xf32, #tpu.memory_space<hbm>> -> memref<10240x128xf32, #tpu.memory_space<hbm>>
        tpu.wait_indirect_dma semaphore(%arg23 : memref<!tpu.dma_semaphore, #tpu.memory_space<semaphore_mem>>) src(%dma_wait3A_125 : memref<10240x128xf32, #tpu.memory_space<hbm>>) dst(%dma_wait3A_119 : memref<125x128xf32, #tpu.memory_space<vmem>>)
        %run_scoped3A_126 = arith.constant 1 : i32
        "tpu.region"() ({
          %run_scoped3A_134 = tpu.sem_alloc : memref<!tpu.dma_semaphore, #tpu.memory_space<semaphore_mem>>
          %dma_start3A_135 = arith.constant 0 : i32
          %dma_start3A_136 = arith.constant 0 : i32
          %dma_start3A_137 = tpu.memref_slice %arg20[%run_scoped3A_126, %dma_start3A_135, %dma_start3A_136] : memref<2x125x128xf32, #tpu.memory_space<vmem>> -> memref<1x125x128xf32, #tpu.memory_space<vmem>>
          %dma_start3A_138 = tpu.memref_squeeze %dma_start3A_137 : memref<1x125x128xf32, #tpu.memory_space<vmem>> -> memref<125x128xf32, #tpu.memory_space<vmem>>
          %dma_start3A_139 = arith.constant 0 : i32
          %dma_start3A_140 = tpu.memref_slice %arg19[%add3A_114, %dma_start3A_139] : memref<40x125xi32, #tpu.memory_space<vmem>> -> memref<1x125xi32, #tpu.memory_space<vmem>>
          %dma_start3A_141 = tpu.memref_squeeze %dma_start3A_140 : memref<1x125xi32, #tpu.memory_space<vmem>> -> memref<125xi32, #tpu.memory_space<vmem>>
          %dma_start3A_142 = arith.constant 0 : i32
          %dma_start3A_143 = arith.constant 0 : i32
          %dma_start3A_144 = tpu.memref_slice %arg21[%dma_start3A_142, %dma_start3A_143] : memref<10240x128xf32, #tpu.memory_space<vmem_shared>> -> memref<10240x128xf32, #tpu.memory_space<vmem_shared>>
          tpu.enqueue_indirect_dma source(%dma_start3A_138 : memref<125x128xf32, #tpu.memory_space<vmem>>) target(%dma_start3A_144 : memref<10240x128xf32, #tpu.memory_space<vmem_shared>>) offsets(%dma_start3A_141 : memref<125xi32, #tpu.memory_space<vmem>>) semaphore(%run_scoped3A_134 : memref<!tpu.dma_semaphore, #tpu.memory_space<semaphore_mem>>) {add = true}
          %dma_wait3A_145 = arith.constant 0 : i32
          %dma_wait3A_146 = arith.constant 0 : i32
          %dma_wait3A_147 = tpu.memref_slice %arg20[%run_scoped3A_126, %dma_wait3A_145, %dma_wait3A_146] : memref<2x125x128xf32, #tpu.memory_space<vmem>> -> memref<1x125x128xf32, #tpu.memory_space<vmem>>
          %dma_wait3A_148 = tpu.memref_squeeze %dma_wait3A_147 : memref<1x125x128xf32, #tpu.memory_space<vmem>> -> memref<125x128xf32, #tpu.memory_space<vmem>>
          %dma_wait3A_149 = arith.constant 0 : i32
          %dma_wait3A_150 = tpu.memref_slice %arg19[%add3A_114, %dma_wait3A_149] : memref<40x125xi32, #tpu.memory_space<vmem>> -> memref<1x125xi32, #tpu.memory_space<vmem>>
          %dma_wait3A_151 = tpu.memref_squeeze %dma_wait3A_150 : memref<1x125xi32, #tpu.memory_space<vmem>> -> memref<125xi32, #tpu.memory_space<vmem>>
          %dma_wait3A_152 = arith.constant 0 : i32
          %dma_wait3A_153 = arith.constant 0 : i32
          %dma_wait3A_154 = tpu.memref_slice %arg21[%dma_wait3A_152, %dma_wait3A_153] : memref<10240x128xf32, #tpu.memory_space<vmem_shared>> -> memref<10240x128xf32, #tpu.memory_space<vmem_shared>>
          tpu.wait_indirect_dma semaphore(%run_scoped3A_134 : memref<!tpu.dma_semaphore, #tpu.memory_space<semaphore_mem>>) src(%dma_wait3A_148 : memref<125x128xf32, #tpu.memory_space<vmem>>) dst(%dma_wait3A_154 : memref<10240x128xf32, #tpu.memory_space<vmem_shared>>)
          tpu.yield
        }) : () -> ()
        %add3A_127 = arith.constant 2 : i32
        %add3A_128 = arith.addi %add3A_114, %add3A_127 : i32
        %lt3A_129 = arith.constant 40 : i32
        %lt3A_130 = arith.cmpi slt, %add3A_128, %lt3A_129 : i32
        %convert_element_type3A_131 = arith.extui %lt3A_130 : i1 to i32
        %cond3A_132 = arith.constant 0 : i32
        %cond3A_133 = arith.cmpi ne, %convert_element_type3A_131, %cond3A_132 : i32
        scf.if %cond3A_133 {
          %add3A_134 = arith.constant 2 : i32
          %add3A_135 = arith.addi %add3A_114, %add3A_134 : i32
          %dma_start3A_136 = arith.constant 1 : i32
          %dma_start3A_137 = arith.constant 0 : i32
          %dma_start3A_138 = arith.constant 0 : i32
          %dma_start3A_139 = tpu.memref_slice %arg20[%dma_start3A_136, %dma_start3A_137, %dma_start3A_138] : memref<2x125x128xf32, #tpu.memory_space<vmem>> -> memref<1x125x128xf32, #tpu.memory_space<vmem>>
          %dma_start3A_140 = tpu.memref_squeeze %dma_start3A_139 : memref<1x125x128xf32, #tpu.memory_space<vmem>> -> memref<125x128xf32, #tpu.memory_space<vmem>>
          %dma_start3A_141 = arith.constant 0 : i32
          %dma_start3A_142 = tpu.memref_slice %arg18[%add3A_135, %dma_start3A_141] : memref<40x125xi32, #tpu.memory_space<vmem>> -> memref<1x125xi32, #tpu.memory_space<vmem>>
          %dma_start3A_143 = tpu.memref_squeeze %dma_start3A_142 : memref<1x125xi32, #tpu.memory_space<vmem>> -> memref<125xi32, #tpu.memory_space<vmem>>
          %dma_start3A_144 = arith.constant 0 : i32
          %dma_start3A_145 = arith.constant 0 : i32
          %dma_start3A_146 = tpu.memref_slice %arg2[%dma_start3A_144, %dma_start3A_145] : memref<10240x128xf32, #tpu.memory_space<hbm>> -> memref<10240x128xf32, #tpu.memory_space<hbm>>
          tpu.enqueue_indirect_dma source(%dma_start3A_146 : memref<10240x128xf32, #tpu.memory_space<hbm>>) target(%dma_start3A_140 : memref<125x128xf32, #tpu.memory_space<vmem>>) offsets(%dma_start3A_143 : memref<125xi32, #tpu.memory_space<vmem>>) semaphore(%arg23 : memref<!tpu.dma_semaphore, #tpu.memory_space<semaphore_mem>>)
        } else {
        }
      }
      %scan3A_40 = arith.constant 20 : i32
      %barrier3A_41 = arith.constant 0 : index
      tpu.barrier barrier_id(%barrier3A_41)
      %mul3A_42 = arith.constant 640 : i32
      %mul3A_43 = arith.muli %arg1, %mul3A_42 : i32
      %mul3A_44 = arith.constant 640 : i32
      %mul3A_45 = arith.muli %arg1, %mul3A_44 : i32
      "tpu.region"() ({
        %run_scoped3A = tpu.sem_alloc : memref<!tpu.dma_semaphore, #tpu.memory_space<semaphore_mem>>
        %dma_start3A_91 = arith.constant 0 : i32
        %dma_start3A_92 = tpu.memref_slice %arg14[%mul3A_45, %dma_start3A_91] : memref<10240x128xf32, #tpu.memory_space<hbm>> -> memref<640x128xf32, #tpu.memory_space<hbm>>
        %dma_start3A_93 = arith.constant 0 : i32
        %dma_start3A_94 = tpu.memref_slice %arg21[%mul3A_43, %dma_start3A_93] : memref<10240x128xf32, #tpu.memory_space<vmem_shared>> -> memref<640x128xf32, #tpu.memory_space<vmem_shared>>
        tpu.enqueue_dma source(%dma_start3A_94 : memref<640x128xf32, #tpu.memory_space<vmem_shared>>) target(%dma_start3A_92 : memref<640x128xf32, #tpu.memory_space<hbm>>) target_semaphore(%run_scoped3A : memref<!tpu.dma_semaphore, #tpu.memory_space<semaphore_mem>>)
        %dma_wait3A = arith.constant 0 : i32
        %dma_wait3A_95 = tpu.memref_slice %arg14[%mul3A_45, %dma_wait3A] : memref<10240x128xf32, #tpu.memory_space<hbm>> -> memref<640x128xf32, #tpu.memory_space<hbm>>
        %dma_wait3A_96 = arith.constant 0 : i32
        %dma_wait3A_97 = tpu.memref_slice %arg21[%mul3A_43, %dma_wait3A_96] : memref<10240x128xf32, #tpu.memory_space<vmem_shared>> -> memref<640x128xf32, #tpu.memory_space<vmem_shared>>
        tpu.wait_dma2 semaphore(%run_scoped3A : memref<!tpu.dma_semaphore, #tpu.memory_space<semaphore_mem>>) src(%dma_wait3A_97 : memref<640x128xf32, #tpu.memory_space<vmem_shared>>) dst(%dma_wait3A_95 : memref<640x128xf32, #tpu.memory_space<hbm>>)
        tpu.yield
      }) : () -> ()
      %barrier3A_46 = arith.constant 0 : index
      tpu.barrier barrier_id(%barrier3A_46)
      %mul3A_47 = arith.constant 640 : i32
      %mul3A_48 = arith.muli %arg1, %mul3A_47 : i32
      %mul3A_49 = arith.constant 640 : i32
      %mul3A_50 = arith.muli %arg1, %mul3A_49 : i32
      "tpu.region"() ({
        %run_scoped3A = tpu.sem_alloc : memref<!tpu.dma_semaphore, #tpu.memory_space<semaphore_mem>>
        %dma_start3A_91 = arith.constant 0 : i32
        %dma_start3A_92 = tpu.memref_slice %arg21[%mul3A_50, %dma_start3A_91] : memref<10240x128xf32, #tpu.memory_space<vmem_shared>> -> memref<640x128xf32, #tpu.memory_space<vmem_shared>>
        %dma_start3A_93 = arith.constant 0 : i32
        %dma_start3A_94 = tpu.memref_slice %arg3[%mul3A_48, %dma_start3A_93] : memref<10240x128xf32, #tpu.memory_space<hbm>> -> memref<640x128xf32, #tpu.memory_space<hbm>>
        tpu.enqueue_dma source(%dma_start3A_94 : memref<640x128xf32, #tpu.memory_space<hbm>>) target(%dma_start3A_92 : memref<640x128xf32, #tpu.memory_space<vmem_shared>>) target_semaphore(%run_scoped3A : memref<!tpu.dma_semaphore, #tpu.memory_space<semaphore_mem>>)
        %dma_wait3A = arith.constant 0 : i32
        %dma_wait3A_95 = tpu.memref_slice %arg21[%mul3A_50, %dma_wait3A] : memref<10240x128xf32, #tpu.memory_space<vmem_shared>> -> memref<640x128xf32, #tpu.memory_space<vmem_shared>>
        %dma_wait3A_96 = arith.constant 0 : i32
        %dma_wait3A_97 = tpu.memref_slice %arg3[%mul3A_48, %dma_wait3A_96] : memref<10240x128xf32, #tpu.memory_space<hbm>> -> memref<640x128xf32, #tpu.memory_space<hbm>>
        tpu.wait_dma2 semaphore(%run_scoped3A : memref<!tpu.dma_semaphore, #tpu.memory_space<semaphore_mem>>) src(%dma_wait3A_97 : memref<640x128xf32, #tpu.memory_space<hbm>>) dst(%dma_wait3A_95 : memref<640x128xf32, #tpu.memory_space<vmem_shared>>)
        tpu.yield
      }) : () -> ()
      %barrier3A_51 = arith.constant 0 : index
      tpu.barrier barrier_id(%barrier3A_51)
      %mul3A_52 = arith.constant 40 : i32
      %mul3A_53 = arith.muli %arg1, %mul3A_52 : i32
      "tpu.region"() ({
        %run_scoped3A = tpu.sem_alloc : memref<!tpu.dma_semaphore, #tpu.memory_space<semaphore_mem>>
        %dma_start3A_91 = arith.constant 0 : i32
        %dma_start3A_92 = tpu.memref_slice %arg7[%mul3A_53, %dma_start3A_91] : memref<640x125xi32, #tpu.memory_space<hbm>> -> memref<40x125xi32, #tpu.memory_space<hbm>>
        %dma_start3A_93 = arith.constant 0 : i32
        %dma_start3A_94 = tpu.memref_slice %arg7[%mul3A_53, %dma_start3A_93] : memref<640x125xi32, #tpu.memory_space<hbm>> -> memref<40x125xi32, #tpu.memory_space<hbm>>
        tpu.enqueue_dma source(%dma_start3A_94 : memref<40x125xi32, #tpu.memory_space<hbm>>) target(%arg18 : memref<40x125xi32, #tpu.memory_space<vmem>>) target_semaphore(%run_scoped3A : memref<!tpu.dma_semaphore, #tpu.memory_space<semaphore_mem>>)
        %dma_wait3A = arith.constant 0 : i32
        %dma_wait3A_95 = tpu.memref_slice %arg7[%mul3A_53, %dma_wait3A] : memref<640x125xi32, #tpu.memory_space<hbm>> -> memref<40x125xi32, #tpu.memory_space<hbm>>
        %dma_wait3A_96 = arith.constant 0 : i32
        %dma_wait3A_97 = tpu.memref_slice %arg7[%mul3A_53, %dma_wait3A_96] : memref<640x125xi32, #tpu.memory_space<hbm>> -> memref<40x125xi32, #tpu.memory_space<hbm>>
        tpu.wait_dma2 semaphore(%run_scoped3A : memref<!tpu.dma_semaphore, #tpu.memory_space<semaphore_mem>>) src(%dma_wait3A_97 : memref<40x125xi32, #tpu.memory_space<hbm>>) dst(%arg18 : memref<40x125xi32, #tpu.memory_space<vmem>>)
        tpu.yield
      }) : () -> ()
      %mul3A_54 = arith.constant 40 : i32
      %mul3A_55 = arith.muli %arg1, %mul3A_54 : i32
      "tpu.region"() ({
        %run_scoped3A = tpu.sem_alloc : memref<!tpu.dma_semaphore, #tpu.memory_space<semaphore_mem>>
        %dma_start3A_91 = arith.constant 0 : i32
        %dma_start3A_92 = tpu.memref_slice %arg11[%mul3A_55, %dma_start3A_91] : memref<640x125xi32, #tpu.memory_space<hbm>> -> memref<40x125xi32, #tpu.memory_space<hbm>>
        %dma_start3A_93 = arith.constant 0 : i32
        %dma_start3A_94 = tpu.memref_slice %arg11[%mul3A_55, %dma_start3A_93] : memref<640x125xi32, #tpu.memory_space<hbm>> -> memref<40x125xi32, #tpu.memory_space<hbm>>
        tpu.enqueue_dma source(%dma_start3A_94 : memref<40x125xi32, #tpu.memory_space<hbm>>) target(%arg19 : memref<40x125xi32, #tpu.memory_space<vmem>>) target_semaphore(%run_scoped3A : memref<!tpu.dma_semaphore, #tpu.memory_space<semaphore_mem>>)
        %dma_wait3A = arith.constant 0 : i32
        %dma_wait3A_95 = tpu.memref_slice %arg11[%mul3A_55, %dma_wait3A] : memref<640x125xi32, #tpu.memory_space<hbm>> -> memref<40x125xi32, #tpu.memory_space<hbm>>
        %dma_wait3A_96 = arith.constant 0 : i32
        %dma_wait3A_97 = tpu.memref_slice %arg11[%mul3A_55, %dma_wait3A_96] : memref<640x125xi32, #tpu.memory_space<hbm>> -> memref<40x125xi32, #tpu.memory_space<hbm>>
        tpu.wait_dma2 semaphore(%run_scoped3A : memref<!tpu.dma_semaphore, #tpu.memory_space<semaphore_mem>>) src(%dma_wait3A_97 : memref<40x125xi32, #tpu.memory_space<hbm>>) dst(%arg19 : memref<40x125xi32, #tpu.memory_space<vmem>>)
        tpu.yield
      }) : () -> ()
      %dma_start3A_56 = arith.constant 0 : i32
      %dma_start3A_57 = arith.constant 0 : i32
      %dma_start3A_58 = arith.constant 0 : i32
      %dma_start3A_59 = arith.constant 0 : i32
      %dma_start3A_60 = tpu.memref_slice %arg20[%dma_start3A_57, %dma_start3A_58, %dma_start3A_59] : memref<2x125x128xf32, #tpu.memory_space<vmem>> -> memref<1x125x128xf32, #tpu.memory_space<vmem>>
      %dma_start3A_61 = tpu.memref_squeeze %dma_start3A_60 : memref<1x125x128xf32, #tpu.memory_space<vmem>> -> memref<125x128xf32, #tpu.memory_space<vmem>>
      %dma_start3A_62 = arith.constant 0 : i32
      %dma_start3A_63 = tpu.memref_slice %arg18[%dma_start3A_56, %dma_start3A_62] : memref<40x125xi32, #tpu.memory_space<vmem>> -> memref<1x125xi32, #tpu.memory_space<vmem>>
      %dma_start3A_64 = tpu.memref_squeeze %dma_start3A_63 : memref<1x125xi32, #tpu.memory_space<vmem>> -> memref<125xi32, #tpu.memory_space<vmem>>
      %dma_start3A_65 = arith.constant 0 : i32
      %dma_start3A_66 = arith.constant 0 : i32
      %dma_start3A_67 = tpu.memref_slice %arg3[%dma_start3A_65, %dma_start3A_66] : memref<10240x128xf32, #tpu.memory_space<hbm>> -> memref<10240x128xf32, #tpu.memory_space<hbm>>
      tpu.enqueue_indirect_dma source(%dma_start3A_67 : memref<10240x128xf32, #tpu.memory_space<hbm>>) target(%dma_start3A_61 : memref<125x128xf32, #tpu.memory_space<vmem>>) offsets(%dma_start3A_64 : memref<125xi32, #tpu.memory_space<vmem>>) semaphore(%arg22 : memref<!tpu.dma_semaphore, #tpu.memory_space<semaphore_mem>>)
      %dma_start3A_68 = arith.constant 1 : i32
      %dma_start3A_69 = arith.constant 1 : i32
      %dma_start3A_70 = arith.constant 0 : i32
      %dma_start3A_71 = arith.constant 0 : i32
      %dma_start3A_72 = tpu.memref_slice %arg20[%dma_start3A_69, %dma_start3A_70, %dma_start3A_71] : memref<2x125x128xf32, #tpu.memory_space<vmem>> -> memref<1x125x128xf32, #tpu.memory_space<vmem>>
      %dma_start3A_73 = tpu.memref_squeeze %dma_start3A_72 : memref<1x125x128xf32, #tpu.memory_space<vmem>> -> memref<125x128xf32, #tpu.memory_space<vmem>>
      %dma_start3A_74 = arith.constant 0 : i32
      %dma_start3A_75 = tpu.memref_slice %arg18[%dma_start3A_68, %dma_start3A_74] : memref<40x125xi32, #tpu.memory_space<vmem>> -> memref<1x125xi32, #tpu.memory_space<vmem>>
      %dma_start3A_76 = tpu.memref_squeeze %dma_start3A_75 : memref<1x125xi32, #tpu.memory_space<vmem>> -> memref<125xi32, #tpu.memory_space<vmem>>
      %dma_start3A_77 = arith.constant 0 : i32
      %dma_start3A_78 = arith.constant 0 : i32
      %dma_start3A_79 = tpu.memref_slice %arg3[%dma_start3A_77, %dma_start3A_78] : memref<10240x128xf32, #tpu.memory_space<hbm>> -> memref<10240x128xf32, #tpu.memory_space<hbm>>
      tpu.enqueue_indirect_dma source(%dma_start3A_79 : memref<10240x128xf32, #tpu.memory_space<hbm>>) target(%dma_start3A_73 : memref<125x128xf32, #tpu.memory_space<vmem>>) offsets(%dma_start3A_76 : memref<125xi32, #tpu.memory_space<vmem>>) semaphore(%arg23 : memref<!tpu.dma_semaphore, #tpu.memory_space<semaphore_mem>>)
      %scan3A_80 = arith.constant 0 : i32
      %scan3A_81 = arith.constant 20 : i32
      %scan3A_82 = arith.addi %scan3A_80, %scan3A_81 : i32
      %scan3A_83 = arith.constant 1 : i32
      scf.for %scan3A_91 = %scan3A_80 to %scan3A_82 step %scan3A_83  : i32 {
        %mul3A_92 = arith.constant 2 : i32
        %mul3A_93 = arith.muli %scan3A_91, %mul3A_92 : i32
        %add3A = arith.constant 0 : i32
        %add3A_94 = arith.addi %add3A, %mul3A_93 : i32
        %add3A_95 = arith.constant 0 : i32
        %add3A_96 = arith.addi %add3A_94, %add3A_95 : i32
        %dma_wait3A = arith.constant 0 : i32
        %dma_wait3A_97 = arith.constant 0 : i32
        %dma_wait3A_98 = arith.constant 0 : i32
        %dma_wait3A_99 = tpu.memref_slice %arg20[%dma_wait3A, %dma_wait3A_97, %dma_wait3A_98] : memref<2x125x128xf32, #tpu.memory_space<vmem>> -> memref<1x125x128xf32, #tpu.memory_space<vmem>>
        %dma_wait3A_100 = tpu.memref_squeeze %dma_wait3A_99 : memref<1x125x128xf32, #tpu.memory_space<vmem>> -> memref<125x128xf32, #tpu.memory_space<vmem>>
        %dma_wait3A_101 = arith.constant 0 : i32
        %dma_wait3A_102 = tpu.memref_slice %arg18[%add3A_96, %dma_wait3A_101] : memref<40x125xi32, #tpu.memory_space<vmem>> -> memref<1x125xi32, #tpu.memory_space<vmem>>
        %dma_wait3A_103 = tpu.memref_squeeze %dma_wait3A_102 : memref<1x125xi32, #tpu.memory_space<vmem>> -> memref<125xi32, #tpu.memory_space<vmem>>
        %dma_wait3A_104 = arith.constant 0 : i32
        %dma_wait3A_105 = arith.constant 0 : i32
        %dma_wait3A_106 = tpu.memref_slice %arg3[%dma_wait3A_104, %dma_wait3A_105] : memref<10240x128xf32, #tpu.memory_space<hbm>> -> memref<10240x128xf32, #tpu.memory_space<hbm>>
        tpu.wait_indirect_dma semaphore(%arg22 : memref<!tpu.dma_semaphore, #tpu.memory_space<semaphore_mem>>) src(%dma_wait3A_106 : memref<10240x128xf32, #tpu.memory_space<hbm>>) dst(%dma_wait3A_100 : memref<125x128xf32, #tpu.memory_space<vmem>>)
        %run_scoped3A = arith.constant 0 : i32
        "tpu.region"() ({
          %run_scoped3A_134 = tpu.sem_alloc : memref<!tpu.dma_semaphore, #tpu.memory_space<semaphore_mem>>
          %dma_start3A_135 = arith.constant 0 : i32
          %dma_start3A_136 = arith.constant 0 : i32
          %dma_start3A_137 = tpu.memref_slice %arg20[%run_scoped3A, %dma_start3A_135, %dma_start3A_136] : memref<2x125x128xf32, #tpu.memory_space<vmem>> -> memref<1x125x128xf32, #tpu.memory_space<vmem>>
          %dma_start3A_138 = tpu.memref_squeeze %dma_start3A_137 : memref<1x125x128xf32, #tpu.memory_space<vmem>> -> memref<125x128xf32, #tpu.memory_space<vmem>>
          %dma_start3A_139 = arith.constant 0 : i32
          %dma_start3A_140 = tpu.memref_slice %arg19[%add3A_96, %dma_start3A_139] : memref<40x125xi32, #tpu.memory_space<vmem>> -> memref<1x125xi32, #tpu.memory_space<vmem>>
          %dma_start3A_141 = tpu.memref_squeeze %dma_start3A_140 : memref<1x125xi32, #tpu.memory_space<vmem>> -> memref<125xi32, #tpu.memory_space<vmem>>
          %dma_start3A_142 = arith.constant 0 : i32
          %dma_start3A_143 = arith.constant 0 : i32
          %dma_start3A_144 = tpu.memref_slice %arg21[%dma_start3A_142, %dma_start3A_143] : memref<10240x128xf32, #tpu.memory_space<vmem_shared>> -> memref<10240x128xf32, #tpu.memory_space<vmem_shared>>
          tpu.enqueue_indirect_dma source(%dma_start3A_138 : memref<125x128xf32, #tpu.memory_space<vmem>>) target(%dma_start3A_144 : memref<10240x128xf32, #tpu.memory_space<vmem_shared>>) offsets(%dma_start3A_141 : memref<125xi32, #tpu.memory_space<vmem>>) semaphore(%run_scoped3A_134 : memref<!tpu.dma_semaphore, #tpu.memory_space<semaphore_mem>>) {add = true}
          %dma_wait3A_145 = arith.constant 0 : i32
          %dma_wait3A_146 = arith.constant 0 : i32
          %dma_wait3A_147 = tpu.memref_slice %arg20[%run_scoped3A, %dma_wait3A_145, %dma_wait3A_146] : memref<2x125x128xf32, #tpu.memory_space<vmem>> -> memref<1x125x128xf32, #tpu.memory_space<vmem>>
          %dma_wait3A_148 = tpu.memref_squeeze %dma_wait3A_147 : memref<1x125x128xf32, #tpu.memory_space<vmem>> -> memref<125x128xf32, #tpu.memory_space<vmem>>
          %dma_wait3A_149 = arith.constant 0 : i32
          %dma_wait3A_150 = tpu.memref_slice %arg19[%add3A_96, %dma_wait3A_149] : memref<40x125xi32, #tpu.memory_space<vmem>> -> memref<1x125xi32, #tpu.memory_space<vmem>>
          %dma_wait3A_151 = tpu.memref_squeeze %dma_wait3A_150 : memref<1x125xi32, #tpu.memory_space<vmem>> -> memref<125xi32, #tpu.memory_space<vmem>>
          %dma_wait3A_152 = arith.constant 0 : i32
          %dma_wait3A_153 = arith.constant 0 : i32
          %dma_wait3A_154 = tpu.memref_slice %arg21[%dma_wait3A_152, %dma_wait3A_153] : memref<10240x128xf32, #tpu.memory_space<vmem_shared>> -> memref<10240x128xf32, #tpu.memory_space<vmem_shared>>
          tpu.wait_indirect_dma semaphore(%run_scoped3A_134 : memref<!tpu.dma_semaphore, #tpu.memory_space<semaphore_mem>>) src(%dma_wait3A_148 : memref<125x128xf32, #tpu.memory_space<vmem>>) dst(%dma_wait3A_154 : memref<10240x128xf32, #tpu.memory_space<vmem_shared>>)
          tpu.yield
        }) : () -> ()
        %add3A_107 = arith.constant 2 : i32
        %add3A_108 = arith.addi %add3A_96, %add3A_107 : i32
        %lt3A = arith.constant 40 : i32
        %lt3A_109 = arith.cmpi slt, %add3A_108, %lt3A : i32
        %convert_element_type3A_110 = arith.extui %lt3A_109 : i1 to i32
        %cond3A_111 = arith.constant 0 : i32
        %cond3A_112 = arith.cmpi ne, %convert_element_type3A_110, %cond3A_111 : i32
        scf.if %cond3A_112 {
          %add3A_134 = arith.constant 2 : i32
          %add3A_135 = arith.addi %add3A_96, %add3A_134 : i32
          %dma_start3A_136 = arith.constant 0 : i32
          %dma_start3A_137 = arith.constant 0 : i32
          %dma_start3A_138 = arith.constant 0 : i32
          %dma_start3A_139 = tpu.memref_slice %arg20[%dma_start3A_136, %dma_start3A_137, %dma_start3A_138] : memref<2x125x128xf32, #tpu.memory_space<vmem>> -> memref<1x125x128xf32, #tpu.memory_space<vmem>>
          %dma_start3A_140 = tpu.memref_squeeze %dma_start3A_139 : memref<1x125x128xf32, #tpu.memory_space<vmem>> -> memref<125x128xf32, #tpu.memory_space<vmem>>
          %dma_start3A_141 = arith.constant 0 : i32
          %dma_start3A_142 = tpu.memref_slice %arg18[%add3A_135, %dma_start3A_141] : memref<40x125xi32, #tpu.memory_space<vmem>> -> memref<1x125xi32, #tpu.memory_space<vmem>>
          %dma_start3A_143 = tpu.memref_squeeze %dma_start3A_142 : memref<1x125xi32, #tpu.memory_space<vmem>> -> memref<125xi32, #tpu.memory_space<vmem>>
          %dma_start3A_144 = arith.constant 0 : i32
          %dma_start3A_145 = arith.constant 0 : i32
          %dma_start3A_146 = tpu.memref_slice %arg3[%dma_start3A_144, %dma_start3A_145] : memref<10240x128xf32, #tpu.memory_space<hbm>> -> memref<10240x128xf32, #tpu.memory_space<hbm>>
          tpu.enqueue_indirect_dma source(%dma_start3A_146 : memref<10240x128xf32, #tpu.memory_space<hbm>>) target(%dma_start3A_140 : memref<125x128xf32, #tpu.memory_space<vmem>>) offsets(%dma_start3A_143 : memref<125xi32, #tpu.memory_space<vmem>>) semaphore(%arg22 : memref<!tpu.dma_semaphore, #tpu.memory_space<semaphore_mem>>)
        } else {
        }
        %add3A_113 = arith.constant 1 : i32
        %add3A_114 = arith.addi %add3A_94, %add3A_113 : i32
        %dma_wait3A_115 = arith.constant 1 : i32
        %dma_wait3A_116 = arith.constant 0 : i32
        %dma_wait3A_117 = arith.constant 0 : i32
        %dma_wait3A_118 = tpu.memref_slice %arg20[%dma_wait3A_115, %dma_wait3A_116, %dma_wait3A_117] : memref<2x125x128xf32, #tpu.memory_space<vmem>> -> memref<1x125x128xf32, #tpu.memory_space<vmem>>
        %dma_wait3A_119 = tpu.memref_squeeze %dma_wait3A_118 : memref<1x125x128xf32, #tpu.memory_space<vmem>> -> memref<125x128xf32, #tpu.memory_space<vmem>>
        %dma_wait3A_120 = arith.constant 0 : i32
        %dma_wait3A_121 = tpu.memref_slice %arg18[%add3A_114, %dma_wait3A_120] : memref<40x125xi32, #tpu.memory_space<vmem>> -> memref<1x125xi32, #tpu.memory_space<vmem>>
        %dma_wait3A_122 = tpu.memref_squeeze %dma_wait3A_121 : memref<1x125xi32, #tpu.memory_space<vmem>> -> memref<125xi32, #tpu.memory_space<vmem>>
        %dma_wait3A_123 = arith.constant 0 : i32
        %dma_wait3A_124 = arith.constant 0 : i32
        %dma_wait3A_125 = tpu.memref_slice %arg3[%dma_wait3A_123, %dma_wait3A_124] : memref<10240x128xf32, #tpu.memory_space<hbm>> -> memref<10240x128xf32, #tpu.memory_space<hbm>>
        tpu.wait_indirect_dma semaphore(%arg23 : memref<!tpu.dma_semaphore, #tpu.memory_space<semaphore_mem>>) src(%dma_wait3A_125 : memref<10240x128xf32, #tpu.memory_space<hbm>>) dst(%dma_wait3A_119 : memref<125x128xf32, #tpu.memory_space<vmem>>)
        %run_scoped3A_126 = arith.constant 1 : i32
        "tpu.region"() ({
          %run_scoped3A_134 = tpu.sem_alloc : memref<!tpu.dma_semaphore, #tpu.memory_space<semaphore_mem>>
          %dma_start3A_135 = arith.constant 0 : i32
          %dma_start3A_136 = arith.constant 0 : i32
          %dma_start3A_137 = tpu.memref_slice %arg20[%run_scoped3A_126, %dma_start3A_135, %dma_start3A_136] : memref<2x125x128xf32, #tpu.memory_space<vmem>> -> memref<1x125x128xf32, #tpu.memory_space<vmem>>
          %dma_start3A_138 = tpu.memref_squeeze %dma_start3A_137 : memref<1x125x128xf32, #tpu.memory_space<vmem>> -> memref<125x128xf32, #tpu.memory_space<vmem>>
          %dma_start3A_139 = arith.constant 0 : i32
          %dma_start3A_140 = tpu.memref_slice %arg19[%add3A_114, %dma_start3A_139] : memref<40x125xi32, #tpu.memory_space<vmem>> -> memref<1x125xi32, #tpu.memory_space<vmem>>
          %dma_start3A_141 = tpu.memref_squeeze %dma_start3A_140 : memref<1x125xi32, #tpu.memory_space<vmem>> -> memref<125xi32, #tpu.memory_space<vmem>>
          %dma_start3A_142 = arith.constant 0 : i32
          %dma_start3A_143 = arith.constant 0 : i32
          %dma_start3A_144 = tpu.memref_slice %arg21[%dma_start3A_142, %dma_start3A_143] : memref<10240x128xf32, #tpu.memory_space<vmem_shared>> -> memref<10240x128xf32, #tpu.memory_space<vmem_shared>>
          tpu.enqueue_indirect_dma source(%dma_start3A_138 : memref<125x128xf32, #tpu.memory_space<vmem>>) target(%dma_start3A_144 : memref<10240x128xf32, #tpu.memory_space<vmem_shared>>) offsets(%dma_start3A_141 : memref<125xi32, #tpu.memory_space<vmem>>) semaphore(%run_scoped3A_134 : memref<!tpu.dma_semaphore, #tpu.memory_space<semaphore_mem>>) {add = true}
          %dma_wait3A_145 = arith.constant 0 : i32
          %dma_wait3A_146 = arith.constant 0 : i32
          %dma_wait3A_147 = tpu.memref_slice %arg20[%run_scoped3A_126, %dma_wait3A_145, %dma_wait3A_146] : memref<2x125x128xf32, #tpu.memory_space<vmem>> -> memref<1x125x128xf32, #tpu.memory_space<vmem>>
          %dma_wait3A_148 = tpu.memref_squeeze %dma_wait3A_147 : memref<1x125x128xf32, #tpu.memory_space<vmem>> -> memref<125x128xf32, #tpu.memory_space<vmem>>
          %dma_wait3A_149 = arith.constant 0 : i32
          %dma_wait3A_150 = tpu.memref_slice %arg19[%add3A_114, %dma_wait3A_149] : memref<40x125xi32, #tpu.memory_space<vmem>> -> memref<1x125xi32, #tpu.memory_space<vmem>>
          %dma_wait3A_151 = tpu.memref_squeeze %dma_wait3A_150 : memref<1x125xi32, #tpu.memory_space<vmem>> -> memref<125xi32, #tpu.memory_space<vmem>>
          %dma_wait3A_152 = arith.constant 0 : i32
          %dma_wait3A_153 = arith.constant 0 : i32
          %dma_wait3A_154 = tpu.memref_slice %arg21[%dma_wait3A_152, %dma_wait3A_153] : memref<10240x128xf32, #tpu.memory_space<vmem_shared>> -> memref<10240x128xf32, #tpu.memory_space<vmem_shared>>
          tpu.wait_indirect_dma semaphore(%run_scoped3A_134 : memref<!tpu.dma_semaphore, #tpu.memory_space<semaphore_mem>>) src(%dma_wait3A_148 : memref<125x128xf32, #tpu.memory_space<vmem>>) dst(%dma_wait3A_154 : memref<10240x128xf32, #tpu.memory_space<vmem_shared>>)
          tpu.yield
        }) : () -> ()
        %add3A_127 = arith.constant 2 : i32
        %add3A_128 = arith.addi %add3A_114, %add3A_127 : i32
        %lt3A_129 = arith.constant 40 : i32
        %lt3A_130 = arith.cmpi slt, %add3A_128, %lt3A_129 : i32
        %convert_element_type3A_131 = arith.extui %lt3A_130 : i1 to i32
        %cond3A_132 = arith.constant 0 : i32
        %cond3A_133 = arith.cmpi ne, %convert_element_type3A_131, %cond3A_132 : i32
        scf.if %cond3A_133 {
          %add3A_134 = arith.constant 2 : i32
          %add3A_135 = arith.addi %add3A_114, %add3A_134 : i32
          %dma_start3A_136 = arith.constant 1 : i32
          %dma_start3A_137 = arith.constant 0 : i32
          %dma_start3A_138 = arith.constant 0 : i32
          %dma_start3A_139 = tpu.memref_slice %arg20[%dma_start3A_136, %dma_start3A_137, %dma_start3A_138] : memref<2x125x128xf32, #tpu.memory_space<vmem>> -> memref<1x125x128xf32, #tpu.memory_space<vmem>>
          %dma_start3A_140 = tpu.memref_squeeze %dma_start3A_139 : memref<1x125x128xf32, #tpu.memory_space<vmem>> -> memref<125x128xf32, #tpu.memory_space<vmem>>
          %dma_start3A_141 = arith.constant 0 : i32
          %dma_start3A_142 = tpu.memref_slice %arg18[%add3A_135, %dma_start3A_141] : memref<40x125xi32, #tpu.memory_space<vmem>> -> memref<1x125xi32, #tpu.memory_space<vmem>>
          %dma_start3A_143 = tpu.memref_squeeze %dma_start3A_142 : memref<1x125xi32, #tpu.memory_space<vmem>> -> memref<125xi32, #tpu.memory_space<vmem>>
          %dma_start3A_144 = arith.constant 0 : i32
          %dma_start3A_145 = arith.constant 0 : i32
          %dma_start3A_146 = tpu.memref_slice %arg3[%dma_start3A_144, %dma_start3A_145] : memref<10240x128xf32, #tpu.memory_space<hbm>> -> memref<10240x128xf32, #tpu.memory_space<hbm>>
          tpu.enqueue_indirect_dma source(%dma_start3A_146 : memref<10240x128xf32, #tpu.memory_space<hbm>>) target(%dma_start3A_140 : memref<125x128xf32, #tpu.memory_space<vmem>>) offsets(%dma_start3A_143 : memref<125xi32, #tpu.memory_space<vmem>>) semaphore(%arg23 : memref<!tpu.dma_semaphore, #tpu.memory_space<semaphore_mem>>)
        } else {
        }
      }
      %scan3A_84 = arith.constant 20 : i32
      %barrier3A_85 = arith.constant 0 : index
      tpu.barrier barrier_id(%barrier3A_85)
      %mul3A_86 = arith.constant 640 : i32
      %mul3A_87 = arith.muli %arg1, %mul3A_86 : i32
      %mul3A_88 = arith.constant 640 : i32
      %mul3A_89 = arith.muli %arg1, %mul3A_88 : i32
      "tpu.region"() ({
        %run_scoped3A = tpu.sem_alloc : memref<!tpu.dma_semaphore, #tpu.memory_space<semaphore_mem>>
        %dma_start3A_91 = arith.constant 0 : i32
        %dma_start3A_92 = tpu.memref_slice %arg15[%mul3A_89, %dma_start3A_91] : memref<10240x128xf32, #tpu.memory_space<hbm>> -> memref<640x128xf32, #tpu.memory_space<hbm>>
        %dma_start3A_93 = arith.constant 0 : i32
        %dma_start3A_94 = tpu.memref_slice %arg21[%mul3A_87, %dma_start3A_93] : memref<10240x128xf32, #tpu.memory_space<vmem_shared>> -> memref<640x128xf32, #tpu.memory_space<vmem_shared>>
        tpu.enqueue_dma source(%dma_start3A_94 : memref<640x128xf32, #tpu.memory_space<vmem_shared>>) target(%dma_start3A_92 : memref<640x128xf32, #tpu.memory_space<hbm>>) target_semaphore(%run_scoped3A : memref<!tpu.dma_semaphore, #tpu.memory_space<semaphore_mem>>)
        %dma_wait3A = arith.constant 0 : i32
        %dma_wait3A_95 = tpu.memref_slice %arg15[%mul3A_89, %dma_wait3A] : memref<10240x128xf32, #tpu.memory_space<hbm>> -> memref<640x128xf32, #tpu.memory_space<hbm>>
        %dma_wait3A_96 = arith.constant 0 : i32
        %dma_wait3A_97 = tpu.memref_slice %arg21[%mul3A_87, %dma_wait3A_96] : memref<10240x128xf32, #tpu.memory_space<vmem_shared>> -> memref<640x128xf32, #tpu.memory_space<vmem_shared>>
        tpu.wait_dma2 semaphore(%run_scoped3A : memref<!tpu.dma_semaphore, #tpu.memory_space<semaphore_mem>>) src(%dma_wait3A_97 : memref<640x128xf32, #tpu.memory_space<vmem_shared>>) dst(%dma_wait3A_95 : memref<640x128xf32, #tpu.memory_space<hbm>>)
        tpu.yield
      }) : () -> ()
      %barrier3A_90 = arith.constant 0 : index
      tpu.barrier barrier_id(%barrier3A_90)
    } else {
    }
    %eq3A_2 = arith.constant 1 : i32
    %eq3A_3 = arith.cmpi eq, %arg0, %eq3A_2 : i32
    %convert_element_type3A_4 = arith.extui %eq3A_3 : i1 to i32
    %cond3A_5 = arith.constant 0 : i32
    %cond3A_6 = arith.cmpi ne, %convert_element_type3A_4, %cond3A_5 : i32
    scf.if %cond3A_6 {
      %mul3A = arith.constant 640 : i32
      %mul3A_7 = arith.muli %arg1, %mul3A : i32
      %mul3A_8 = arith.constant 640 : i32
      %mul3A_9 = arith.muli %arg1, %mul3A_8 : i32
      "tpu.region"() ({
        %run_scoped3A = tpu.sem_alloc : memref<!tpu.dma_semaphore, #tpu.memory_space<semaphore_mem>>
        %dma_start3A_91 = arith.constant 0 : i32
        %dma_start3A_92 = tpu.memref_slice %arg21[%mul3A_9, %dma_start3A_91] : memref<10240x128xf32, #tpu.memory_space<vmem_shared>> -> memref<640x128xf32, #tpu.memory_space<vmem_shared>>
        %dma_start3A_93 = arith.constant 0 : i32
        %dma_start3A_94 = tpu.memref_slice %arg4[%mul3A_7, %dma_start3A_93] : memref<10240x128xf32, #tpu.memory_space<hbm>> -> memref<640x128xf32, #tpu.memory_space<hbm>>
        tpu.enqueue_dma source(%dma_start3A_94 : memref<640x128xf32, #tpu.memory_space<hbm>>) target(%dma_start3A_92 : memref<640x128xf32, #tpu.memory_space<vmem_shared>>) target_semaphore(%run_scoped3A : memref<!tpu.dma_semaphore, #tpu.memory_space<semaphore_mem>>)
        %dma_wait3A = arith.constant 0 : i32
        %dma_wait3A_95 = tpu.memref_slice %arg21[%mul3A_9, %dma_wait3A] : memref<10240x128xf32, #tpu.memory_space<vmem_shared>> -> memref<640x128xf32, #tpu.memory_space<vmem_shared>>
        %dma_wait3A_96 = arith.constant 0 : i32
        %dma_wait3A_97 = tpu.memref_slice %arg4[%mul3A_7, %dma_wait3A_96] : memref<10240x128xf32, #tpu.memory_space<hbm>> -> memref<640x128xf32, #tpu.memory_space<hbm>>
        tpu.wait_dma2 semaphore(%run_scoped3A : memref<!tpu.dma_semaphore, #tpu.memory_space<semaphore_mem>>) src(%dma_wait3A_97 : memref<640x128xf32, #tpu.memory_space<hbm>>) dst(%dma_wait3A_95 : memref<640x128xf32, #tpu.memory_space<vmem_shared>>)
        tpu.yield
      }) : () -> ()
      %barrier3A = arith.constant 0 : index
      tpu.barrier barrier_id(%barrier3A)
      %mul3A_10 = arith.constant 40 : i32
      %mul3A_11 = arith.muli %arg1, %mul3A_10 : i32
      "tpu.region"() ({
        %run_scoped3A = tpu.sem_alloc : memref<!tpu.dma_semaphore, #tpu.memory_space<semaphore_mem>>
        %dma_start3A_91 = arith.constant 0 : i32
        %dma_start3A_92 = tpu.memref_slice %arg8[%mul3A_11, %dma_start3A_91] : memref<640x125xi32, #tpu.memory_space<hbm>> -> memref<40x125xi32, #tpu.memory_space<hbm>>
        %dma_start3A_93 = arith.constant 0 : i32
        %dma_start3A_94 = tpu.memref_slice %arg8[%mul3A_11, %dma_start3A_93] : memref<640x125xi32, #tpu.memory_space<hbm>> -> memref<40x125xi32, #tpu.memory_space<hbm>>
        tpu.enqueue_dma source(%dma_start3A_94 : memref<40x125xi32, #tpu.memory_space<hbm>>) target(%arg18 : memref<40x125xi32, #tpu.memory_space<vmem>>) target_semaphore(%run_scoped3A : memref<!tpu.dma_semaphore, #tpu.memory_space<semaphore_mem>>)
        %dma_wait3A = arith.constant 0 : i32
        %dma_wait3A_95 = tpu.memref_slice %arg8[%mul3A_11, %dma_wait3A] : memref<640x125xi32, #tpu.memory_space<hbm>> -> memref<40x125xi32, #tpu.memory_space<hbm>>
        %dma_wait3A_96 = arith.constant 0 : i32
        %dma_wait3A_97 = tpu.memref_slice %arg8[%mul3A_11, %dma_wait3A_96] : memref<640x125xi32, #tpu.memory_space<hbm>> -> memref<40x125xi32, #tpu.memory_space<hbm>>
        tpu.wait_dma2 semaphore(%run_scoped3A : memref<!tpu.dma_semaphore, #tpu.memory_space<semaphore_mem>>) src(%dma_wait3A_97 : memref<40x125xi32, #tpu.memory_space<hbm>>) dst(%arg18 : memref<40x125xi32, #tpu.memory_space<vmem>>)
        tpu.yield
      }) : () -> ()
      %mul3A_12 = arith.constant 40 : i32
      %mul3A_13 = arith.muli %arg1, %mul3A_12 : i32
      "tpu.region"() ({
        %run_scoped3A = tpu.sem_alloc : memref<!tpu.dma_semaphore, #tpu.memory_space<semaphore_mem>>
        %dma_start3A_91 = arith.constant 0 : i32
        %dma_start3A_92 = tpu.memref_slice %arg12[%mul3A_13, %dma_start3A_91] : memref<640x125xi32, #tpu.memory_space<hbm>> -> memref<40x125xi32, #tpu.memory_space<hbm>>
        %dma_start3A_93 = arith.constant 0 : i32
        %dma_start3A_94 = tpu.memref_slice %arg12[%mul3A_13, %dma_start3A_93] : memref<640x125xi32, #tpu.memory_space<hbm>> -> memref<40x125xi32, #tpu.memory_space<hbm>>
        tpu.enqueue_dma source(%dma_start3A_94 : memref<40x125xi32, #tpu.memory_space<hbm>>) target(%arg19 : memref<40x125xi32, #tpu.memory_space<vmem>>) target_semaphore(%run_scoped3A : memref<!tpu.dma_semaphore, #tpu.memory_space<semaphore_mem>>)
        %dma_wait3A = arith.constant 0 : i32
        %dma_wait3A_95 = tpu.memref_slice %arg12[%mul3A_13, %dma_wait3A] : memref<640x125xi32, #tpu.memory_space<hbm>> -> memref<40x125xi32, #tpu.memory_space<hbm>>
        %dma_wait3A_96 = arith.constant 0 : i32
        %dma_wait3A_97 = tpu.memref_slice %arg12[%mul3A_13, %dma_wait3A_96] : memref<640x125xi32, #tpu.memory_space<hbm>> -> memref<40x125xi32, #tpu.memory_space<hbm>>
        tpu.wait_dma2 semaphore(%run_scoped3A : memref<!tpu.dma_semaphore, #tpu.memory_space<semaphore_mem>>) src(%dma_wait3A_97 : memref<40x125xi32, #tpu.memory_space<hbm>>) dst(%arg19 : memref<40x125xi32, #tpu.memory_space<vmem>>)
        tpu.yield
      }) : () -> ()
      %dma_start3A = arith.constant 0 : i32
      %dma_start3A_14 = arith.constant 0 : i32
      %dma_start3A_15 = arith.constant 0 : i32
      %dma_start3A_16 = arith.constant 0 : i32
      %dma_start3A_17 = tpu.memref_slice %arg20[%dma_start3A_14, %dma_start3A_15, %dma_start3A_16] : memref<2x125x128xf32, #tpu.memory_space<vmem>> -> memref<1x125x128xf32, #tpu.memory_space<vmem>>
      %dma_start3A_18 = tpu.memref_squeeze %dma_start3A_17 : memref<1x125x128xf32, #tpu.memory_space<vmem>> -> memref<125x128xf32, #tpu.memory_space<vmem>>
      %dma_start3A_19 = arith.constant 0 : i32
      %dma_start3A_20 = tpu.memref_slice %arg18[%dma_start3A, %dma_start3A_19] : memref<40x125xi32, #tpu.memory_space<vmem>> -> memref<1x125xi32, #tpu.memory_space<vmem>>
      %dma_start3A_21 = tpu.memref_squeeze %dma_start3A_20 : memref<1x125xi32, #tpu.memory_space<vmem>> -> memref<125xi32, #tpu.memory_space<vmem>>
      %dma_start3A_22 = arith.constant 0 : i32
      %dma_start3A_23 = arith.constant 0 : i32
      %dma_start3A_24 = tpu.memref_slice %arg4[%dma_start3A_22, %dma_start3A_23] : memref<10240x128xf32, #tpu.memory_space<hbm>> -> memref<10240x128xf32, #tpu.memory_space<hbm>>
      tpu.enqueue_indirect_dma source(%dma_start3A_24 : memref<10240x128xf32, #tpu.memory_space<hbm>>) target(%dma_start3A_18 : memref<125x128xf32, #tpu.memory_space<vmem>>) offsets(%dma_start3A_21 : memref<125xi32, #tpu.memory_space<vmem>>) semaphore(%arg22 : memref<!tpu.dma_semaphore, #tpu.memory_space<semaphore_mem>>)
      %dma_start3A_25 = arith.constant 1 : i32
      %dma_start3A_26 = arith.constant 1 : i32
      %dma_start3A_27 = arith.constant 0 : i32
      %dma_start3A_28 = arith.constant 0 : i32
      %dma_start3A_29 = tpu.memref_slice %arg20[%dma_start3A_26, %dma_start3A_27, %dma_start3A_28] : memref<2x125x128xf32, #tpu.memory_space<vmem>> -> memref<1x125x128xf32, #tpu.memory_space<vmem>>
      %dma_start3A_30 = tpu.memref_squeeze %dma_start3A_29 : memref<1x125x128xf32, #tpu.memory_space<vmem>> -> memref<125x128xf32, #tpu.memory_space<vmem>>
      %dma_start3A_31 = arith.constant 0 : i32
      %dma_start3A_32 = tpu.memref_slice %arg18[%dma_start3A_25, %dma_start3A_31] : memref<40x125xi32, #tpu.memory_space<vmem>> -> memref<1x125xi32, #tpu.memory_space<vmem>>
      %dma_start3A_33 = tpu.memref_squeeze %dma_start3A_32 : memref<1x125xi32, #tpu.memory_space<vmem>> -> memref<125xi32, #tpu.memory_space<vmem>>
      %dma_start3A_34 = arith.constant 0 : i32
      %dma_start3A_35 = arith.constant 0 : i32
      %dma_start3A_36 = tpu.memref_slice %arg4[%dma_start3A_34, %dma_start3A_35] : memref<10240x128xf32, #tpu.memory_space<hbm>> -> memref<10240x128xf32, #tpu.memory_space<hbm>>
      tpu.enqueue_indirect_dma source(%dma_start3A_36 : memref<10240x128xf32, #tpu.memory_space<hbm>>) target(%dma_start3A_30 : memref<125x128xf32, #tpu.memory_space<vmem>>) offsets(%dma_start3A_33 : memref<125xi32, #tpu.memory_space<vmem>>) semaphore(%arg23 : memref<!tpu.dma_semaphore, #tpu.memory_space<semaphore_mem>>)
      %scan3A = arith.constant 0 : i32
      %scan3A_37 = arith.constant 20 : i32
      %scan3A_38 = arith.addi %scan3A, %scan3A_37 : i32
      %scan3A_39 = arith.constant 1 : i32
      scf.for %scan3A_91 = %scan3A to %scan3A_38 step %scan3A_39  : i32 {
        %mul3A_92 = arith.constant 2 : i32
        %mul3A_93 = arith.muli %scan3A_91, %mul3A_92 : i32
        %add3A = arith.constant 0 : i32
        %add3A_94 = arith.addi %add3A, %mul3A_93 : i32
        %add3A_95 = arith.constant 0 : i32
        %add3A_96 = arith.addi %add3A_94, %add3A_95 : i32
        %dma_wait3A = arith.constant 0 : i32
        %dma_wait3A_97 = arith.constant 0 : i32
        %dma_wait3A_98 = arith.constant 0 : i32
        %dma_wait3A_99 = tpu.memref_slice %arg20[%dma_wait3A, %dma_wait3A_97, %dma_wait3A_98] : memref<2x125x128xf32, #tpu.memory_space<vmem>> -> memref<1x125x128xf32, #tpu.memory_space<vmem>>
        %dma_wait3A_100 = tpu.memref_squeeze %dma_wait3A_99 : memref<1x125x128xf32, #tpu.memory_space<vmem>> -> memref<125x128xf32, #tpu.memory_space<vmem>>
        %dma_wait3A_101 = arith.constant 0 : i32
        %dma_wait3A_102 = tpu.memref_slice %arg18[%add3A_96, %dma_wait3A_101] : memref<40x125xi32, #tpu.memory_space<vmem>> -> memref<1x125xi32, #tpu.memory_space<vmem>>
        %dma_wait3A_103 = tpu.memref_squeeze %dma_wait3A_102 : memref<1x125xi32, #tpu.memory_space<vmem>> -> memref<125xi32, #tpu.memory_space<vmem>>
        %dma_wait3A_104 = arith.constant 0 : i32
        %dma_wait3A_105 = arith.constant 0 : i32
        %dma_wait3A_106 = tpu.memref_slice %arg4[%dma_wait3A_104, %dma_wait3A_105] : memref<10240x128xf32, #tpu.memory_space<hbm>> -> memref<10240x128xf32, #tpu.memory_space<hbm>>
        tpu.wait_indirect_dma semaphore(%arg22 : memref<!tpu.dma_semaphore, #tpu.memory_space<semaphore_mem>>) src(%dma_wait3A_106 : memref<10240x128xf32, #tpu.memory_space<hbm>>) dst(%dma_wait3A_100 : memref<125x128xf32, #tpu.memory_space<vmem>>)
        %run_scoped3A = arith.constant 0 : i32
        "tpu.region"() ({
          %run_scoped3A_134 = tpu.sem_alloc : memref<!tpu.dma_semaphore, #tpu.memory_space<semaphore_mem>>
          %dma_start3A_135 = arith.constant 0 : i32
          %dma_start3A_136 = arith.constant 0 : i32
          %dma_start3A_137 = tpu.memref_slice %arg20[%run_scoped3A, %dma_start3A_135, %dma_start3A_136] : memref<2x125x128xf32, #tpu.memory_space<vmem>> -> memref<1x125x128xf32, #tpu.memory_space<vmem>>
          %dma_start3A_138 = tpu.memref_squeeze %dma_start3A_137 : memref<1x125x128xf32, #tpu.memory_space<vmem>> -> memref<125x128xf32, #tpu.memory_space<vmem>>
          %dma_start3A_139 = arith.constant 0 : i32
          %dma_start3A_140 = tpu.memref_slice %arg19[%add3A_96, %dma_start3A_139] : memref<40x125xi32, #tpu.memory_space<vmem>> -> memref<1x125xi32, #tpu.memory_space<vmem>>
          %dma_start3A_141 = tpu.memref_squeeze %dma_start3A_140 : memref<1x125xi32, #tpu.memory_space<vmem>> -> memref<125xi32, #tpu.memory_space<vmem>>
          %dma_start3A_142 = arith.constant 0 : i32
          %dma_start3A_143 = arith.constant 0 : i32
          %dma_start3A_144 = tpu.memref_slice %arg21[%dma_start3A_142, %dma_start3A_143] : memref<10240x128xf32, #tpu.memory_space<vmem_shared>> -> memref<10240x128xf32, #tpu.memory_space<vmem_shared>>
          tpu.enqueue_indirect_dma source(%dma_start3A_138 : memref<125x128xf32, #tpu.memory_space<vmem>>) target(%dma_start3A_144 : memref<10240x128xf32, #tpu.memory_space<vmem_shared>>) offsets(%dma_start3A_141 : memref<125xi32, #tpu.memory_space<vmem>>) semaphore(%run_scoped3A_134 : memref<!tpu.dma_semaphore, #tpu.memory_space<semaphore_mem>>) {add = true}
          %dma_wait3A_145 = arith.constant 0 : i32
          %dma_wait3A_146 = arith.constant 0 : i32
          %dma_wait3A_147 = tpu.memref_slice %arg20[%run_scoped3A, %dma_wait3A_145, %dma_wait3A_146] : memref<2x125x128xf32, #tpu.memory_space<vmem>> -> memref<1x125x128xf32, #tpu.memory_space<vmem>>
          %dma_wait3A_148 = tpu.memref_squeeze %dma_wait3A_147 : memref<1x125x128xf32, #tpu.memory_space<vmem>> -> memref<125x128xf32, #tpu.memory_space<vmem>>
          %dma_wait3A_149 = arith.constant 0 : i32
          %dma_wait3A_150 = tpu.memref_slice %arg19[%add3A_96, %dma_wait3A_149] : memref<40x125xi32, #tpu.memory_space<vmem>> -> memref<1x125xi32, #tpu.memory_space<vmem>>
          %dma_wait3A_151 = tpu.memref_squeeze %dma_wait3A_150 : memref<1x125xi32, #tpu.memory_space<vmem>> -> memref<125xi32, #tpu.memory_space<vmem>>
          %dma_wait3A_152 = arith.constant 0 : i32
          %dma_wait3A_153 = arith.constant 0 : i32
          %dma_wait3A_154 = tpu.memref_slice %arg21[%dma_wait3A_152, %dma_wait3A_153] : memref<10240x128xf32, #tpu.memory_space<vmem_shared>> -> memref<10240x128xf32, #tpu.memory_space<vmem_shared>>
          tpu.wait_indirect_dma semaphore(%run_scoped3A_134 : memref<!tpu.dma_semaphore, #tpu.memory_space<semaphore_mem>>) src(%dma_wait3A_148 : memref<125x128xf32, #tpu.memory_space<vmem>>) dst(%dma_wait3A_154 : memref<10240x128xf32, #tpu.memory_space<vmem_shared>>)
          tpu.yield
        }) : () -> ()
        %add3A_107 = arith.constant 2 : i32
        %add3A_108 = arith.addi %add3A_96, %add3A_107 : i32
        %lt3A = arith.constant 40 : i32
        %lt3A_109 = arith.cmpi slt, %add3A_108, %lt3A : i32
        %convert_element_type3A_110 = arith.extui %lt3A_109 : i1 to i32
        %cond3A_111 = arith.constant 0 : i32
        %cond3A_112 = arith.cmpi ne, %convert_element_type3A_110, %cond3A_111 : i32
        scf.if %cond3A_112 {
          %add3A_134 = arith.constant 2 : i32
          %add3A_135 = arith.addi %add3A_96, %add3A_134 : i32
          %dma_start3A_136 = arith.constant 0 : i32
          %dma_start3A_137 = arith.constant 0 : i32
          %dma_start3A_138 = arith.constant 0 : i32
          %dma_start3A_139 = tpu.memref_slice %arg20[%dma_start3A_136, %dma_start3A_137, %dma_start3A_138] : memref<2x125x128xf32, #tpu.memory_space<vmem>> -> memref<1x125x128xf32, #tpu.memory_space<vmem>>
          %dma_start3A_140 = tpu.memref_squeeze %dma_start3A_139 : memref<1x125x128xf32, #tpu.memory_space<vmem>> -> memref<125x128xf32, #tpu.memory_space<vmem>>
          %dma_start3A_141 = arith.constant 0 : i32
          %dma_start3A_142 = tpu.memref_slice %arg18[%add3A_135, %dma_start3A_141] : memref<40x125xi32, #tpu.memory_space<vmem>> -> memref<1x125xi32, #tpu.memory_space<vmem>>
          %dma_start3A_143 = tpu.memref_squeeze %dma_start3A_142 : memref<1x125xi32, #tpu.memory_space<vmem>> -> memref<125xi32, #tpu.memory_space<vmem>>
          %dma_start3A_144 = arith.constant 0 : i32
          %dma_start3A_145 = arith.constant 0 : i32
          %dma_start3A_146 = tpu.memref_slice %arg4[%dma_start3A_144, %dma_start3A_145] : memref<10240x128xf32, #tpu.memory_space<hbm>> -> memref<10240x128xf32, #tpu.memory_space<hbm>>
          tpu.enqueue_indirect_dma source(%dma_start3A_146 : memref<10240x128xf32, #tpu.memory_space<hbm>>) target(%dma_start3A_140 : memref<125x128xf32, #tpu.memory_space<vmem>>) offsets(%dma_start3A_143 : memref<125xi32, #tpu.memory_space<vmem>>) semaphore(%arg22 : memref<!tpu.dma_semaphore, #tpu.memory_space<semaphore_mem>>)
        } else {
        }
        %add3A_113 = arith.constant 1 : i32
        %add3A_114 = arith.addi %add3A_94, %add3A_113 : i32
        %dma_wait3A_115 = arith.constant 1 : i32
        %dma_wait3A_116 = arith.constant 0 : i32
        %dma_wait3A_117 = arith.constant 0 : i32
        %dma_wait3A_118 = tpu.memref_slice %arg20[%dma_wait3A_115, %dma_wait3A_116, %dma_wait3A_117] : memref<2x125x128xf32, #tpu.memory_space<vmem>> -> memref<1x125x128xf32, #tpu.memory_space<vmem>>
        %dma_wait3A_119 = tpu.memref_squeeze %dma_wait3A_118 : memref<1x125x128xf32, #tpu.memory_space<vmem>> -> memref<125x128xf32, #tpu.memory_space<vmem>>
        %dma_wait3A_120 = arith.constant 0 : i32
        %dma_wait3A_121 = tpu.memref_slice %arg18[%add3A_114, %dma_wait3A_120] : memref<40x125xi32, #tpu.memory_space<vmem>> -> memref<1x125xi32, #tpu.memory_space<vmem>>
        %dma_wait3A_122 = tpu.memref_squeeze %dma_wait3A_121 : memref<1x125xi32, #tpu.memory_space<vmem>> -> memref<125xi32, #tpu.memory_space<vmem>>
        %dma_wait3A_123 = arith.constant 0 : i32
        %dma_wait3A_124 = arith.constant 0 : i32
        %dma_wait3A_125 = tpu.memref_slice %arg4[%dma_wait3A_123, %dma_wait3A_124] : memref<10240x128xf32, #tpu.memory_space<hbm>> -> memref<10240x128xf32, #tpu.memory_space<hbm>>
        tpu.wait_indirect_dma semaphore(%arg23 : memref<!tpu.dma_semaphore, #tpu.memory_space<semaphore_mem>>) src(%dma_wait3A_125 : memref<10240x128xf32, #tpu.memory_space<hbm>>) dst(%dma_wait3A_119 : memref<125x128xf32, #tpu.memory_space<vmem>>)
        %run_scoped3A_126 = arith.constant 1 : i32
        "tpu.region"() ({
          %run_scoped3A_134 = tpu.sem_alloc : memref<!tpu.dma_semaphore, #tpu.memory_space<semaphore_mem>>
          %dma_start3A_135 = arith.constant 0 : i32
          %dma_start3A_136 = arith.constant 0 : i32
          %dma_start3A_137 = tpu.memref_slice %arg20[%run_scoped3A_126, %dma_start3A_135, %dma_start3A_136] : memref<2x125x128xf32, #tpu.memory_space<vmem>> -> memref<1x125x128xf32, #tpu.memory_space<vmem>>
          %dma_start3A_138 = tpu.memref_squeeze %dma_start3A_137 : memref<1x125x128xf32, #tpu.memory_space<vmem>> -> memref<125x128xf32, #tpu.memory_space<vmem>>
          %dma_start3A_139 = arith.constant 0 : i32
          %dma_start3A_140 = tpu.memref_slice %arg19[%add3A_114, %dma_start3A_139] : memref<40x125xi32, #tpu.memory_space<vmem>> -> memref<1x125xi32, #tpu.memory_space<vmem>>
          %dma_start3A_141 = tpu.memref_squeeze %dma_start3A_140 : memref<1x125xi32, #tpu.memory_space<vmem>> -> memref<125xi32, #tpu.memory_space<vmem>>
          %dma_start3A_142 = arith.constant 0 : i32
          %dma_start3A_143 = arith.constant 0 : i32
          %dma_start3A_144 = tpu.memref_slice %arg21[%dma_start3A_142, %dma_start3A_143] : memref<10240x128xf32, #tpu.memory_space<vmem_shared>> -> memref<10240x128xf32, #tpu.memory_space<vmem_shared>>
          tpu.enqueue_indirect_dma source(%dma_start3A_138 : memref<125x128xf32, #tpu.memory_space<vmem>>) target(%dma_start3A_144 : memref<10240x128xf32, #tpu.memory_space<vmem_shared>>) offsets(%dma_start3A_141 : memref<125xi32, #tpu.memory_space<vmem>>) semaphore(%run_scoped3A_134 : memref<!tpu.dma_semaphore, #tpu.memory_space<semaphore_mem>>) {add = true}
          %dma_wait3A_145 = arith.constant 0 : i32
          %dma_wait3A_146 = arith.constant 0 : i32
          %dma_wait3A_147 = tpu.memref_slice %arg20[%run_scoped3A_126, %dma_wait3A_145, %dma_wait3A_146] : memref<2x125x128xf32, #tpu.memory_space<vmem>> -> memref<1x125x128xf32, #tpu.memory_space<vmem>>
          %dma_wait3A_148 = tpu.memref_squeeze %dma_wait3A_147 : memref<1x125x128xf32, #tpu.memory_space<vmem>> -> memref<125x128xf32, #tpu.memory_space<vmem>>
          %dma_wait3A_149 = arith.constant 0 : i32
          %dma_wait3A_150 = tpu.memref_slice %arg19[%add3A_114, %dma_wait3A_149] : memref<40x125xi32, #tpu.memory_space<vmem>> -> memref<1x125xi32, #tpu.memory_space<vmem>>
          %dma_wait3A_151 = tpu.memref_squeeze %dma_wait3A_150 : memref<1x125xi32, #tpu.memory_space<vmem>> -> memref<125xi32, #tpu.memory_space<vmem>>
          %dma_wait3A_152 = arith.constant 0 : i32
          %dma_wait3A_153 = arith.constant 0 : i32
          %dma_wait3A_154 = tpu.memref_slice %arg21[%dma_wait3A_152, %dma_wait3A_153] : memref<10240x128xf32, #tpu.memory_space<vmem_shared>> -> memref<10240x128xf32, #tpu.memory_space<vmem_shared>>
          tpu.wait_indirect_dma semaphore(%run_scoped3A_134 : memref<!tpu.dma_semaphore, #tpu.memory_space<semaphore_mem>>) src(%dma_wait3A_148 : memref<125x128xf32, #tpu.memory_space<vmem>>) dst(%dma_wait3A_154 : memref<10240x128xf32, #tpu.memory_space<vmem_shared>>)
          tpu.yield
        }) : () -> ()
        %add3A_127 = arith.constant 2 : i32
        %add3A_128 = arith.addi %add3A_114, %add3A_127 : i32
        %lt3A_129 = arith.constant 40 : i32
        %lt3A_130 = arith.cmpi slt, %add3A_128, %lt3A_129 : i32
        %convert_element_type3A_131 = arith.extui %lt3A_130 : i1 to i32
        %cond3A_132 = arith.constant 0 : i32
        %cond3A_133 = arith.cmpi ne, %convert_element_type3A_131, %cond3A_132 : i32
        scf.if %cond3A_133 {
          %add3A_134 = arith.constant 2 : i32
          %add3A_135 = arith.addi %add3A_114, %add3A_134 : i32
          %dma_start3A_136 = arith.constant 1 : i32
          %dma_start3A_137 = arith.constant 0 : i32
          %dma_start3A_138 = arith.constant 0 : i32
          %dma_start3A_139 = tpu.memref_slice %arg20[%dma_start3A_136, %dma_start3A_137, %dma_start3A_138] : memref<2x125x128xf32, #tpu.memory_space<vmem>> -> memref<1x125x128xf32, #tpu.memory_space<vmem>>
          %dma_start3A_140 = tpu.memref_squeeze %dma_start3A_139 : memref<1x125x128xf32, #tpu.memory_space<vmem>> -> memref<125x128xf32, #tpu.memory_space<vmem>>
          %dma_start3A_141 = arith.constant 0 : i32
          %dma_start3A_142 = tpu.memref_slice %arg18[%add3A_135, %dma_start3A_141] : memref<40x125xi32, #tpu.memory_space<vmem>> -> memref<1x125xi32, #tpu.memory_space<vmem>>
          %dma_start3A_143 = tpu.memref_squeeze %dma_start3A_142 : memref<1x125xi32, #tpu.memory_space<vmem>> -> memref<125xi32, #tpu.memory_space<vmem>>
          %dma_start3A_144 = arith.constant 0 : i32
          %dma_start3A_145 = arith.constant 0 : i32
          %dma_start3A_146 = tpu.memref_slice %arg4[%dma_start3A_144, %dma_start3A_145] : memref<10240x128xf32, #tpu.memory_space<hbm>> -> memref<10240x128xf32, #tpu.memory_space<hbm>>
          tpu.enqueue_indirect_dma source(%dma_start3A_146 : memref<10240x128xf32, #tpu.memory_space<hbm>>) target(%dma_start3A_140 : memref<125x128xf32, #tpu.memory_space<vmem>>) offsets(%dma_start3A_143 : memref<125xi32, #tpu.memory_space<vmem>>) semaphore(%arg23 : memref<!tpu.dma_semaphore, #tpu.memory_space<semaphore_mem>>)
        } else {
        }
      }
      %scan3A_40 = arith.constant 20 : i32
      %barrier3A_41 = arith.constant 0 : index
      tpu.barrier barrier_id(%barrier3A_41)
      %mul3A_42 = arith.constant 640 : i32
      %mul3A_43 = arith.muli %arg1, %mul3A_42 : i32
      %mul3A_44 = arith.constant 640 : i32
      %mul3A_45 = arith.muli %arg1, %mul3A_44 : i32
      "tpu.region"() ({
        %run_scoped3A = tpu.sem_alloc : memref<!tpu.dma_semaphore, #tpu.memory_space<semaphore_mem>>
        %dma_start3A_91 = arith.constant 0 : i32
        %dma_start3A_92 = tpu.memref_slice %arg16[%mul3A_45, %dma_start3A_91] : memref<10240x128xf32, #tpu.memory_space<hbm>> -> memref<640x128xf32, #tpu.memory_space<hbm>>
        %dma_start3A_93 = arith.constant 0 : i32
        %dma_start3A_94 = tpu.memref_slice %arg21[%mul3A_43, %dma_start3A_93] : memref<10240x128xf32, #tpu.memory_space<vmem_shared>> -> memref<640x128xf32, #tpu.memory_space<vmem_shared>>
        tpu.enqueue_dma source(%dma_start3A_94 : memref<640x128xf32, #tpu.memory_space<vmem_shared>>) target(%dma_start3A_92 : memref<640x128xf32, #tpu.memory_space<hbm>>) target_semaphore(%run_scoped3A : memref<!tpu.dma_semaphore, #tpu.memory_space<semaphore_mem>>)
        %dma_wait3A = arith.constant 0 : i32
        %dma_wait3A_95 = tpu.memref_slice %arg16[%mul3A_45, %dma_wait3A] : memref<10240x128xf32, #tpu.memory_space<hbm>> -> memref<640x128xf32, #tpu.memory_space<hbm>>
        %dma_wait3A_96 = arith.constant 0 : i32
        %dma_wait3A_97 = tpu.memref_slice %arg21[%mul3A_43, %dma_wait3A_96] : memref<10240x128xf32, #tpu.memory_space<vmem_shared>> -> memref<640x128xf32, #tpu.memory_space<vmem_shared>>
        tpu.wait_dma2 semaphore(%run_scoped3A : memref<!tpu.dma_semaphore, #tpu.memory_space<semaphore_mem>>) src(%dma_wait3A_97 : memref<640x128xf32, #tpu.memory_space<vmem_shared>>) dst(%dma_wait3A_95 : memref<640x128xf32, #tpu.memory_space<hbm>>)
        tpu.yield
      }) : () -> ()
      %barrier3A_46 = arith.constant 0 : index
      tpu.barrier barrier_id(%barrier3A_46)
      %mul3A_47 = arith.constant 640 : i32
      %mul3A_48 = arith.muli %arg1, %mul3A_47 : i32
      %mul3A_49 = arith.constant 640 : i32
      %mul3A_50 = arith.muli %arg1, %mul3A_49 : i32
      "tpu.region"() ({
        %run_scoped3A = tpu.sem_alloc : memref<!tpu.dma_semaphore, #tpu.memory_space<semaphore_mem>>
        %dma_start3A_91 = arith.constant 0 : i32
        %dma_start3A_92 = tpu.memref_slice %arg21[%mul3A_50, %dma_start3A_91] : memref<10240x128xf32, #tpu.memory_space<vmem_shared>> -> memref<640x128xf32, #tpu.memory_space<vmem_shared>>
        %dma_start3A_93 = arith.constant 0 : i32
        %dma_start3A_94 = tpu.memref_slice %arg5[%mul3A_48, %dma_start3A_93] : memref<10240x128xf32, #tpu.memory_space<hbm>> -> memref<640x128xf32, #tpu.memory_space<hbm>>
        tpu.enqueue_dma source(%dma_start3A_94 : memref<640x128xf32, #tpu.memory_space<hbm>>) target(%dma_start3A_92 : memref<640x128xf32, #tpu.memory_space<vmem_shared>>) target_semaphore(%run_scoped3A : memref<!tpu.dma_semaphore, #tpu.memory_space<semaphore_mem>>)
        %dma_wait3A = arith.constant 0 : i32
        %dma_wait3A_95 = tpu.memref_slice %arg21[%mul3A_50, %dma_wait3A] : memref<10240x128xf32, #tpu.memory_space<vmem_shared>> -> memref<640x128xf32, #tpu.memory_space<vmem_shared>>
        %dma_wait3A_96 = arith.constant 0 : i32
        %dma_wait3A_97 = tpu.memref_slice %arg5[%mul3A_48, %dma_wait3A_96] : memref<10240x128xf32, #tpu.memory_space<hbm>> -> memref<640x128xf32, #tpu.memory_space<hbm>>
        tpu.wait_dma2 semaphore(%run_scoped3A : memref<!tpu.dma_semaphore, #tpu.memory_space<semaphore_mem>>) src(%dma_wait3A_97 : memref<640x128xf32, #tpu.memory_space<hbm>>) dst(%dma_wait3A_95 : memref<640x128xf32, #tpu.memory_space<vmem_shared>>)
        tpu.yield
      }) : () -> ()
      %barrier3A_51 = arith.constant 0 : index
      tpu.barrier barrier_id(%barrier3A_51)
      %mul3A_52 = arith.constant 40 : i32
      %mul3A_53 = arith.muli %arg1, %mul3A_52 : i32
      "tpu.region"() ({
        %run_scoped3A = tpu.sem_alloc : memref<!tpu.dma_semaphore, #tpu.memory_space<semaphore_mem>>
        %dma_start3A_91 = arith.constant 0 : i32
        %dma_start3A_92 = tpu.memref_slice %arg9[%mul3A_53, %dma_start3A_91] : memref<640x125xi32, #tpu.memory_space<hbm>> -> memref<40x125xi32, #tpu.memory_space<hbm>>
        %dma_start3A_93 = arith.constant 0 : i32
        %dma_start3A_94 = tpu.memref_slice %arg9[%mul3A_53, %dma_start3A_93] : memref<640x125xi32, #tpu.memory_space<hbm>> -> memref<40x125xi32, #tpu.memory_space<hbm>>
        tpu.enqueue_dma source(%dma_start3A_94 : memref<40x125xi32, #tpu.memory_space<hbm>>) target(%arg18 : memref<40x125xi32, #tpu.memory_space<vmem>>) target_semaphore(%run_scoped3A : memref<!tpu.dma_semaphore, #tpu.memory_space<semaphore_mem>>)
        %dma_wait3A = arith.constant 0 : i32
        %dma_wait3A_95 = tpu.memref_slice %arg9[%mul3A_53, %dma_wait3A] : memref<640x125xi32, #tpu.memory_space<hbm>> -> memref<40x125xi32, #tpu.memory_space<hbm>>
        %dma_wait3A_96 = arith.constant 0 : i32
        %dma_wait3A_97 = tpu.memref_slice %arg9[%mul3A_53, %dma_wait3A_96] : memref<640x125xi32, #tpu.memory_space<hbm>> -> memref<40x125xi32, #tpu.memory_space<hbm>>
        tpu.wait_dma2 semaphore(%run_scoped3A : memref<!tpu.dma_semaphore, #tpu.memory_space<semaphore_mem>>) src(%dma_wait3A_97 : memref<40x125xi32, #tpu.memory_space<hbm>>) dst(%arg18 : memref<40x125xi32, #tpu.memory_space<vmem>>)
        tpu.yield
      }) : () -> ()
      %mul3A_54 = arith.constant 40 : i32
      %mul3A_55 = arith.muli %arg1, %mul3A_54 : i32
      "tpu.region"() ({
        %run_scoped3A = tpu.sem_alloc : memref<!tpu.dma_semaphore, #tpu.memory_space<semaphore_mem>>
        %dma_start3A_91 = arith.constant 0 : i32
        %dma_start3A_92 = tpu.memref_slice %arg13[%mul3A_55, %dma_start3A_91] : memref<640x125xi32, #tpu.memory_space<hbm>> -> memref<40x125xi32, #tpu.memory_space<hbm>>
        %dma_start3A_93 = arith.constant 0 : i32
        %dma_start3A_94 = tpu.memref_slice %arg13[%mul3A_55, %dma_start3A_93] : memref<640x125xi32, #tpu.memory_space<hbm>> -> memref<40x125xi32, #tpu.memory_space<hbm>>
        tpu.enqueue_dma source(%dma_start3A_94 : memref<40x125xi32, #tpu.memory_space<hbm>>) target(%arg19 : memref<40x125xi32, #tpu.memory_space<vmem>>) target_semaphore(%run_scoped3A : memref<!tpu.dma_semaphore, #tpu.memory_space<semaphore_mem>>)
        %dma_wait3A = arith.constant 0 : i32
        %dma_wait3A_95 = tpu.memref_slice %arg13[%mul3A_55, %dma_wait3A] : memref<640x125xi32, #tpu.memory_space<hbm>> -> memref<40x125xi32, #tpu.memory_space<hbm>>
        %dma_wait3A_96 = arith.constant 0 : i32
        %dma_wait3A_97 = tpu.memref_slice %arg13[%mul3A_55, %dma_wait3A_96] : memref<640x125xi32, #tpu.memory_space<hbm>> -> memref<40x125xi32, #tpu.memory_space<hbm>>
        tpu.wait_dma2 semaphore(%run_scoped3A : memref<!tpu.dma_semaphore, #tpu.memory_space<semaphore_mem>>) src(%dma_wait3A_97 : memref<40x125xi32, #tpu.memory_space<hbm>>) dst(%arg19 : memref<40x125xi32, #tpu.memory_space<vmem>>)
        tpu.yield
      }) : () -> ()
      %dma_start3A_56 = arith.constant 0 : i32
      %dma_start3A_57 = arith.constant 0 : i32
      %dma_start3A_58 = arith.constant 0 : i32
      %dma_start3A_59 = arith.constant 0 : i32
      %dma_start3A_60 = tpu.memref_slice %arg20[%dma_start3A_57, %dma_start3A_58, %dma_start3A_59] : memref<2x125x128xf32, #tpu.memory_space<vmem>> -> memref<1x125x128xf32, #tpu.memory_space<vmem>>
      %dma_start3A_61 = tpu.memref_squeeze %dma_start3A_60 : memref<1x125x128xf32, #tpu.memory_space<vmem>> -> memref<125x128xf32, #tpu.memory_space<vmem>>
      %dma_start3A_62 = arith.constant 0 : i32
      %dma_start3A_63 = tpu.memref_slice %arg18[%dma_start3A_56, %dma_start3A_62] : memref<40x125xi32, #tpu.memory_space<vmem>> -> memref<1x125xi32, #tpu.memory_space<vmem>>
      %dma_start3A_64 = tpu.memref_squeeze %dma_start3A_63 : memref<1x125xi32, #tpu.memory_space<vmem>> -> memref<125xi32, #tpu.memory_space<vmem>>
      %dma_start3A_65 = arith.constant 0 : i32
      %dma_start3A_66 = arith.constant 0 : i32
      %dma_start3A_67 = tpu.memref_slice %arg5[%dma_start3A_65, %dma_start3A_66] : memref<10240x128xf32, #tpu.memory_space<hbm>> -> memref<10240x128xf32, #tpu.memory_space<hbm>>
      tpu.enqueue_indirect_dma source(%dma_start3A_67 : memref<10240x128xf32, #tpu.memory_space<hbm>>) target(%dma_start3A_61 : memref<125x128xf32, #tpu.memory_space<vmem>>) offsets(%dma_start3A_64 : memref<125xi32, #tpu.memory_space<vmem>>) semaphore(%arg22 : memref<!tpu.dma_semaphore, #tpu.memory_space<semaphore_mem>>)
      %dma_start3A_68 = arith.constant 1 : i32
      %dma_start3A_69 = arith.constant 1 : i32
      %dma_start3A_70 = arith.constant 0 : i32
      %dma_start3A_71 = arith.constant 0 : i32
      %dma_start3A_72 = tpu.memref_slice %arg20[%dma_start3A_69, %dma_start3A_70, %dma_start3A_71] : memref<2x125x128xf32, #tpu.memory_space<vmem>> -> memref<1x125x128xf32, #tpu.memory_space<vmem>>
      %dma_start3A_73 = tpu.memref_squeeze %dma_start3A_72 : memref<1x125x128xf32, #tpu.memory_space<vmem>> -> memref<125x128xf32, #tpu.memory_space<vmem>>
      %dma_start3A_74 = arith.constant 0 : i32
      %dma_start3A_75 = tpu.memref_slice %arg18[%dma_start3A_68, %dma_start3A_74] : memref<40x125xi32, #tpu.memory_space<vmem>> -> memref<1x125xi32, #tpu.memory_space<vmem>>
      %dma_start3A_76 = tpu.memref_squeeze %dma_start3A_75 : memref<1x125xi32, #tpu.memory_space<vmem>> -> memref<125xi32, #tpu.memory_space<vmem>>
      %dma_start3A_77 = arith.constant 0 : i32
      %dma_start3A_78 = arith.constant 0 : i32
      %dma_start3A_79 = tpu.memref_slice %arg5[%dma_start3A_77, %dma_start3A_78] : memref<10240x128xf32, #tpu.memory_space<hbm>> -> memref<10240x128xf32, #tpu.memory_space<hbm>>
      tpu.enqueue_indirect_dma source(%dma_start3A_79 : memref<10240x128xf32, #tpu.memory_space<hbm>>) target(%dma_start3A_73 : memref<125x128xf32, #tpu.memory_space<vmem>>) offsets(%dma_start3A_76 : memref<125xi32, #tpu.memory_space<vmem>>) semaphore(%arg23 : memref<!tpu.dma_semaphore, #tpu.memory_space<semaphore_mem>>)
      %scan3A_80 = arith.constant 0 : i32
      %scan3A_81 = arith.constant 20 : i32
      %scan3A_82 = arith.addi %scan3A_80, %scan3A_81 : i32
      %scan3A_83 = arith.constant 1 : i32
      scf.for %scan3A_91 = %scan3A_80 to %scan3A_82 step %scan3A_83  : i32 {
        %mul3A_92 = arith.constant 2 : i32
        %mul3A_93 = arith.muli %scan3A_91, %mul3A_92 : i32
        %add3A = arith.constant 0 : i32
        %add3A_94 = arith.addi %add3A, %mul3A_93 : i32
        %add3A_95 = arith.constant 0 : i32
        %add3A_96 = arith.addi %add3A_94, %add3A_95 : i32
        %dma_wait3A = arith.constant 0 : i32
        %dma_wait3A_97 = arith.constant 0 : i32
        %dma_wait3A_98 = arith.constant 0 : i32
        %dma_wait3A_99 = tpu.memref_slice %arg20[%dma_wait3A, %dma_wait3A_97, %dma_wait3A_98] : memref<2x125x128xf32, #tpu.memory_space<vmem>> -> memref<1x125x128xf32, #tpu.memory_space<vmem>>
        %dma_wait3A_100 = tpu.memref_squeeze %dma_wait3A_99 : memref<1x125x128xf32, #tpu.memory_space<vmem>> -> memref<125x128xf32, #tpu.memory_space<vmem>>
        %dma_wait3A_101 = arith.constant 0 : i32
        %dma_wait3A_102 = tpu.memref_slice %arg18[%add3A_96, %dma_wait3A_101] : memref<40x125xi32, #tpu.memory_space<vmem>> -> memref<1x125xi32, #tpu.memory_space<vmem>>
        %dma_wait3A_103 = tpu.memref_squeeze %dma_wait3A_102 : memref<1x125xi32, #tpu.memory_space<vmem>> -> memref<125xi32, #tpu.memory_space<vmem>>
        %dma_wait3A_104 = arith.constant 0 : i32
        %dma_wait3A_105 = arith.constant 0 : i32
        %dma_wait3A_106 = tpu.memref_slice %arg5[%dma_wait3A_104, %dma_wait3A_105] : memref<10240x128xf32, #tpu.memory_space<hbm>> -> memref<10240x128xf32, #tpu.memory_space<hbm>>
        tpu.wait_indirect_dma semaphore(%arg22 : memref<!tpu.dma_semaphore, #tpu.memory_space<semaphore_mem>>) src(%dma_wait3A_106 : memref<10240x128xf32, #tpu.memory_space<hbm>>) dst(%dma_wait3A_100 : memref<125x128xf32, #tpu.memory_space<vmem>>)
        %run_scoped3A = arith.constant 0 : i32
        "tpu.region"() ({
          %run_scoped3A_134 = tpu.sem_alloc : memref<!tpu.dma_semaphore, #tpu.memory_space<semaphore_mem>>
          %dma_start3A_135 = arith.constant 0 : i32
          %dma_start3A_136 = arith.constant 0 : i32
          %dma_start3A_137 = tpu.memref_slice %arg20[%run_scoped3A, %dma_start3A_135, %dma_start3A_136] : memref<2x125x128xf32, #tpu.memory_space<vmem>> -> memref<1x125x128xf32, #tpu.memory_space<vmem>>
          %dma_start3A_138 = tpu.memref_squeeze %dma_start3A_137 : memref<1x125x128xf32, #tpu.memory_space<vmem>> -> memref<125x128xf32, #tpu.memory_space<vmem>>
          %dma_start3A_139 = arith.constant 0 : i32
          %dma_start3A_140 = tpu.memref_slice %arg19[%add3A_96, %dma_start3A_139] : memref<40x125xi32, #tpu.memory_space<vmem>> -> memref<1x125xi32, #tpu.memory_space<vmem>>
          %dma_start3A_141 = tpu.memref_squeeze %dma_start3A_140 : memref<1x125xi32, #tpu.memory_space<vmem>> -> memref<125xi32, #tpu.memory_space<vmem>>
          %dma_start3A_142 = arith.constant 0 : i32
          %dma_start3A_143 = arith.constant 0 : i32
          %dma_start3A_144 = tpu.memref_slice %arg21[%dma_start3A_142, %dma_start3A_143] : memref<10240x128xf32, #tpu.memory_space<vmem_shared>> -> memref<10240x128xf32, #tpu.memory_space<vmem_shared>>
          tpu.enqueue_indirect_dma source(%dma_start3A_138 : memref<125x128xf32, #tpu.memory_space<vmem>>) target(%dma_start3A_144 : memref<10240x128xf32, #tpu.memory_space<vmem_shared>>) offsets(%dma_start3A_141 : memref<125xi32, #tpu.memory_space<vmem>>) semaphore(%run_scoped3A_134 : memref<!tpu.dma_semaphore, #tpu.memory_space<semaphore_mem>>) {add = true}
          %dma_wait3A_145 = arith.constant 0 : i32
          %dma_wait3A_146 = arith.constant 0 : i32
          %dma_wait3A_147 = tpu.memref_slice %arg20[%run_scoped3A, %dma_wait3A_145, %dma_wait3A_146] : memref<2x125x128xf32, #tpu.memory_space<vmem>> -> memref<1x125x128xf32, #tpu.memory_space<vmem>>
          %dma_wait3A_148 = tpu.memref_squeeze %dma_wait3A_147 : memref<1x125x128xf32, #tpu.memory_space<vmem>> -> memref<125x128xf32, #tpu.memory_space<vmem>>
          %dma_wait3A_149 = arith.constant 0 : i32
          %dma_wait3A_150 = tpu.memref_slice %arg19[%add3A_96, %dma_wait3A_149] : memref<40x125xi32, #tpu.memory_space<vmem>> -> memref<1x125xi32, #tpu.memory_space<vmem>>
          %dma_wait3A_151 = tpu.memref_squeeze %dma_wait3A_150 : memref<1x125xi32, #tpu.memory_space<vmem>> -> memref<125xi32, #tpu.memory_space<vmem>>
          %dma_wait3A_152 = arith.constant 0 : i32
          %dma_wait3A_153 = arith.constant 0 : i32
          %dma_wait3A_154 = tpu.memref_slice %arg21[%dma_wait3A_152, %dma_wait3A_153] : memref<10240x128xf32, #tpu.memory_space<vmem_shared>> -> memref<10240x128xf32, #tpu.memory_space<vmem_shared>>
          tpu.wait_indirect_dma semaphore(%run_scoped3A_134 : memref<!tpu.dma_semaphore, #tpu.memory_space<semaphore_mem>>) src(%dma_wait3A_148 : memref<125x128xf32, #tpu.memory_space<vmem>>) dst(%dma_wait3A_154 : memref<10240x128xf32, #tpu.memory_space<vmem_shared>>)
          tpu.yield
        }) : () -> ()
        %add3A_107 = arith.constant 2 : i32
        %add3A_108 = arith.addi %add3A_96, %add3A_107 : i32
        %lt3A = arith.constant 40 : i32
        %lt3A_109 = arith.cmpi slt, %add3A_108, %lt3A : i32
        %convert_element_type3A_110 = arith.extui %lt3A_109 : i1 to i32
        %cond3A_111 = arith.constant 0 : i32
        %cond3A_112 = arith.cmpi ne, %convert_element_type3A_110, %cond3A_111 : i32
        scf.if %cond3A_112 {
          %add3A_134 = arith.constant 2 : i32
          %add3A_135 = arith.addi %add3A_96, %add3A_134 : i32
          %dma_start3A_136 = arith.constant 0 : i32
          %dma_start3A_137 = arith.constant 0 : i32
          %dma_start3A_138 = arith.constant 0 : i32
          %dma_start3A_139 = tpu.memref_slice %arg20[%dma_start3A_136, %dma_start3A_137, %dma_start3A_138] : memref<2x125x128xf32, #tpu.memory_space<vmem>> -> memref<1x125x128xf32, #tpu.memory_space<vmem>>
          %dma_start3A_140 = tpu.memref_squeeze %dma_start3A_139 : memref<1x125x128xf32, #tpu.memory_space<vmem>> -> memref<125x128xf32, #tpu.memory_space<vmem>>
          %dma_start3A_141 = arith.constant 0 : i32
          %dma_start3A_142 = tpu.memref_slice %arg18[%add3A_135, %dma_start3A_141] : memref<40x125xi32, #tpu.memory_space<vmem>> -> memref<1x125xi32, #tpu.memory_space<vmem>>
          %dma_start3A_143 = tpu.memref_squeeze %dma_start3A_142 : memref<1x125xi32, #tpu.memory_space<vmem>> -> memref<125xi32, #tpu.memory_space<vmem>>
          %dma_start3A_144 = arith.constant 0 : i32
          %dma_start3A_145 = arith.constant 0 : i32
          %dma_start3A_146 = tpu.memref_slice %arg5[%dma_start3A_144, %dma_start3A_145] : memref<10240x128xf32, #tpu.memory_space<hbm>> -> memref<10240x128xf32, #tpu.memory_space<hbm>>
          tpu.enqueue_indirect_dma source(%dma_start3A_146 : memref<10240x128xf32, #tpu.memory_space<hbm>>) target(%dma_start3A_140 : memref<125x128xf32, #tpu.memory_space<vmem>>) offsets(%dma_start3A_143 : memref<125xi32, #tpu.memory_space<vmem>>) semaphore(%arg22 : memref<!tpu.dma_semaphore, #tpu.memory_space<semaphore_mem>>)
        } else {
        }
        %add3A_113 = arith.constant 1 : i32
        %add3A_114 = arith.addi %add3A_94, %add3A_113 : i32
        %dma_wait3A_115 = arith.constant 1 : i32
        %dma_wait3A_116 = arith.constant 0 : i32
        %dma_wait3A_117 = arith.constant 0 : i32
        %dma_wait3A_118 = tpu.memref_slice %arg20[%dma_wait3A_115, %dma_wait3A_116, %dma_wait3A_117] : memref<2x125x128xf32, #tpu.memory_space<vmem>> -> memref<1x125x128xf32, #tpu.memory_space<vmem>>
        %dma_wait3A_119 = tpu.memref_squeeze %dma_wait3A_118 : memref<1x125x128xf32, #tpu.memory_space<vmem>> -> memref<125x128xf32, #tpu.memory_space<vmem>>
        %dma_wait3A_120 = arith.constant 0 : i32
        %dma_wait3A_121 = tpu.memref_slice %arg18[%add3A_114, %dma_wait3A_120] : memref<40x125xi32, #tpu.memory_space<vmem>> -> memref<1x125xi32, #tpu.memory_space<vmem>>
        %dma_wait3A_122 = tpu.memref_squeeze %dma_wait3A_121 : memref<1x125xi32, #tpu.memory_space<vmem>> -> memref<125xi32, #tpu.memory_space<vmem>>
        %dma_wait3A_123 = arith.constant 0 : i32
        %dma_wait3A_124 = arith.constant 0 : i32
        %dma_wait3A_125 = tpu.memref_slice %arg5[%dma_wait3A_123, %dma_wait3A_124] : memref<10240x128xf32, #tpu.memory_space<hbm>> -> memref<10240x128xf32, #tpu.memory_space<hbm>>
        tpu.wait_indirect_dma semaphore(%arg23 : memref<!tpu.dma_semaphore, #tpu.memory_space<semaphore_mem>>) src(%dma_wait3A_125 : memref<10240x128xf32, #tpu.memory_space<hbm>>) dst(%dma_wait3A_119 : memref<125x128xf32, #tpu.memory_space<vmem>>)
        %run_scoped3A_126 = arith.constant 1 : i32
        "tpu.region"() ({
          %run_scoped3A_134 = tpu.sem_alloc : memref<!tpu.dma_semaphore, #tpu.memory_space<semaphore_mem>>
          %dma_start3A_135 = arith.constant 0 : i32
          %dma_start3A_136 = arith.constant 0 : i32
          %dma_start3A_137 = tpu.memref_slice %arg20[%run_scoped3A_126, %dma_start3A_135, %dma_start3A_136] : memref<2x125x128xf32, #tpu.memory_space<vmem>> -> memref<1x125x128xf32, #tpu.memory_space<vmem>>
          %dma_start3A_138 = tpu.memref_squeeze %dma_start3A_137 : memref<1x125x128xf32, #tpu.memory_space<vmem>> -> memref<125x128xf32, #tpu.memory_space<vmem>>
          %dma_start3A_139 = arith.constant 0 : i32
          %dma_start3A_140 = tpu.memref_slice %arg19[%add3A_114, %dma_start3A_139] : memref<40x125xi32, #tpu.memory_space<vmem>> -> memref<1x125xi32, #tpu.memory_space<vmem>>
          %dma_start3A_141 = tpu.memref_squeeze %dma_start3A_140 : memref<1x125xi32, #tpu.memory_space<vmem>> -> memref<125xi32, #tpu.memory_space<vmem>>
          %dma_start3A_142 = arith.constant 0 : i32
          %dma_start3A_143 = arith.constant 0 : i32
          %dma_start3A_144 = tpu.memref_slice %arg21[%dma_start3A_142, %dma_start3A_143] : memref<10240x128xf32, #tpu.memory_space<vmem_shared>> -> memref<10240x128xf32, #tpu.memory_space<vmem_shared>>
          tpu.enqueue_indirect_dma source(%dma_start3A_138 : memref<125x128xf32, #tpu.memory_space<vmem>>) target(%dma_start3A_144 : memref<10240x128xf32, #tpu.memory_space<vmem_shared>>) offsets(%dma_start3A_141 : memref<125xi32, #tpu.memory_space<vmem>>) semaphore(%run_scoped3A_134 : memref<!tpu.dma_semaphore, #tpu.memory_space<semaphore_mem>>) {add = true}
          %dma_wait3A_145 = arith.constant 0 : i32
          %dma_wait3A_146 = arith.constant 0 : i32
          %dma_wait3A_147 = tpu.memref_slice %arg20[%run_scoped3A_126, %dma_wait3A_145, %dma_wait3A_146] : memref<2x125x128xf32, #tpu.memory_space<vmem>> -> memref<1x125x128xf32, #tpu.memory_space<vmem>>
          %dma_wait3A_148 = tpu.memref_squeeze %dma_wait3A_147 : memref<1x125x128xf32, #tpu.memory_space<vmem>> -> memref<125x128xf32, #tpu.memory_space<vmem>>
          %dma_wait3A_149 = arith.constant 0 : i32
          %dma_wait3A_150 = tpu.memref_slice %arg19[%add3A_114, %dma_wait3A_149] : memref<40x125xi32, #tpu.memory_space<vmem>> -> memref<1x125xi32, #tpu.memory_space<vmem>>
          %dma_wait3A_151 = tpu.memref_squeeze %dma_wait3A_150 : memref<1x125xi32, #tpu.memory_space<vmem>> -> memref<125xi32, #tpu.memory_space<vmem>>
          %dma_wait3A_152 = arith.constant 0 : i32
          %dma_wait3A_153 = arith.constant 0 : i32
          %dma_wait3A_154 = tpu.memref_slice %arg21[%dma_wait3A_152, %dma_wait3A_153] : memref<10240x128xf32, #tpu.memory_space<vmem_shared>> -> memref<10240x128xf32, #tpu.memory_space<vmem_shared>>
          tpu.wait_indirect_dma semaphore(%run_scoped3A_134 : memref<!tpu.dma_semaphore, #tpu.memory_space<semaphore_mem>>) src(%dma_wait3A_148 : memref<125x128xf32, #tpu.memory_space<vmem>>) dst(%dma_wait3A_154 : memref<10240x128xf32, #tpu.memory_space<vmem_shared>>)
          tpu.yield
        }) : () -> ()
        %add3A_127 = arith.constant 2 : i32
        %add3A_128 = arith.addi %add3A_114, %add3A_127 : i32
        %lt3A_129 = arith.constant 40 : i32
        %lt3A_130 = arith.cmpi slt, %add3A_128, %lt3A_129 : i32
        %convert_element_type3A_131 = arith.extui %lt3A_130 : i1 to i32
        %cond3A_132 = arith.constant 0 : i32
        %cond3A_133 = arith.cmpi ne, %convert_element_type3A_131, %cond3A_132 : i32
        scf.if %cond3A_133 {
          %add3A_134 = arith.constant 2 : i32
          %add3A_135 = arith.addi %add3A_114, %add3A_134 : i32
          %dma_start3A_136 = arith.constant 1 : i32
          %dma_start3A_137 = arith.constant 0 : i32
          %dma_start3A_138 = arith.constant 0 : i32
          %dma_start3A_139 = tpu.memref_slice %arg20[%dma_start3A_136, %dma_start3A_137, %dma_start3A_138] : memref<2x125x128xf32, #tpu.memory_space<vmem>> -> memref<1x125x128xf32, #tpu.memory_space<vmem>>
          %dma_start3A_140 = tpu.memref_squeeze %dma_start3A_139 : memref<1x125x128xf32, #tpu.memory_space<vmem>> -> memref<125x128xf32, #tpu.memory_space<vmem>>
          %dma_start3A_141 = arith.constant 0 : i32
          %dma_start3A_142 = tpu.memref_slice %arg18[%add3A_135, %dma_start3A_141] : memref<40x125xi32, #tpu.memory_space<vmem>> -> memref<1x125xi32, #tpu.memory_space<vmem>>
          %dma_start3A_143 = tpu.memref_squeeze %dma_start3A_142 : memref<1x125xi32, #tpu.memory_space<vmem>> -> memref<125xi32, #tpu.memory_space<vmem>>
          %dma_start3A_144 = arith.constant 0 : i32
          %dma_start3A_145 = arith.constant 0 : i32
          %dma_start3A_146 = tpu.memref_slice %arg5[%dma_start3A_144, %dma_start3A_145] : memref<10240x128xf32, #tpu.memory_space<hbm>> -> memref<10240x128xf32, #tpu.memory_space<hbm>>
          tpu.enqueue_indirect_dma source(%dma_start3A_146 : memref<10240x128xf32, #tpu.memory_space<hbm>>) target(%dma_start3A_140 : memref<125x128xf32, #tpu.memory_space<vmem>>) offsets(%dma_start3A_143 : memref<125xi32, #tpu.memory_space<vmem>>) semaphore(%arg23 : memref<!tpu.dma_semaphore, #tpu.memory_space<semaphore_mem>>)
        } else {
        }
      }
      %scan3A_84 = arith.constant 20 : i32
      %barrier3A_85 = arith.constant 0 : index
      tpu.barrier barrier_id(%barrier3A_85)
      %mul3A_86 = arith.constant 640 : i32
      %mul3A_87 = arith.muli %arg1, %mul3A_86 : i32
      %mul3A_88 = arith.constant 640 : i32
      %mul3A_89 = arith.muli %arg1, %mul3A_88 : i32
      "tpu.region"() ({
        %run_scoped3A = tpu.sem_alloc : memref<!tpu.dma_semaphore, #tpu.memory_space<semaphore_mem>>
        %dma_start3A_91 = arith.constant 0 : i32
        %dma_start3A_92 = tpu.memref_slice %arg17[%mul3A_89, %dma_start3A_91] : memref<10240x128xf32, #tpu.memory_space<hbm>> -> memref<640x128xf32, #tpu.memory_space<hbm>>
        %dma_start3A_93 = arith.constant 0 : i32
        %dma_start3A_94 = tpu.memref_slice %arg21[%mul3A_87, %dma_start3A_93] : memref<10240x128xf32, #tpu.memory_space<vmem_shared>> -> memref<640x128xf32, #tpu.memory_space<vmem_shared>>
        tpu.enqueue_dma source(%dma_start3A_94 : memref<640x128xf32, #tpu.memory_space<vmem_shared>>) target(%dma_start3A_92 : memref<640x128xf32, #tpu.memory_space<hbm>>) target_semaphore(%run_scoped3A : memref<!tpu.dma_semaphore, #tpu.memory_space<semaphore_mem>>)
        %dma_wait3A = arith.constant 0 : i32
        %dma_wait3A_95 = tpu.memref_slice %arg17[%mul3A_89, %dma_wait3A] : memref<10240x128xf32, #tpu.memory_space<hbm>> -> memref<640x128xf32, #tpu.memory_space<hbm>>
        %dma_wait3A_96 = arith.constant 0 : i32
        %dma_wait3A_97 = tpu.memref_slice %arg21[%mul3A_87, %dma_wait3A_96] : memref<10240x128xf32, #tpu.memory_space<vmem_shared>> -> memref<640x128xf32, #tpu.memory_space<vmem_shared>>
        tpu.wait_dma2 semaphore(%run_scoped3A : memref<!tpu.dma_semaphore, #tpu.memory_space<semaphore_mem>>) src(%dma_wait3A_97 : memref<640x128xf32, #tpu.memory_space<vmem_shared>>) dst(%dma_wait3A_95 : memref<640x128xf32, #tpu.memory_space<hbm>>)
        tpu.yield
      }) : () -> ()
      %barrier3A_90 = arith.constant 0 : index
      tpu.barrier barrier_id(%barrier3A_90)
    } else {
    }
    return
  }
}

module attributes {stable_mosaic.version = 14 : i64} {
  func.func @_scale_body(%arg0: i32, %arg1: memref<5120x128xf32, #tpu.memory_space<vmem>>, %arg2: memref<128x128xf32, #tpu.memory_space<vmem>>, %arg3: memref<128x128xf32, #tpu.memory_space<vmem>>, %arg4: memref<8x5120xf32, #tpu.memory_space<vmem>>, %arg5: memref<5120x128xf32, #tpu.memory_space<vmem>>, %arg6: memref<5120x128xf32, #tpu.memory_space<vmem>>, %arg7: memref<5120x128xf32, #tpu.memory_space<vmem>>, %arg8: memref<5120x128xf32, #tpu.memory_space<vmem>>) attributes {dimension_semantics = [#tpu.dimension_semantics<arbitrary>], iteration_bounds = array<i64: 2>, scalar_prefetch = 0 : i64, scratch_operands = 0 : i64, tpu.core_type = #tpu.core_type<tc>, window_params = [{transform_indices = @transform_0, window_bounds = array<i64: 5120, 128>}, {pipeline_mode = #tpu.pipeline_mode<synchronous>, transform_indices = @transform_1, window_bounds = array<i64: 128, 128>}, {pipeline_mode = #tpu.pipeline_mode<synchronous>, transform_indices = @transform_2, window_bounds = array<i64: 128, 128>}, {transform_indices = @transform_3, window_bounds = array<i64: 8, 5120>}, {transform_indices = @transform_4, window_bounds = array<i64: 5120, 128>}, {transform_indices = @transform_5, window_bounds = array<i64: 5120, 128>}, {transform_indices = @transform_6, window_bounds = array<i64: 5120, 128>}, {transform_indices = @transform_7, window_bounds = array<i64: 5120, 128>}]} {
    %get3A = arith.constant 0 : index
    %get3A_0 = arith.constant 0 : index
    %get3A_1 = vector.load %arg1[%get3A, %get3A_0] : memref<5120x128xf32, #tpu.memory_space<vmem>>, vector<5120x128xf32>
    %get3A_2 = arith.constant 0 : index
    %get3A_3 = arith.constant 0 : index
    %get3A_4 = vector.load %arg2[%get3A_2, %get3A_3] : memref<128x128xf32, #tpu.memory_space<vmem>>, vector<128x128xf32>
    %dot_general3A = arith.constant dense<0.000000e+00> : vector<5120x128xf32>
    %dot_general3A_5 = tpu.matmul %get3A_1, %get3A_4, %dot_general3A {dimension_numbers = #tpu.dot_dimension_numbers<[1], [0], [0], [1], [0, 0, 1, 1], [], []>, transpose_lhs_hint = false} : vector<5120x128xf32>, vector<128x128xf32>, vector<5120x128xf32> -> vector<5120x128xf32>
    %get3A_6 = arith.constant 0 : index
    %get3A_7 = arith.constant 0 : index
    %get3A_8 = vector.load %arg1[%get3A_6, %get3A_7] : memref<5120x128xf32, #tpu.memory_space<vmem>>, vector<5120x128xf32>
    %get3A_9 = arith.constant 0 : index
    %get3A_10 = arith.constant 0 : index
    %get3A_11 = vector.load %arg3[%get3A_9, %get3A_10] : memref<128x128xf32, #tpu.memory_space<vmem>>, vector<128x128xf32>
    %dot_general3A_12 = arith.constant dense<0.000000e+00> : vector<5120x128xf32>
    %dot_general3A_13 = tpu.matmul %get3A_8, %get3A_11, %dot_general3A_12 {dimension_numbers = #tpu.dot_dimension_numbers<[1], [0], [0], [1], [0, 0, 1, 1], [], []>, transpose_lhs_hint = false} : vector<5120x128xf32>, vector<128x128xf32>, vector<5120x128xf32> -> vector<5120x128xf32>
    %get3A_14 = arith.constant 0 : index
    %get3A_15 = arith.constant 0 : index
    %get3A_16 = vector.load %arg4[%get3A_14, %get3A_15] : memref<8x5120xf32, #tpu.memory_space<vmem>>, vector<8x5120xf32>
    %add3A = arith.constant 1.000000e+00 : f32
    %add3A_17 = vector.broadcast %add3A : f32 to vector<8x5120xf32>
    %add3A_18 = arith.addf %get3A_16, %add3A_17 : vector<8x5120xf32>
    %rsqrt3A = math.rsqrt %add3A_18 : vector<8x5120xf32>
    %slice3A = vector.extract_strided_slice %rsqrt3A {offsets = [0, 0], sizes = [1, 5120], strides = [1, 1]} : vector<8x5120xf32> to vector<1x5120xf32>
    %squeeze3A = vector.shape_cast %slice3A : vector<1x5120xf32> to vector<5120xf32>
    %broadcast_in_dim3A = vector.shape_cast %squeeze3A : vector<5120xf32> to vector<5120x1xf32>
    %mul3A = vector.broadcast %broadcast_in_dim3A : vector<5120x1xf32> to vector<5120x128xf32>
    %mul3A_19 = arith.mulf %dot_general3A_5, %mul3A : vector<5120x128xf32>
    %swap3A = arith.constant 0 : index
    %swap3A_20 = arith.constant 0 : index
    %swap3A_21 = vector.load %arg5[%swap3A, %swap3A_20] : memref<5120x128xf32, #tpu.memory_space<vmem>>, vector<5120x128xf32>
    tpu.vector_store %arg5[%swap3A, %swap3A_20], %mul3A_19 {strides = array<i32>} : memref<5120x128xf32, #tpu.memory_space<vmem>>, vector<5120x128xf32>,
    %slice3A_22 = vector.extract_strided_slice %rsqrt3A {offsets = [1, 0], sizes = [1, 5120], strides = [1, 1]} : vector<8x5120xf32> to vector<1x5120xf32>
    %squeeze3A_23 = vector.shape_cast %slice3A_22 : vector<1x5120xf32> to vector<5120xf32>
    %broadcast_in_dim3A_24 = vector.shape_cast %squeeze3A_23 : vector<5120xf32> to vector<5120x1xf32>
    %mul3A_25 = vector.broadcast %broadcast_in_dim3A_24 : vector<5120x1xf32> to vector<5120x128xf32>
    %mul3A_26 = arith.mulf %dot_general3A_5, %mul3A_25 : vector<5120x128xf32>
    %swap3A_27 = arith.constant 0 : index
    %swap3A_28 = arith.constant 0 : index
    %swap3A_29 = vector.load %arg6[%swap3A_27, %swap3A_28] : memref<5120x128xf32, #tpu.memory_space<vmem>>, vector<5120x128xf32>
    tpu.vector_store %arg6[%swap3A_27, %swap3A_28], %mul3A_26 {strides = array<i32>} : memref<5120x128xf32, #tpu.memory_space<vmem>>, vector<5120x128xf32>,
    %slice3A_30 = vector.extract_strided_slice %rsqrt3A {offsets = [2, 0], sizes = [1, 5120], strides = [1, 1]} : vector<8x5120xf32> to vector<1x5120xf32>
    %squeeze3A_31 = vector.shape_cast %slice3A_30 : vector<1x5120xf32> to vector<5120xf32>
    %broadcast_in_dim3A_32 = vector.shape_cast %squeeze3A_31 : vector<5120xf32> to vector<5120x1xf32>
    %mul3A_33 = vector.broadcast %broadcast_in_dim3A_32 : vector<5120x1xf32> to vector<5120x128xf32>
    %mul3A_34 = arith.mulf %dot_general3A_13, %mul3A_33 : vector<5120x128xf32>
    %swap3A_35 = arith.constant 0 : index
    %swap3A_36 = arith.constant 0 : index
    %swap3A_37 = vector.load %arg7[%swap3A_35, %swap3A_36] : memref<5120x128xf32, #tpu.memory_space<vmem>>, vector<5120x128xf32>
    tpu.vector_store %arg7[%swap3A_35, %swap3A_36], %mul3A_34 {strides = array<i32>} : memref<5120x128xf32, #tpu.memory_space<vmem>>, vector<5120x128xf32>,
    %slice3A_38 = vector.extract_strided_slice %rsqrt3A {offsets = [3, 0], sizes = [1, 5120], strides = [1, 1]} : vector<8x5120xf32> to vector<1x5120xf32>
    %squeeze3A_39 = vector.shape_cast %slice3A_38 : vector<1x5120xf32> to vector<5120xf32>
    %broadcast_in_dim3A_40 = vector.shape_cast %squeeze3A_39 : vector<5120xf32> to vector<5120x1xf32>
    %mul3A_41 = vector.broadcast %broadcast_in_dim3A_40 : vector<5120x1xf32> to vector<5120x128xf32>
    %mul3A_42 = arith.mulf %dot_general3A_13, %mul3A_41 : vector<5120x128xf32>
    %swap3A_43 = arith.constant 0 : index
    %swap3A_44 = arith.constant 0 : index
    %swap3A_45 = vector.load %arg8[%swap3A_43, %swap3A_44] : memref<5120x128xf32, #tpu.memory_space<vmem>>, vector<5120x128xf32>
    tpu.vector_store %arg8[%swap3A_43, %swap3A_44], %mul3A_42 {strides = array<i32>} : memref<5120x128xf32, #tpu.memory_space<vmem>>, vector<5120x128xf32>,
    return
  }
  func.func @transform_0(%arg0: i32) -> (i32, i32) {
    %c0_i32 = arith.constant 0 : i32
    %c0_i32_0 = arith.constant 0 : i32
    return %arg0, %c0_i32 : i32, i32
  }
  func.func @transform_1(%arg0: i32) -> (i32, i32) {
    %c0_i32 = arith.constant 0 : i32
    %c0_i32_0 = arith.constant 0 : i32
    %c0_i32_1 = arith.constant 0 : i32
    return %c0_i32, %c0_i32_0 : i32, i32
  }
  func.func @transform_2(%arg0: i32) -> (i32, i32) {
    %c0_i32 = arith.constant 0 : i32
    %c0_i32_0 = arith.constant 0 : i32
    %c0_i32_1 = arith.constant 0 : i32
    return %c0_i32, %c0_i32_0 : i32, i32
  }
  func.func @transform_3(%arg0: i32) -> (i32, i32) {
    %c0_i32 = arith.constant 0 : i32
    %c0_i32_0 = arith.constant 0 : i32
    return %c0_i32, %arg0 : i32, i32
  }
  func.func @transform_4(%arg0: i32) -> (i32, i32) {
    %c0_i32 = arith.constant 0 : i32
    %c0_i32_0 = arith.constant 0 : i32
    return %arg0, %c0_i32 : i32, i32
  }
  func.func @transform_5(%arg0: i32) -> (i32, i32) {
    %c0_i32 = arith.constant 0 : i32
    %c0_i32_0 = arith.constant 0 : i32
    return %arg0, %c0_i32 : i32, i32
  }
  func.func @transform_6(%arg0: i32) -> (i32, i32) {
    %c0_i32 = arith.constant 0 : i32
    %c0_i32_0 = arith.constant 0 : i32
    return %arg0, %c0_i32 : i32, i32
  }
  func.func @transform_7(%arg0: i32) -> (i32, i32) {
    %c0_i32 = arith.constant 0 : i32
    %c0_i32_0 = arith.constant 0 : i32
    return %arg0, %c0_i32 : i32, i32
  }
}

module attributes {stable_mosaic.version = 14 : i64} {
  func.func @_finish_body(%arg0: i32, %arg1: memref<5120x128xf32, #tpu.memory_space<vmem>>, %arg2: memref<5120x128xf32, #tpu.memory_space<vmem>>, %arg3: memref<5120x128xf32, #tpu.memory_space<vmem>>, %arg4: memref<5120x128xf32, #tpu.memory_space<vmem>>, %arg5: memref<8x5120xf32, #tpu.memory_space<vmem>>, %arg6: memref<1x128xf32, #tpu.memory_space<vmem>>, %arg7: memref<1x128xf32, #tpu.memory_space<vmem>>, %arg8: memref<128x128xf32, #tpu.memory_space<vmem>>, %arg9: memref<128x128xf32, #tpu.memory_space<vmem>>, %arg10: memref<1x128xf32, #tpu.memory_space<vmem>>, %arg11: memref<5120x128xf32, #tpu.memory_space<vmem>>, %arg12: memref<5120x128xf32, #tpu.memory_space<vmem>>) attributes {dimension_semantics = [#tpu.dimension_semantics<arbitrary>], iteration_bounds = array<i64: 2>, scalar_prefetch = 0 : i64, scratch_operands = 0 : i64, tpu.core_type = #tpu.core_type<tc>, window_params = [{transform_indices = @transform_0, window_bounds = array<i64: 5120, 128>}, {transform_indices = @transform_1, window_bounds = array<i64: 5120, 128>}, {transform_indices = @transform_2, window_bounds = array<i64: 5120, 128>}, {transform_indices = @transform_3, window_bounds = array<i64: 5120, 128>}, {transform_indices = @transform_4, window_bounds = array<i64: 8, 5120>}, {pipeline_mode = #tpu.pipeline_mode<synchronous>, transform_indices = @transform_5, window_bounds = array<i64: 1, 128>}, {pipeline_mode = #tpu.pipeline_mode<synchronous>, transform_indices = @transform_6, window_bounds = array<i64: 1, 128>}, {pipeline_mode = #tpu.pipeline_mode<synchronous>, transform_indices = @transform_7, window_bounds = array<i64: 128, 128>}, {pipeline_mode = #tpu.pipeline_mode<synchronous>, transform_indices = @transform_8, window_bounds = array<i64: 128, 128>}, {pipeline_mode = #tpu.pipeline_mode<synchronous>, transform_indices = @transform_9, window_bounds = array<i64: 1, 128>}, {transform_indices = @transform_10, window_bounds = array<i64: 5120, 128>}, {transform_indices = @transform_11, window_bounds = array<i64: 5120, 128>}]} {
    %get3A = arith.constant 0 : index
    %get3A_0 = arith.constant 0 : index
    %get3A_1 = vector.load %arg5[%get3A, %get3A_0] : memref<8x5120xf32, #tpu.memory_space<vmem>>, vector<8x5120xf32>
    %add3A = arith.constant 1.000000e+00 : f32
    %add3A_2 = vector.broadcast %add3A : f32 to vector<8x5120xf32>
    %add3A_3 = arith.addf %get3A_1, %add3A_2 : vector<8x5120xf32>
    %rsqrt3A = math.rsqrt %add3A_3 : vector<8x5120xf32>
    %slice3A = vector.extract_strided_slice %rsqrt3A {offsets = [0, 0], sizes = [1, 5120], strides = [1, 1]} : vector<8x5120xf32> to vector<1x5120xf32>
    %squeeze3A = vector.shape_cast %slice3A : vector<1x5120xf32> to vector<5120xf32>
    %broadcast_in_dim3A = vector.shape_cast %squeeze3A : vector<5120xf32> to vector<5120x1xf32>
    %get3A_4 = arith.constant 0 : index
    %get3A_5 = arith.constant 0 : index
    %get3A_6 = vector.load %arg1[%get3A_4, %get3A_5] : memref<5120x128xf32, #tpu.memory_space<vmem>>, vector<5120x128xf32>
    %mul3A = vector.broadcast %broadcast_in_dim3A : vector<5120x1xf32> to vector<5120x128xf32>
    %mul3A_7 = arith.mulf %mul3A, %get3A_6 : vector<5120x128xf32>
    %get3A_8 = arith.constant 0 : index
    %get3A_9 = arith.constant 0 : index
    %get3A_10 = vector.load %arg6[%get3A_8, %get3A_9] : memref<1x128xf32, #tpu.memory_space<vmem>>, vector<1x128xf32>
    %add3A_11 = vector.broadcast %get3A_10 : vector<1x128xf32> to vector<5120x128xf32>
    %add3A_12 = arith.addf %mul3A_7, %add3A_11 : vector<5120x128xf32>
    %max3A = arith.constant 0.000000e+00 : f32
    %max3A_13 = vector.broadcast %max3A : f32 to vector<5120x128xf32>
    %max3A_14 = arith.maximumf %add3A_12, %max3A_13 : vector<5120x128xf32>
    %slice3A_15 = vector.extract_strided_slice %rsqrt3A {offsets = [1, 0], sizes = [1, 5120], strides = [1, 1]} : vector<8x5120xf32> to vector<1x5120xf32>
    %squeeze3A_16 = vector.shape_cast %slice3A_15 : vector<1x5120xf32> to vector<5120xf32>
    %broadcast_in_dim3A_17 = vector.shape_cast %squeeze3A_16 : vector<5120xf32> to vector<5120x1xf32>
    %get3A_18 = arith.constant 0 : index
    %get3A_19 = arith.constant 0 : index
    %get3A_20 = vector.load %arg2[%get3A_18, %get3A_19] : memref<5120x128xf32, #tpu.memory_space<vmem>>, vector<5120x128xf32>
    %mul3A_21 = vector.broadcast %broadcast_in_dim3A_17 : vector<5120x1xf32> to vector<5120x128xf32>
    %mul3A_22 = arith.mulf %mul3A_21, %get3A_20 : vector<5120x128xf32>
    %get3A_23 = arith.constant 0 : index
    %get3A_24 = arith.constant 0 : index
    %get3A_25 = vector.load %arg6[%get3A_23, %get3A_24] : memref<1x128xf32, #tpu.memory_space<vmem>>, vector<1x128xf32>
    %add3A_26 = vector.broadcast %get3A_25 : vector<1x128xf32> to vector<5120x128xf32>
    %add3A_27 = arith.addf %mul3A_22, %add3A_26 : vector<5120x128xf32>
    %max3A_28 = arith.constant 0.000000e+00 : f32
    %max3A_29 = vector.broadcast %max3A_28 : f32 to vector<5120x128xf32>
    %max3A_30 = arith.maximumf %add3A_27, %max3A_29 : vector<5120x128xf32>
    %slice3A_31 = vector.extract_strided_slice %rsqrt3A {offsets = [2, 0], sizes = [1, 5120], strides = [1, 1]} : vector<8x5120xf32> to vector<1x5120xf32>
    %squeeze3A_32 = vector.shape_cast %slice3A_31 : vector<1x5120xf32> to vector<5120xf32>
    %broadcast_in_dim3A_33 = vector.shape_cast %squeeze3A_32 : vector<5120xf32> to vector<5120x1xf32>
    %get3A_34 = arith.constant 0 : index
    %get3A_35 = arith.constant 0 : index
    %get3A_36 = vector.load %arg3[%get3A_34, %get3A_35] : memref<5120x128xf32, #tpu.memory_space<vmem>>, vector<5120x128xf32>
    %mul3A_37 = vector.broadcast %broadcast_in_dim3A_33 : vector<5120x1xf32> to vector<5120x128xf32>
    %mul3A_38 = arith.mulf %mul3A_37, %get3A_36 : vector<5120x128xf32>
    %get3A_39 = arith.constant 0 : index
    %get3A_40 = arith.constant 0 : index
    %get3A_41 = vector.load %arg7[%get3A_39, %get3A_40] : memref<1x128xf32, #tpu.memory_space<vmem>>, vector<1x128xf32>
    %add3A_42 = vector.broadcast %get3A_41 : vector<1x128xf32> to vector<5120x128xf32>
    %add3A_43 = arith.addf %mul3A_38, %add3A_42 : vector<5120x128xf32>
    %max3A_44 = arith.constant 0.000000e+00 : f32
    %max3A_45 = vector.broadcast %max3A_44 : f32 to vector<5120x128xf32>
    %max3A_46 = arith.maximumf %add3A_43, %max3A_45 : vector<5120x128xf32>
    %slice3A_47 = vector.extract_strided_slice %rsqrt3A {offsets = [3, 0], sizes = [1, 5120], strides = [1, 1]} : vector<8x5120xf32> to vector<1x5120xf32>
    %squeeze3A_48 = vector.shape_cast %slice3A_47 : vector<1x5120xf32> to vector<5120xf32>
    %broadcast_in_dim3A_49 = vector.shape_cast %squeeze3A_48 : vector<5120xf32> to vector<5120x1xf32>
    %get3A_50 = arith.constant 0 : index
    %get3A_51 = arith.constant 0 : index
    %get3A_52 = vector.load %arg4[%get3A_50, %get3A_51] : memref<5120x128xf32, #tpu.memory_space<vmem>>, vector<5120x128xf32>
    %mul3A_53 = vector.broadcast %broadcast_in_dim3A_49 : vector<5120x1xf32> to vector<5120x128xf32>
    %mul3A_54 = arith.mulf %mul3A_53, %get3A_52 : vector<5120x128xf32>
    %get3A_55 = arith.constant 0 : index
    %get3A_56 = arith.constant 0 : index
    %get3A_57 = vector.load %arg7[%get3A_55, %get3A_56] : memref<1x128xf32, #tpu.memory_space<vmem>>, vector<1x128xf32>
    %add3A_58 = vector.broadcast %get3A_57 : vector<1x128xf32> to vector<5120x128xf32>
    %add3A_59 = arith.addf %mul3A_54, %add3A_58 : vector<5120x128xf32>
    %max3A_60 = arith.constant 0.000000e+00 : f32
    %max3A_61 = vector.broadcast %max3A_60 : f32 to vector<5120x128xf32>
    %max3A_62 = arith.maximumf %add3A_59, %max3A_61 : vector<5120x128xf32>
    %get3A_63 = arith.constant 0 : index
    %get3A_64 = arith.constant 0 : index
    %get3A_65 = vector.load %arg8[%get3A_63, %get3A_64] : memref<128x128xf32, #tpu.memory_space<vmem>>, vector<128x128xf32>
    %get3A_66 = arith.constant 0 : index
    %get3A_67 = arith.constant 0 : index
    %get3A_68 = vector.load %arg9[%get3A_66, %get3A_67] : memref<128x128xf32, #tpu.memory_space<vmem>>, vector<128x128xf32>
    %dot_general3A = arith.constant dense<0.000000e+00> : vector<5120x128xf32>
    %dot_general3A_69 = tpu.matmul %max3A_14, %get3A_65, %dot_general3A {dimension_numbers = #tpu.dot_dimension_numbers<[1], [0], [0], [1], [0, 0, 1, 1], [], []>, transpose_lhs_hint = false} : vector<5120x128xf32>, vector<128x128xf32>, vector<5120x128xf32> -> vector<5120x128xf32>
    %dot_general3A_70 = arith.constant dense<0.000000e+00> : vector<5120x128xf32>
    %dot_general3A_71 = tpu.matmul %max3A_46, %get3A_68, %dot_general3A_70 {dimension_numbers = #tpu.dot_dimension_numbers<[1], [0], [0], [1], [0, 0, 1, 1], [], []>, transpose_lhs_hint = false} : vector<5120x128xf32>, vector<128x128xf32>, vector<5120x128xf32> -> vector<5120x128xf32>
    %add3A_72 = arith.addf %dot_general3A_69, %dot_general3A_71 : vector<5120x128xf32>
    %get3A_73 = arith.constant 0 : index
    %get3A_74 = arith.constant 0 : index
    %get3A_75 = vector.load %arg10[%get3A_73, %get3A_74] : memref<1x128xf32, #tpu.memory_space<vmem>>, vector<1x128xf32>
    %add3A_76 = vector.broadcast %get3A_75 : vector<1x128xf32> to vector<5120x128xf32>
    %add3A_77 = arith.addf %add3A_72, %add3A_76 : vector<5120x128xf32>
    %max3A_78 = arith.constant 0.000000e+00 : f32
    %max3A_79 = vector.broadcast %max3A_78 : f32 to vector<5120x128xf32>
    %max3A_80 = arith.maximumf %add3A_77, %max3A_79 : vector<5120x128xf32>
    %swap3A = arith.constant 0 : index
    %swap3A_81 = arith.constant 0 : index
    %swap3A_82 = vector.load %arg11[%swap3A, %swap3A_81] : memref<5120x128xf32, #tpu.memory_space<vmem>>, vector<5120x128xf32>
    tpu.vector_store %arg11[%swap3A, %swap3A_81], %max3A_80 {strides = array<i32>} : memref<5120x128xf32, #tpu.memory_space<vmem>>, vector<5120x128xf32>,
    %dot_general3A_83 = arith.constant dense<0.000000e+00> : vector<5120x128xf32>
    %dot_general3A_84 = tpu.matmul %max3A_30, %get3A_65, %dot_general3A_83 {dimension_numbers = #tpu.dot_dimension_numbers<[1], [0], [0], [1], [0, 0, 1, 1], [], []>, transpose_lhs_hint = false} : vector<5120x128xf32>, vector<128x128xf32>, vector<5120x128xf32> -> vector<5120x128xf32>
    %dot_general3A_85 = arith.constant dense<0.000000e+00> : vector<5120x128xf32>
    %dot_general3A_86 = tpu.matmul %max3A_62, %get3A_68, %dot_general3A_85 {dimension_numbers = #tpu.dot_dimension_numbers<[1], [0], [0], [1], [0, 0, 1, 1], [], []>, transpose_lhs_hint = false} : vector<5120x128xf32>, vector<128x128xf32>, vector<5120x128xf32> -> vector<5120x128xf32>
    %add3A_87 = arith.addf %dot_general3A_84, %dot_general3A_86 : vector<5120x128xf32>
    %get3A_88 = arith.constant 0 : index
    %get3A_89 = arith.constant 0 : index
    %get3A_90 = vector.load %arg10[%get3A_88, %get3A_89] : memref<1x128xf32, #tpu.memory_space<vmem>>, vector<1x128xf32>
    %add3A_91 = vector.broadcast %get3A_90 : vector<1x128xf32> to vector<5120x128xf32>
    %add3A_92 = arith.addf %add3A_87, %add3A_91 : vector<5120x128xf32>
    %max3A_93 = arith.constant 0.000000e+00 : f32
    %max3A_94 = vector.broadcast %max3A_93 : f32 to vector<5120x128xf32>
    %max3A_95 = arith.maximumf %add3A_92, %max3A_94 : vector<5120x128xf32>
    %swap3A_96 = arith.constant 0 : index
    %swap3A_97 = arith.constant 0 : index
    %swap3A_98 = vector.load %arg12[%swap3A_96, %swap3A_97] : memref<5120x128xf32, #tpu.memory_space<vmem>>, vector<5120x128xf32>
    tpu.vector_store %arg12[%swap3A_96, %swap3A_97], %max3A_95 {strides = array<i32>} : memref<5120x128xf32, #tpu.memory_space<vmem>>, vector<5120x128xf32>,
    return
  }
  func.func @transform_0(%arg0: i32) -> (i32, i32) {
    %c0_i32 = arith.constant 0 : i32
    %c0_i32_0 = arith.constant 0 : i32
    return %arg0, %c0_i32 : i32, i32
  }
  func.func @transform_1(%arg0: i32) -> (i32, i32) {
    %c0_i32 = arith.constant 0 : i32
    %c0_i32_0 = arith.constant 0 : i32
    return %arg0, %c0_i32 : i32, i32
  }
  func.func @transform_2(%arg0: i32) -> (i32, i32) {
    %c0_i32 = arith.constant 0 : i32
    %c0_i32_0 = arith.constant 0 : i32
    return %arg0, %c0_i32 : i32, i32
  }
  func.func @transform_3(%arg0: i32) -> (i32, i32) {
    %c0_i32 = arith.constant 0 : i32
    %c0_i32_0 = arith.constant 0 : i32
    return %arg0, %c0_i32 : i32, i32
  }
  func.func @transform_4(%arg0: i32) -> (i32, i32) {
    %c0_i32 = arith.constant 0 : i32
    %c0_i32_0 = arith.constant 0 : i32
    return %c0_i32, %arg0 : i32, i32
  }
  func.func @transform_5(%arg0: i32) -> (i32, i32) {
    %c0_i32 = arith.constant 0 : i32
    %c0_i32_0 = arith.constant 0 : i32
    %c0_i32_1 = arith.constant 0 : i32
    return %c0_i32, %c0_i32_0 : i32, i32
  }
  func.func @transform_6(%arg0: i32) -> (i32, i32) {
    %c0_i32 = arith.constant 0 : i32
    %c0_i32_0 = arith.constant 0 : i32
    %c0_i32_1 = arith.constant 0 : i32
    return %c0_i32, %c0_i32_0 : i32, i32
  }
  func.func @transform_7(%arg0: i32) -> (i32, i32) {
    %c0_i32 = arith.constant 0 : i32
    %c0_i32_0 = arith.constant 0 : i32
    %c0_i32_1 = arith.constant 0 : i32
    return %c0_i32, %c0_i32_0 : i32, i32
  }
  func.func @transform_8(%arg0: i32) -> (i32, i32) {
    %c0_i32 = arith.constant 0 : i32
    %c0_i32_0 = arith.constant 0 : i32
    %c0_i32_1 = arith.constant 0 : i32
    return %c0_i32, %c0_i32_0 : i32, i32
  }
  func.func @transform_9(%arg0: i32) -> (i32, i32) {
    %c0_i32 = arith.constant 0 : i32
    %c0_i32_0 = arith.constant 0 : i32
    %c0_i32_1 = arith.constant 0 : i32
    return %c0_i32, %c0_i32_0 : i32, i32
  }
  func.func @transform_10(%arg0: i32) -> (i32, i32) {
    %c0_i32 = arith.constant 0 : i32
    %c0_i32_0 = arith.constant 0 : i32
    return %arg0, %c0_i32 : i32, i32
  }
  func.func @transform_11(%arg0: i32) -> (i32, i32) {
    %c0_i32 = arith.constant 0 : i32
    %c0_i32_0 = arith.constant 0 : i32
    return %arg0, %c0_i32 : i32, i32
  }
}

</mosaic_0001>

<sc_bundles>
// kernel: kernel.6.cloned.1.call-start
scs
__scs_entry_jumppad:
0x0: {  	(pc) =	sbr.rel $0x88, $3  }
0x1: {  	(tag) =	ssettag $0x0;
	lr =	simm.s32 $0x1  }
0x2: {  	[smem:$0x3F96] =	sst lr;
	_ =	strace $0xD0000000  }
0x3: {  	_ = 	snop  }
0x4: {  	_ = 	snop  }
0x5: {  	_ = 	snop  }
0x6: {  	_ = 	snop  }
0x7: {  	_ = 	snop  }
__scs_overlays_trampoline_lowered:
0x8: {  	[smem:$0x3FA5] =	sst s0  }
0x9: {  	[smem:$0x3FA6] =	sst s1  }
0xa: {  	[smem:$0x3FA7] =	sst s2  }
0xb: {  	[smem:$0x3FA8] =	sst s3  }
0xc: {  	[smem:$0x3FA9] =	sst s4  }
0xd: {  	[smem:$0x3FAA] =	sst s5  }
0xe: {  	[smem:$0x3FAB] =	sst s6  }
0xf: {  	[smem:$0x3FAC] =	sst s7  }
0x10: {  	[smem:$0x3FAD] =	sst s8  }
0x11: {  	[smem:$0x3FAE] =	sst s9;
	s0 =	simm.s32 @!p0 $0x0  }
0x12: {  	s1 =	sld [smem:$0x3F94];
	s0 =	simm.s32 @p0 $0x1  }
0x13: {  	[smem:$0x3FAF] =	sst s0;
	s0 =	simm.s32 @!p1 $0x0  }
0x14: {  	s2 =	sld [smem:$0x3F93];
	s0 =	simm.s32 @p1 $0x1  }
0x15: {  	[smem:$0x3FB0] =	sst s0;
	s0 =	simm.s32 @!p2 $0x0  }
0x16: {  	s3 =	sld [smem:$0x3FDB];
	s0 =	simm.s32 @p2 $0x1  }
0x17: {  	s4 =	simm.s32 $0x1BF5;
	[smem:$0x3FB2] =	sst s0  }
0x18: {  	s0 =	sld [smem:$0x3F95];
	_ =	swait.ge [sflag:s4], $0x0  }
0x19: {  	s7 =	sld [smem:$0x3F96]  }
0x1a: {  	s8 =	sadd.s32 $0xFFFFE003, lr  }
0x1b: {  	s9 =	sadd.s32 $0xFFFFFEF7, lr;
	s5 =	simm.s32 $0xFFFFFFFF;
	p2 =	slt.u32 s8, $0xFFFFF086  }
0x1c: {  	p1 =	slt.u32 s9, $0xF7A;
	s5 =	simm.s32 @!p2 $0x0  }
0x1d: {  	s5 =	simm.s32 @p1 $0x1;
	p0 =	seq.s32 s7, s2  }
0x1e: {  	s7 =	smul.u32 @!p0 $0xF7A, s2;
	p2 =	seq.s32 @!p0 s5, $0x0  }
0x1f: {  	s9 =	smul.u32 $0xF7A, s1;
	s8 =	simm.s32 @!p0 $0x1BF5;
	p2 =	por !p2, p0  }
0x20: {  	[sflag:s8] =	ssyncset.s32 @!p0 $0xFFFFF086;
	s6 =	sadd.s32 @!p0 s3, s7;
	s7 =	simm.s32 @!p0 $0x108  }
0x21: {  	s3 =	sadd.s32 s3, s9;
	s6 =	sadd.s32 @!p0 $0x88, s6;
	s7 =	simm.s32 @p2 $0x1082  }
0x22: {  	[simem:s7], [sflag:s8] =	dma.local @!p0 [hbm:s6], $0xF7A  }
0x23: {  	s9 =	sor.u32 $0xD0000000, s2;
	s6 =	simm.s32 $0x108;
	_ =	swait.ge @!p0 [sflag:s8], $0x0  }
0x24: {  	s3 =	sadd.s32 $0x88, s3;
	s6 =	simm.s32 @!p1 $0x1082;
	[sflag:s4] =	ssyncset.s32 $0xFFFFF086  }
0x25: {  	[simem:s6], [sflag:s4] =	dma.local [hbm:s3], $0xF7A  }
0x26: {  	[smem:$0x3F96] =	sst s1;
	(tag) =	ssettag s2;
	_ =	strace s9  }
0x27: {  	s1 =	sld [smem:$0x3FA6]  }
0x28: {  	s2 =	sld [smem:$0x3FA7]  }
0x29: {  	s4 =	sld [smem:$0x3FA9]  }
0x2a: {  	p0 =	seq.s32 s5, $0x0;
	s5 =	sld [smem:$0x3FAA]  }
0x2b: {  	s6 =	sld [smem:$0x3FAB]  }
0x2c: {  	s7 =	sld [smem:$0x3FAC]  }
0x2d: {  	s3 =	simm.s32 $0x108;
	s8 =	sld [smem:$0x3FAD]  }
0x2e: {  	s3 =	simm.s32 @!p0 $0x1082;
	s9 =	sld [smem:$0x3FAE]  }
0x2f: {  	lr =	sadd.s32 s0, s3;
	s0 =	sld [smem:$0x3FA5]  }
0x30: {  	s3 =	sld [smem:$0x3FA8]  }
0x31: {  	[smem:$0x3FB1] =	sst s10  }
0x32: {  	s10 =	sld [smem:$0x3FAF];
	_ =	sdelay $0x3  }
0x33: {  	p0 =	seq.s32 s10, $0x1;
	s10 =	sld [smem:$0x3FB1];
	_ =	sdelay $0x3  }
0x34: {  	[smem:$0x3FB1] =	sst s10  }
0x35: {  	s10 =	sld [smem:$0x3FB0];
	_ =	sdelay $0x3  }
0x36: {  	p1 =	seq.s32 s10, $0x1;
	s10 =	sld [smem:$0x3FB1];
	_ =	sdelay $0x3  }
0x37: {  	[smem:$0x3FB1] =	sst s10  }
0x38: {  	s10 =	sld [smem:$0x3FB2]  }
0x39: {  	_ = 	snop;
	(pc) =	sbr.ind lr, $3  }
0x3a: {  	_ = 	snop  }
0x3b: {  	_ = 	snop  }
0x3c: {  	p2 =	seq.s32 s10, $0x1;
	s10 =	sld [smem:$0x3FB1]  }
0x3d: {  	_ =	shalt  }
0x3e: {  	_ =	shalt  }
0x3f: {  	_ =	shalt  }
0x40: {  	_ =	shalt  }
0x41: {  	_ =	shalt  }
0x42: {  	_ =	shalt  }
0x43: {  	_ =	shalt  }
0x44: {  	_ =	shalt  }
0x45: {  	_ =	shalt  }
0x46: {  	_ =	shalt  }
0x47: {  	_ =	shalt  }
0x48: {  	_ =	shalt  }
0x49: {  	_ =	shalt  }
0x4a: {  	_ =	shalt  }
0x4b: {  	_ =	shalt  }
0x4c: {  	_ =	shalt  }
0x4d: {  	_ =	shalt  }
0x4e: {  	_ =	shalt  }
0x4f: {  	_ =	shalt  }
0x50: {  	_ =	shalt  }
0x51: {  	_ =	shalt  }
0x52: {  	_ =	shalt  }
0x53: {  	_ =	shalt  }
0x54: {  	_ =	shalt  }
0x55: {  	_ =	shalt  }
0x56: {  	_ =	shalt  }
0x57: {  	_ =	shalt  }
0x58: {  	_ =	shalt  }
0x59: {  	_ =	shalt  }
0x5a: {  	_ =	shalt  }
0x5b: {  	_ =	shalt  }
0x5c: {  	_ =	shalt  }
0x5d: {  	_ =	shalt  }
0x5e: {  	_ =	shalt  }
0x5f: {  	_ =	shalt  }
0x60: {  	_ =	shalt  }
0x61: {  	_ =	shalt  }
0x62: {  	_ =	shalt  }
0x63: {  	_ =	shalt  }
0x64: {  	_ =	shalt  }
0x65: {  	_ =	shalt  }
0x66: {  	_ =	shalt  }
0x67: {  	_ =	shalt  }
0x68: {  	_ =	shalt  }
0x69: {  	_ =	shalt  }
0x6a: {  	_ =	shalt  }
0x6b: {  	_ =	shalt  }
0x6c: {  	_ =	shalt  }
0x6d: {  	_ =	shalt  }
0x6e: {  	_ =	shalt  }
0x6f: {  	_ =	shalt  }
0x70: {  	_ =	shalt  }
0x71: {  	_ =	shalt  }
0x72: {  	_ =	shalt  }
0x73: {  	_ =	shalt  }
0x74: {  	_ =	shalt  }
0x75: {  	_ =	shalt  }
0x76: {  	_ =	shalt  }
0x77: {  	_ =	shalt  }
0x78: {  	_ =	shalt  }
0x79: {  	_ =	shalt  }
0x7a: {  	_ =	shalt  }
0x7b: {  	_ =	shalt  }
0x7c: {  	_ =	shalt  }
0x7d: {  	_ =	shalt  }
0x7e: {  	_ =	shalt  }
0x7f: {  	_ =	shalt  }
0x80: {  	_ =	shalt  }
0x81: {  	_ =	shalt  }
0x82: {  	_ =	shalt  }
0x83: {  	_ =	shalt  }
0x84: {  	_ =	shalt  }
0x85: {  	_ =	shalt  }
0x86: {  	_ =	shalt  }
0x87: {  	_ =	shalt  }
.Lfunc_end0:
.L_simem_size_0:
called_computation_lowered:
.L_overlay_start_0:
0x88: {  	s2 =	sld [smem:$0x3FD9]  }
0x89: {  	s3 =	sld [smem:$0x3FFE];
	_ =	sdelay $0x1  }
0x8a: {  	s1 =	srdreg.scid  }
0x8b: {  	s0 =	sand.u32 $0x1, s1  }
0x8c: {  	s14 =	sshll.u32 s0, $0xA;
	s2 =	sadd.s32 s3, s2  }
0x8d: {  	s2 =	sadd.s32 s2, s14  }
0x8e: {  	[smem:$0x3FBD] =	sst s2  }
0x8f: {  	_ = 	snop  }
0x90: {  	s2 =	sld [smem:$0x3FD0];
	_ =	sdelay $0x2  }
0x91: {  	s15 =	simm.s32 $0xA;
	s4 =	simm.s32 $0x10  }
0x92: {  	[smem:s4], [sflag:s15] =	dma.local [hbm:s2], $0x1  }
0x93: {  	_ =	swait.eq [sflag:s15], $0x1  }
0x94: {  	[sflag:s15] =	ssyncset.done $0x0  }
0x95: {  	s16 =	sld [smem:$0x10];
	[sflag:s15] =	ssyncadd.s32 $0xFFFFFFFF  }
0x96: {  	s17 =	sld [smem:$0x11];
	(tm) =	ssettm $0x1  }
0x97: {  	s18 =	sld [smem:$0x3FFB];
	_ =	sdelay $0x3  }
0x98: {  	_ =	strace s18  }
0x99: {  	s4 =	sld [smem:$0x3FFC];
	_ =	sdelay $0x3  }
0x9a: {  	_ =	strace s4  }
0x9b: {  	s4 =	sld [smem:$0x3FFD];
	_ =	sdelay $0x3  }
0x9c: {  	_ =	strace s4  }
0x9d: {  	_ =	strace $0x8FFFFFFF  }
0x9e: {  	s19 =	sld [smem:$0x3FDB];
	_ =	sdelay $0x1  }
0x9f: {  	s5 =	simm.s32 $_scs_section_size  }
0xa0: {  	s6 =	simm.s32 $_size__tile_overlayer_lowered;
	s7 =	simm.s32 $_tile_overlayer_lowered  }
0xa1: {  	s22 =	simm.s32 $0x1BFF;
	s21 =	sshll.u32 s7, $0x1;
	s4 =	sadd.s32 s5, s19  }
0xa2: {  	s8 =	simm.s32 $0x0;
	s20 =	sshll.u32 s6, $0x1;
	s6 =	sadd.s32 s21, s4  }
0xa3: {  	[timem:s8], [sflag:s22] =	dma.local [hbm:s6], s20  }
0xa4: {  	_ =	swait.ge [sflag:s22], s20  }
0xa5: {  	s5 =	ssub.s32 $0x0, s20;
	[sflag:s22] =	ssyncset.done $0x0  }
0xa6: {  	[sflag:s22] =	ssyncadd.s32 s5;
	_ =	sdelay $0x1  }
0xa7: {  	s23 =	simm.s32 $0x1B8B  }
0xa8: {  	_ =	swait.ge [sflag:s23], $0x1  }
0xa9: {  	[sflag:s23] =	ssyncset.done $0x0  }
0xaa: {  	s25 =	simm.s32 $0x1B8E;
	s24 =	sld [smem:$0x3FFE];
	[sflag:s23] =	ssyncadd.s32 $0xFFFFFFFF  }
0xab: {  	s26 =	simm.s32 $execute0_lowered;
	[smem:$0x3FD2] =	sst s25  }
0xac: {  	s6 =	sshll.u32 s26, $0x1;
	_ =	strace $0x80000046;
	[dreg:$0x1] =	wrdreg $0xFFFFFFFF  }
0xad: {  	s28 =	simm.s32 $_size_execute0_lowered;
	s4 =	sadd.s32 s4, s6;
	[dreg:$0x0] =	wrdreg $0x0  }
0xae: {  	s6 =	sshll.u32 s28, $0x1;
	[dreg:$0x2] =	wrdreg s4  }
0xaf: {  	[dreg:$0x3] =	wrdreg s6  }
0xb0: {  	[dreg:$0x4] =	wrdreg $0xC0  }
0xb1: {  	_ =	task [dreg:s8], $0x5FFFF  }
0xb2: {  	[dreg:$0x1] =	wrdreg $0xFFFFFFFF  }
0xb3: {  	[dreg:$0x0] =	wrdreg $0x60  }
0xb4: {  	[dreg:$0x2] =	wrdreg s17  }
0xb5: {  	[dreg:$0x3] =	wrdreg s16  }
0xb6: {  	[dreg:$0x4] =	wrdreg s24  }
0xb7: {  	[dreg:$0x5] =	wrdreg $0x14800  }
0xb8: {  	[dreg:$0x6] =	wrdreg $0x9  }
0xb9: {  	_ =	task.clear_ibuf [dreg:s8], $0x7FFFF;
	_ =	strace $0x90000046  }
0xba: {  	s29 =	simm.s32 $0x9;
	_ =	strace $0x80000048  }
0xbb: {  	_ =	swait.ge [sflag:s29], $0x1  }
0xbc: {  	[sflag:s29] =	ssyncadd.s32 $0xFFFFFFFF  }
0xbd: {  	_ =	strace $0x90000048  }
0xbe: {  	_ =	sfence  }
0xbf: {  	s30 =	sld [smem:$0x0];
	_ =	sdelay $0x2  }
0xc0: {  	s31 =	sshll.u32 s1, $0xD;
	s1 =	sshrl.u32 s1, $0x2  }
0xc1: {  	s3 =	sand.u32 $0x4000, s31;
	s1 =	sadd.s32 s1, s30  }
0xc2: {  	s0 =	sor.u32 s3, s0;
	s1 =	sshll.u32 s1, $0x11  }
0xc3: {  	s0 =	sor.u32 s1, s0  }
0xc4: {  	s0 =	sadd.s32 $0x8F2B, s0  }
0xc5: {  	[sflag:s0] =	ssyncadd.remote.s32 $0x1  }
0xc6: {  	_ =	sfence.sel $0xFFFF  }
0xc7: {  	[dreg:$0x0] =	wrdreg $0xFFFFFFFF;
	(pc) =	sbr.abs _section_cstart, $3  }
0xc8: {  	[dreg:$0x1] =	wrdreg $0xFFFFFFFF  }
0xc9: {  	_ =	task.clear_ibuf [dreg:s8], $0x2FFFF;
	_ =	strace $0x9FFFFFFF  }
0xca: {  	(tm) =	ssettm $0x7FFFFFFF  }
0xcb: {  	_ =	shalt  }
tec
execute0_lowered:
.L_overlay_start_1:
0x0: {  	(tag) =	ssettag $0x1  }
0x1: {  	s9 =	rddreg [dreg:$0x0]  }
0x2: {  	s11 =	rddreg [dreg:$0x1]  }
0x3: {  	s8 =	rddreg [dreg:$0x2]  }
0x4: {  	s2 =	rddreg [dreg:$0x3]  }
0x5: {  	s0 =	rddreg [dreg:$0x4];
	s3 =	simm.s32 $0x0  }
0x6: {  	s1 =	stileid.u32;
	s5 =	srdreg.scid;
	s17 =	simm.s32 $0x1  }
0x7: {  	s20 =	simm.s32 $0x7D;
	s21 =	simm.s32 $0x0;
	[smem:$0x7FF] =	sst s3  }
0x8: {  	s12 =	smul.u32 $0x280, s1;
	s4 =	sadd.s32 $0x6400, s8;
	s10 =	sand.u32 $0x1, s5  }
0x9: {  	s5 =	sadd.s32 $0x6200, s8;
	s7 =	sadd.s32 $0x6C00, s8;
	s18 =	sshll.u32 s1, $0x6  }
0xa: {  	_ =	strace $0x80000047;
	s13 =	ssub.s32 $0x2, s10;
	p0 =	seq.s32 s10, $0x1  }
0xb: {  	s18 =	sor.u32 $0x1C01, s18;
	s14 =	sadd.s32 s12, s8;
	s6 =	sshrl.u32 s12, $0x3  }
.Ltmp0:
0xc: {  	s16 =	sshrl.u32 s13, $0x1;
	s19 =	sadd.s32 s12, s2;
	(pc) =	sbr.rel .LBB2_1-.Ltmp0, $4  }
0xd: {  	s9 =	sadd.s32 s9, s12;
	s11 =	sadd.s32 s11, s12;
	s15 =	sadd.s32 s6, s8  }
0xe: {  	s8 =	sadd.s32 $0x7800, s8;
	s16 =	ssub.s32 s13, s16;
	s12 =	sadd.s32 $0x1200, s14  }
0xf: {  	s14 =	sadd.s32 $0x3A00, s14;
	s19 =	sshrl.u32 s19, $0x3;
	s10 =	sadd.s32 $0x6600, s15  }
0x10: {  	s13 =	sadd.s32 $0x7200, s15;
	s15 =	smax.u32 s16, $0x1;
	s16 =	simm.s32 $0x1400  }
.LBB2_11:
0x11: {  	[sflag:s17] =	ssyncadd.s32 $0xFFFFFF83;
	s22 =	smov.u32 s8  }
.LBB2_12:
0x12: {  	s22 =	sadd.s32 s22, s6;
	[bflag:$0x0] =	sbarrier.arrive $0xFFFF;
	s21 =	sadd.s32 $0x1, s21  }
0x13: {  	[hbm:s22], [sflag:s18] =	dma.local [spmem:s19], $0x50  }
0x14: {  	p1 =	sne.s32 s21, s15  }
.Ltmp1:
0x15: {  	_ =	swait.ge [sflag:s17], $0x50;
	(pc) =	sbr.rel @!p1 .LBB2_13-.Ltmp1, $3  }
0x16: {  	[sflag:s17] =	ssyncset.done $0x0  }
0x17: {  	[sflag:s17] =	ssyncadd.s32 $0xFFFFFFB0  }
0x18: {  	[bflag:$0x0] =	sbarrier.arrive $0xFFFF;
	_ =	sdelay $0x1  }
.LBB2_1:
0x19: {  	[tilespmem:s16], [sflag:$0x1] =	stream.linear.gather [hbm4b:s4+s3], $0x80, $0x38;
	[tilespmem:$0x1700] =	vst v63  }
0x1a: {  	_ =	swait.ge [sflag:s17], $0x80  }
0x1b: {  	[sflag:s17] =	ssyncset.done $0x0  }
0x1c: {  	[sflag:s17] =	ssyncadd.s32 $0xFFFFFF80  }
0x1d: {  	[spmem:s19], [sflag:s18] =	dma.local [hbm:s5], $0x50  }
.Ltmp2:
0x1e: {  	_ =	swait.ge [sflag:s17], $0x50;
	(pc) =	sbr.rel @!p0 .LBB2_2-.Ltmp2, $4  }
0x1f: {  	[sflag:s17] =	ssyncset.done $0x0  }
0x20: {  	[sflag:s17] =	ssyncadd.s32 $0xFFFFFFB0  }
0x21: {  	[bflag:$0x0] =	sbarrier.arrive $0xFFFF  }
0x22: {  	s22 =	simm.s32 $0x0  }
0x23: {  	[tilespmem:s22], [sflag:$0x1] =	stream.linear.gather [hbm4b:s12+s22], $0x1400, $0x38;
	[tilespmem:$0x1700] =	vst v63  }
0x24: {  	_ =	swait.ge [sflag:s17], $0x1400  }
0x25: {  	[sflag:s17] =	ssyncset.done $0x0  }
0x26: {  	s31 =	simm.s32 $0x0;
	[sflag:s17] =	ssyncadd.s32 $0xFFFFEC00  }
0x27: {  	[spmem:s2] =	stream.indirect.scatter.add.f32 [tilespmem:s16], [sflag:$0x1], $0x1, s31, s20, $0xb8;
	[tilespmem:$0x1700] =	vst v63  }
0x28: {  	_ =	swait.ge [sflag:s17], $0x7D  }
0x29: {  	s22 =	simm.s32 $0x200;
	[sflag:s17] =	ssyncset.done $0x0  }
.LBB2_8:
0x2a: {  	s23 =	sshra.s32 s22, $0x2;
	[sflag:s17] =	ssyncadd.s32 $0xFFFFFF83;
	p1 =	sne.s32 s22, $0x4E00  }
0x2b: {  	[spmem:s2] =	stream.indirect.scatter.add.f32 [tilespmem:s16], [sflag:$0x1], $0x1, s23, s20, $0xb8;
	[tilespmem:$0x1700] =	vst v63  }
.Ltmp3:
0x2c: {  	_ = 	snop;
	(pc) =	sbr.rel @p1 .LBB2_8-.Ltmp3, $4  }
0x2d: {  	_ = 	snop  }
0x2e: {  	s22 =	sadd.s32 $0x200, s22  }
0x2f: {  	_ =	swait.ge [sflag:s17], $0x7D  }
0x30: {  	[sflag:s17] =	ssyncset.done $0x0  }
0x31: {  	[sflag:s17] =	ssyncadd.s32 $0xFFFFFF83  }
0x32: {  	[bflag:$0x0] =	sbarrier.arrive $0xFFFF  }
0x33: {  	[hbm:s13], [sflag:s18] =	dma.local [spmem:s19], $0x50  }
0x34: {  	_ =	swait.ge [sflag:s17], $0x50  }
0x35: {  	[sflag:s17] =	ssyncset.done $0x0  }
0x36: {  	[sflag:s17] =	ssyncadd.s32 $0xFFFFFFB0  }
0x37: {  	[bflag:$0x0] =	sbarrier.arrive $0xFFFF  }
0x38: {  	[spmem:s19], [sflag:s18] =	dma.local [hbm:s5], $0x50  }
0x39: {  	_ =	swait.ge [sflag:s17], $0x50  }
0x3a: {  	[sflag:s17] =	ssyncset.done $0x0  }
0x3b: {  	[sflag:s17] =	ssyncadd.s32 $0xFFFFFFB0  }
0x3c: {  	s22 =	simm.s32 $0x0;
	[bflag:$0x0] =	sbarrier.arrive $0xFFFF  }
0x3d: {  	[tilespmem:s22], [sflag:$0x1] =	stream.linear.gather [hbm4b:s14+s22], $0x1400, $0x38;
	[tilespmem:$0x1700] =	vst v63  }
0x3e: {  	_ =	swait.ge [sflag:s17], $0x1400  }
0x3f: {  	[sflag:s17] =	ssyncset.done $0x0  }
0x40: {  	s31 =	simm.s32 $0x0;
	[sflag:s17] =	ssyncadd.s32 $0xFFFFEC00  }
0x41: {  	[spmem:s2] =	stream.indirect.scatter.add.f32 [tilespmem:s16], [sflag:$0x1], $0x1, s31, s20, $0xb8;
	[tilespmem:$0x1700] =	vst v63  }
0x42: {  	_ =	swait.ge [sflag:s17], $0x7D  }
0x43: {  	s22 =	simm.s32 $0x200;
	[sflag:s17] =	ssyncset.done $0x0  }
.LBB2_10:
0x44: {  	s23 =	sshra.s32 s22, $0x2;
	[sflag:s17] =	ssyncadd.s32 $0xFFFFFF83;
	p1 =	sne.s32 s22, $0x4E00  }
0x45: {  	[spmem:s2] =	stream.indirect.scatter.add.f32 [tilespmem:s16], [sflag:$0x1], $0x1, s23, s20, $0xb8;
	[tilespmem:$0x1700] =	vst v63  }
.Ltmp4:
0x46: {  	_ = 	snop;
	(pc) =	sbr.rel @p1 .LBB2_10-.Ltmp4, $4  }
0x47: {  	_ = 	snop  }
0x48: {  	s22 =	sadd.s32 $0x200, s22  }
0x49: {  	_ =	swait.ge [sflag:s17], $0x7D  }
0x4a: {  	[sflag:s17] =	ssyncset.done $0x0  }
.Ltmp5:
0x4b: {  	_ = 	snop;
	(pc) =	sbr.rel .LBB2_11-.Ltmp5, $1  }
0x4c: {  	_ =	sdelay $0x3  }
.LBB2_2:
0x4d: {  	[tilespmem:s22], [sflag:$0x1] =	stream.linear.gather [hbm4b:s9+s22], $0x1400, $0x38;
	[tilespmem:$0x1700] =	vst v63  }
0x4e: {  	_ =	swait.ge [sflag:s17], $0x1400  }
0x4f: {  	[sflag:s17] =	ssyncset.done $0x0  }
0x50: {  	s31 =	simm.s32 $0x0;
	[sflag:s17] =	ssyncadd.s32 $0xFFFFEC00  }
0x51: {  	[spmem:s2] =	stream.indirect.scatter.add.f32 [tilespmem:s16], [sflag:$0x1], $0x1, s31, s20, $0xb8;
	[tilespmem:$0x1700] =	vst v63  }
0x52: {  	_ =	swait.ge [sflag:s17], $0x7D  }
0x53: {  	s22 =	simm.s32 $0x200;
	[sflag:s17] =	ssyncset.done $0x0  }
.LBB2_3:
0x54: {  	s23 =	sshra.s32 s22, $0x2;
	[sflag:s17] =	ssyncadd.s32 $0xFFFFFF83;
	p1 =	sne.s32 s22, $0x4E00  }
0x55: {  	[spmem:s2] =	stream.indirect.scatter.add.f32 [tilespmem:s16], [sflag:$0x1], $0x1, s23, s20, $0xb8;
	[tilespmem:$0x1700] =	vst v63  }
.Ltmp6:
0x56: {  	_ = 	snop;
	(pc) =	sbr.rel @p1 .LBB2_3-.Ltmp6, $4  }
0x57: {  	_ = 	snop  }
0x58: {  	s22 =	sadd.s32 $0x200, s22  }
0x59: {  	_ =	swait.ge [sflag:s17], $0x7D  }
0x5a: {  	[sflag:s17] =	ssyncset.done $0x0  }
0x5b: {  	[sflag:s17] =	ssyncadd.s32 $0xFFFFFF83  }
0x5c: {  	[bflag:$0x0] =	sbarrier.arrive $0xFFFF  }
0x5d: {  	[hbm:s10], [sflag:s18] =	dma.local [spmem:s19], $0x50  }
0x5e: {  	_ =	swait.ge [sflag:s17], $0x50  }
0x5f: {  	[sflag:s17] =	ssyncset.done $0x0  }
0x60: {  	[sflag:s17] =	ssyncadd.s32 $0xFFFFFFB0  }
0x61: {  	[bflag:$0x0] =	sbarrier.arrive $0xFFFF  }
0x62: {  	[spmem:s19], [sflag:s18] =	dma.local [hbm:s5], $0x50  }
0x63: {  	_ =	swait.ge [sflag:s17], $0x50  }
0x64: {  	[sflag:s17] =	ssyncset.done $0x0  }
0x65: {  	[sflag:s17] =	ssyncadd.s32 $0xFFFFFFB0  }
0x66: {  	s22 =	simm.s32 $0x0;
	[bflag:$0x0] =	sbarrier.arrive $0xFFFF  }
0x67: {  	[tilespmem:s22], [sflag:$0x1] =	stream.linear.gather [hbm4b:s11+s22], $0x1400, $0x38;
	[tilespmem:$0x1700] =	vst v63  }
0x68: {  	_ =	swait.ge [sflag:s17], $0x1400  }
0x69: {  	[sflag:s17] =	ssyncset.done $0x0  }
0x6a: {  	s31 =	simm.s32 $0x0;
	[sflag:s17] =	ssyncadd.s32 $0xFFFFEC00  }
0x6b: {  	[spmem:s2] =	stream.indirect.scatter.add.f32 [tilespmem:s16], [sflag:$0x1], $0x1, s31, s20, $0xb8;
	[tilespmem:$0x1700] =	vst v63  }
0x6c: {  	_ =	swait.ge [sflag:s17], $0x7D  }
0x6d: {  	s22 =	simm.s32 $0x200;
	[sflag:s17] =	ssyncset.done $0x0  }
.LBB2_5:
0x6e: {  	s23 =	sshra.s32 s22, $0x2;
	[sflag:s17] =	ssyncadd.s32 $0xFFFFFF83;
	p1 =	seq.s32 s22, $0x4E00  }
0x6f: {  	[spmem:s2] =	stream.indirect.scatter.add.f32 [tilespmem:s16], [sflag:$0x1], $0x1, s23, s20, $0xb8;
	[tilespmem:$0x1700] =	vst v63  }
.Ltmp7:
0x70: {  	_ = 	snop;
	(pc) =	sbr.rel @!p1 .LBB2_5-.Ltmp7, $4  }
0x71: {  	_ = 	snop  }
0x72: {  	s22 =	sadd.s32 $0x200, s22  }
0x73: {  	_ =	swait.ge [sflag:s17], $0x7D  }
0x74: {  	[sflag:s17] =	ssyncset.done $0x0  }
.Ltmp8:
0x75: {  	(pc) =	sbr.rel .LBB2_12-.Ltmp8, $2  }
0x76: {  	_ =	sdelay $0x2  }
0x77: {  	[sflag:s17] =	ssyncadd.s32 $0xFFFFFF83;
	s22 =	smov.u32 s7  }
.LBB2_13:
0x78: {  	_ =	sfence.sel $0x180000  }
0x79: {  	[bflag:$0x0] =	sbarrier.arrive $0xFFFF  }
0x7a: {  	p0 =	sne.s32 s1, $0x0;
	_ =	strace $0x90000047  }
0x7b: {  	s0 =	sadd.s32 @!p0 $0x100000, s0;
	[bflag:$0x2] =	sbarrier.arrive $0xFFFF  }
0x7c: {  	[sflag:s0] =	ssyncadd.tile.s32 @!p0 $0x1;
	_ =	shalt  }
.Lfunc_end2:
_tile_overlayer_lowered:
.L_overlay_start_2:
0x7d: {  	(tag) =	ssettag $0x2  }
0x7e: {  	s0 =	rddreg [dreg:$0x0];
	s2 =	stileid.u32  }
0x7f: {  	s1 =	rddreg [dreg:$0x1];
	p0 =	sne.s32 s2, $0x0  }
0x80: {  	s3 =	rddreg [dreg:$0x2];
	[bflag:$0x3] =	sbarrier.arrive $0xFFFF;
	s2 =	simm.s32 @!p0 $0x1C01  }
0x81: {  	[timem:s3], [sflag:s2] =	dma.local @!p0 [hbm:s0], s1  }
0x82: {  	s0 =	simm.s32 @!p0 $0x1  }
0x83: {  	_ =	swait.ge @!p0 [sflag:s0], s1  }
0x84: {  	s1 =	ssub.s32 @!p0 $0x0, s1;
	[sflag:s0] =	ssyncset.done @!p0 $0x0  }
0x85: {  	[sflag:s0] =	ssyncadd.s32 @!p0 s1  }
0x86: {  	[bflag:$0x3] =	sbarrier.arrive $0xFFFF  }
0x87: {  	_ =	shalt  }

// kernel: kernel.9.cloned.1.call-start
scs
__scs_entry_jumppad:
0x0: {  	(pc) =	sbr.rel $0x88, $3  }
0x1: {  	(tag) =	ssettag $0x0;
	lr =	simm.s32 $0x1  }
0x2: {  	[smem:$0x3F96] =	sst lr;
	_ =	strace $0xD0000000  }
0x3: {  	_ = 	snop  }
0x4: {  	_ = 	snop  }
0x5: {  	_ = 	snop  }
0x6: {  	_ = 	snop  }
0x7: {  	_ = 	snop  }
__scs_overlays_trampoline_lowered:
0x8: {  	[smem:$0x3FA5] =	sst s0  }
0x9: {  	[smem:$0x3FA6] =	sst s1  }
0xa: {  	[smem:$0x3FA7] =	sst s2  }
0xb: {  	[smem:$0x3FA8] =	sst s3  }
0xc: {  	[smem:$0x3FA9] =	sst s4  }
0xd: {  	[smem:$0x3FAA] =	sst s5  }
0xe: {  	[smem:$0x3FAB] =	sst s6  }
0xf: {  	[smem:$0x3FAC] =	sst s7  }
0x10: {  	[smem:$0x3FAD] =	sst s8  }
0x11: {  	[smem:$0x3FAE] =	sst s9;
	s0 =	simm.s32 @!p0 $0x0  }
0x12: {  	s1 =	sld [smem:$0x3F94];
	s0 =	simm.s32 @p0 $0x1  }
0x13: {  	[smem:$0x3FAF] =	sst s0;
	s0 =	simm.s32 @!p1 $0x0  }
0x14: {  	s2 =	sld [smem:$0x3F93];
	s0 =	simm.s32 @p1 $0x1  }
0x15: {  	[smem:$0x3FB0] =	sst s0;
	s0 =	simm.s32 @!p2 $0x0  }
0x16: {  	s3 =	sld [smem:$0x3FDB];
	s0 =	simm.s32 @p2 $0x1  }
0x17: {  	s4 =	simm.s32 $0x1BF5;
	[smem:$0x3FB2] =	sst s0  }
0x18: {  	s0 =	sld [smem:$0x3F95];
	_ =	swait.ge [sflag:s4], $0x0  }
0x19: {  	s7 =	sld [smem:$0x3F96]  }
0x1a: {  	s8 =	sadd.s32 $0xFFFFE003, lr  }
0x1b: {  	s9 =	sadd.s32 $0xFFFFFEF7, lr;
	s5 =	simm.s32 $0xFFFFFFFF;
	p2 =	slt.u32 s8, $0xFFFFF086  }
0x1c: {  	p1 =	slt.u32 s9, $0xF7A;
	s5 =	simm.s32 @!p2 $0x0  }
0x1d: {  	s5 =	simm.s32 @p1 $0x1;
	p0 =	seq.s32 s7, s2  }
0x1e: {  	s7 =	smul.u32 @!p0 $0xF7A, s2;
	p2 =	seq.s32 @!p0 s5, $0x0  }
0x1f: {  	s9 =	smul.u32 $0xF7A, s1;
	s8 =	simm.s32 @!p0 $0x1BF5;
	p2 =	por !p2, p0  }
0x20: {  	[sflag:s8] =	ssyncset.s32 @!p0 $0xFFFFF086;
	s6 =	sadd.s32 @!p0 s3, s7;
	s7 =	simm.s32 @!p0 $0x108  }
0x21: {  	s3 =	sadd.s32 s3, s9;
	s6 =	sadd.s32 @!p0 $0x88, s6;
	s7 =	simm.s32 @p2 $0x1082  }
0x22: {  	[simem:s7], [sflag:s8] =	dma.local @!p0 [hbm:s6], $0xF7A  }
0x23: {  	s9 =	sor.u32 $0xD0000000, s2;
	s6 =	simm.s32 $0x108;
	_ =	swait.ge @!p0 [sflag:s8], $0x0  }
0x24: {  	s3 =	sadd.s32 $0x88, s3;
	s6 =	simm.s32 @!p1 $0x1082;
	[sflag:s4] =	ssyncset.s32 $0xFFFFF086  }
0x25: {  	[simem:s6], [sflag:s4] =	dma.local [hbm:s3], $0xF7A  }
0x26: {  	[smem:$0x3F96] =	sst s1;
	(tag) =	ssettag s2;
	_ =	strace s9  }
0x27: {  	s1 =	sld [smem:$0x3FA6]  }
0x28: {  	s2 =	sld [smem:$0x3FA7]  }
0x29: {  	s4 =	sld [smem:$0x3FA9]  }
0x2a: {  	p0 =	seq.s32 s5, $0x0;
	s5 =	sld [smem:$0x3FAA]  }
0x2b: {  	s6 =	sld [smem:$0x3FAB]  }
0x2c: {  	s7 =	sld [smem:$0x3FAC]  }
0x2d: {  	s3 =	simm.s32 $0x108;
	s8 =	sld [smem:$0x3FAD]  }
0x2e: {  	s3 =	simm.s32 @!p0 $0x1082;
	s9 =	sld [smem:$0x3FAE]  }
0x2f: {  	lr =	sadd.s32 s0, s3;
	s0 =	sld [smem:$0x3FA5]  }
0x30: {  	s3 =	sld [smem:$0x3FA8]  }
0x31: {  	[smem:$0x3FB1] =	sst s10  }
0x32: {  	s10 =	sld [smem:$0x3FAF];
	_ =	sdelay $0x3  }
0x33: {  	p0 =	seq.s32 s10, $0x1;
	s10 =	sld [smem:$0x3FB1];
	_ =	sdelay $0x3  }
0x34: {  	[smem:$0x3FB1] =	sst s10  }
0x35: {  	s10 =	sld [smem:$0x3FB0];
	_ =	sdelay $0x3  }
0x36: {  	p1 =	seq.s32 s10, $0x1;
	s10 =	sld [smem:$0x3FB1];
	_ =	sdelay $0x3  }
0x37: {  	[smem:$0x3FB1] =	sst s10  }
0x38: {  	s10 =	sld [smem:$0x3FB2]  }
0x39: {  	_ = 	snop;
	(pc) =	sbr.ind lr, $3  }
0x3a: {  	_ = 	snop  }
0x3b: {  	_ = 	snop  }
0x3c: {  	p2 =	seq.s32 s10, $0x1;
	s10 =	sld [smem:$0x3FB1]  }
0x3d: {  	_ =	shalt  }
0x3e: {  	_ =	shalt  }
0x3f: {  	_ =	shalt  }
0x40: {  	_ =	shalt  }
0x41: {  	_ =	shalt  }
0x42: {  	_ =	shalt  }
0x43: {  	_ =	shalt  }
0x44: {  	_ =	shalt  }
0x45: {  	_ =	shalt  }
0x46: {  	_ =	shalt  }
0x47: {  	_ =	shalt  }
0x48: {  	_ =	shalt  }
0x49: {  	_ =	shalt  }
0x4a: {  	_ =	shalt  }
0x4b: {  	_ =	shalt  }
0x4c: {  	_ =	shalt  }
0x4d: {  	_ =	shalt  }
0x4e: {  	_ =	shalt  }
0x4f: {  	_ =	shalt  }
0x50: {  	_ =	shalt  }
0x51: {  	_ =	shalt  }
0x52: {  	_ =	shalt  }
0x53: {  	_ =	shalt  }
0x54: {  	_ =	shalt  }
0x55: {  	_ =	shalt  }
0x56: {  	_ =	shalt  }
0x57: {  	_ =	shalt  }
0x58: {  	_ =	shalt  }
0x59: {  	_ =	shalt  }
0x5a: {  	_ =	shalt  }
0x5b: {  	_ =	shalt  }
0x5c: {  	_ =	shalt  }
0x5d: {  	_ =	shalt  }
0x5e: {  	_ =	shalt  }
0x5f: {  	_ =	shalt  }
0x60: {  	_ =	shalt  }
0x61: {  	_ =	shalt  }
0x62: {  	_ =	shalt  }
0x63: {  	_ =	shalt  }
0x64: {  	_ =	shalt  }
0x65: {  	_ =	shalt  }
0x66: {  	_ =	shalt  }
0x67: {  	_ =	shalt  }
0x68: {  	_ =	shalt  }
0x69: {  	_ =	shalt  }
0x6a: {  	_ =	shalt  }
0x6b: {  	_ =	shalt  }
0x6c: {  	_ =	shalt  }
0x6d: {  	_ =	shalt  }
0x6e: {  	_ =	shalt  }
0x6f: {  	_ =	shalt  }
0x70: {  	_ =	shalt  }
0x71: {  	_ =	shalt  }
0x72: {  	_ =	shalt  }
0x73: {  	_ =	shalt  }
0x74: {  	_ =	shalt  }
0x75: {  	_ =	shalt  }
0x76: {  	_ =	shalt  }
0x77: {  	_ =	shalt  }
0x78: {  	_ =	shalt  }
0x79: {  	_ =	shalt  }
0x7a: {  	_ =	shalt  }
0x7b: {  	_ =	shalt  }
0x7c: {  	_ =	shalt  }
0x7d: {  	_ =	shalt  }
0x7e: {  	_ =	shalt  }
0x7f: {  	_ =	shalt  }
0x80: {  	_ =	shalt  }
0x81: {  	_ =	shalt  }
0x82: {  	_ =	shalt  }
0x83: {  	_ =	shalt  }
0x84: {  	_ =	shalt  }
0x85: {  	_ =	shalt  }
0x86: {  	_ =	shalt  }
0x87: {  	_ =	shalt  }
.Lfunc_end0:
.L_simem_size_0:
called_computation.1_lowered:
.L_overlay_start_0:
0x88: {  	s2 =	sld [smem:$0x3FD9]  }
0x89: {  	s3 =	sld [smem:$0x3FFE];
	_ =	sdelay $0x1  }
0x8a: {  	s1 =	srdreg.scid  }
0x8b: {  	s0 =	sand.u32 $0x1, s1  }
0x8c: {  	s14 =	sshll.u32 s0, $0xA;
	s2 =	sadd.s32 s3, s2  }
0x8d: {  	s2 =	sadd.s32 s2, s14  }
0x8e: {  	[smem:$0x3FBD] =	sst s2  }
0x8f: {  	_ = 	snop  }
0x90: {  	s2 =	sld [smem:$0x3FD0];
	_ =	sdelay $0x2  }
0x91: {  	s15 =	simm.s32 $0xA;
	s4 =	simm.s32 $0x10  }
0x92: {  	[smem:s4], [sflag:s15] =	dma.local [hbm:s2], $0x1  }
0x93: {  	_ =	swait.eq [sflag:s15], $0x1  }
0x94: {  	[sflag:s15] =	ssyncset.done $0x0  }
0x95: {  	s16 =	sld [smem:$0x10];
	[sflag:s15] =	ssyncadd.s32 $0xFFFFFFFF  }
0x96: {  	s17 =	sld [smem:$0x11];
	(tm) =	ssettm $0x1  }
0x97: {  	s18 =	sld [smem:$0x3FFB];
	_ =	sdelay $0x3  }
0x98: {  	_ =	strace s18  }
0x99: {  	s4 =	sld [smem:$0x3FFC];
	_ =	sdelay $0x3  }
0x9a: {  	_ =	strace s4  }
0x9b: {  	s4 =	sld [smem:$0x3FFD];
	_ =	sdelay $0x3  }
0x9c: {  	_ =	strace s4  }
0x9d: {  	_ =	strace $0x8FFFFFFF  }
0x9e: {  	s19 =	sld [smem:$0x3FDB];
	_ =	sdelay $0x1  }
0x9f: {  	s5 =	simm.s32 $_scs_section_size  }
0xa0: {  	s6 =	simm.s32 $_size__tile_overlayer_lowered;
	s7 =	simm.s32 $_tile_overlayer_lowered  }
0xa1: {  	s22 =	simm.s32 $0x1BFF;
	s21 =	sshll.u32 s7, $0x1;
	s4 =	sadd.s32 s5, s19  }
0xa2: {  	s8 =	simm.s32 $0x0;
	s20 =	sshll.u32 s6, $0x1;
	s6 =	sadd.s32 s21, s4  }
0xa3: {  	[timem:s8], [sflag:s22] =	dma.local [hbm:s6], s20  }
0xa4: {  	_ =	swait.ge [sflag:s22], s20  }
0xa5: {  	s5 =	ssub.s32 $0x0, s20;
	[sflag:s22] =	ssyncset.done $0x0  }
0xa6: {  	[sflag:s22] =	ssyncadd.s32 s5;
	_ =	sdelay $0x1  }
0xa7: {  	s23 =	simm.s32 $0x1B8B  }
0xa8: {  	_ =	swait.ge [sflag:s23], $0x1  }
0xa9: {  	[sflag:s23] =	ssyncset.done $0x0  }
0xaa: {  	s25 =	simm.s32 $0x1B8E;
	s24 =	sld [smem:$0x3FFE];
	[sflag:s23] =	ssyncadd.s32 $0xFFFFFFFF  }
0xab: {  	s26 =	simm.s32 $execute0_lowered;
	[smem:$0x3FD2] =	sst s25  }
0xac: {  	s6 =	sshll.u32 s26, $0x1;
	_ =	strace $0x80000049;
	[dreg:$0x1] =	wrdreg $0xFFFFFFFF  }
0xad: {  	s28 =	simm.s32 $_size_execute0_lowered;
	s4 =	sadd.s32 s4, s6;
	[dreg:$0x0] =	wrdreg $0x0  }
0xae: {  	s6 =	sshll.u32 s28, $0x1;
	[dreg:$0x2] =	wrdreg s4  }
0xaf: {  	[dreg:$0x3] =	wrdreg s6  }
0xb0: {  	[dreg:$0x4] =	wrdreg $0xC0  }
0xb1: {  	_ =	task [dreg:s8], $0x5FFFF  }
0xb2: {  	[dreg:$0x1] =	wrdreg $0xFFFFFFFF  }
0xb3: {  	[dreg:$0x0] =	wrdreg $0x60  }
0xb4: {  	[dreg:$0x2] =	wrdreg s24  }
0xb5: {  	[dreg:$0x3] =	wrdreg s17  }
0xb6: {  	[dreg:$0x4] =	wrdreg s16  }
0xb7: {  	[dreg:$0x5] =	wrdreg $0xA8000  }
0xb8: {  	[dreg:$0x6] =	wrdreg $0x9  }
0xb9: {  	_ =	task.clear_ibuf [dreg:s8], $0x7FFFF;
	_ =	strace $0x90000049  }
0xba: {  	s29 =	simm.s32 $0x9;
	_ =	strace $0x8000004B  }
0xbb: {  	_ =	swait.ge [sflag:s29], $0x1  }
0xbc: {  	[sflag:s29] =	ssyncadd.s32 $0xFFFFFFFF  }
0xbd: {  	_ =	strace $0x9000004B  }
0xbe: {  	_ =	sfence  }
0xbf: {  	s30 =	sld [smem:$0x0];
	_ =	sdelay $0x2  }
0xc0: {  	s31 =	sshll.u32 s1, $0xD;
	s1 =	sshrl.u32 s1, $0x2  }
0xc1: {  	s3 =	sand.u32 $0x4000, s31;
	s1 =	sadd.s32 s1, s30  }
0xc2: {  	s0 =	sor.u32 s3, s0;
	s1 =	sshll.u32 s1, $0x11  }
0xc3: {  	s0 =	sor.u32 s1, s0  }
0xc4: {  	s0 =	sadd.s32 $0x8F2B, s0  }
0xc5: {  	[sflag:s0] =	ssyncadd.remote.s32 $0x1  }
0xc6: {  	_ =	sfence.sel $0xFFFF  }
0xc7: {  	[dreg:$0x0] =	wrdreg $0xFFFFFFFF;
	(pc) =	sbr.abs _section_cstart, $3  }
0xc8: {  	[dreg:$0x1] =	wrdreg $0xFFFFFFFF  }
0xc9: {  	_ =	task.clear_ibuf [dreg:s8], $0x2FFFF;
	_ =	strace $0x9FFFFFFF  }
0xca: {  	(tm) =	ssettm $0x7FFFFFFF  }
0xcb: {  	_ =	shalt  }
tec
execute0_lowered:
.L_overlay_start_1:
0x0: {  	(tag) =	ssettag $0x1  }
0x1: {  	s0 =	rddreg [dreg:$0x0]  }
0x2: {  	s9 =	rddreg [dreg:$0x1]  }
0x3: {  	s10 =	rddreg [dreg:$0x2]  }
0x4: {  	s1 =	rddreg [dreg:$0x3];
	s2 =	simm.s32 $0x0;
	s3 =	stileid.u32  }
0x5: {  	s11 =	srdreg.scid;
	s28 =	simm.s32 $0x3;
	s29 =	simm.s32 $0x1400  }
0x6: {  	s30 =	simm.s32 $0x7D;
	s31 =	simm.s32 $0x2800;
	[smem:$0x7FF] =	sst s2  }
0x7: {  	s4 =	sadd.s32 $0x39E00, s0;
	s5 =	sadd.s32 $0x61E00, s0;
	s12 =	smul.u32 $0x280, s3  }
0x8: {  	s6 =	sadd.s32 $0x89E00, s0;
	s7 =	sadd.s32 $0x11E00, s0;
	s8 =	smul.u32 $0x2800, s3  }
0x9: {  	s11 =	sand.u32 $0x1, s11;
	s15 =	smul.u32 $0x50000, s3;
	s16 =	sadd.s32 $0xD9E00, s0  }
0xa: {  	_ =	strace $0x8000004A;
	s14 =	ssub.s32 $0x2, s11;
	[dreg:$0x5] =	wrdreg s16  }
0xb: {  	p0 =	seq.s32 s11, $0x1;
	s13 =	sadd.s32 s12, s0;
	s16 =	sadd.s32 s8, s0  }
0xc: {  	s17 =	sshrl.u32 s14, $0x1;
	s0 =	sadd.s32 $0x129E00, s0;
	s19 =	sshrl.u32 s15, $0x2  }
0xd: {  	s20 =	sadd.s32 s4, s8;
	s9 =	sadd.s32 s9, s12;
	[dreg:$0x6] =	wrdreg s0  }
0xe: {  	s23 =	sadd.s32 s5, s8;
	s25 =	sadd.s32 s10, s12;
	[dreg:$0x7] =	wrdreg s20  }
0xf: {  	s26 =	sadd.s32 s6, s8;
	s10 =	simm.s32 $0x1;
	[dreg:$0x9] =	wrdreg s9  }
0x10: {  	s12 =	simm.s32 $0x2;
	s18 =	ssub.s32 s14, s17;
	[dreg:$0xb] =	wrdreg s23  }
0x11: {  	s11 =	sadd.s32 s19, s1;
	s21 =	sadd.s32 $0xF600, s13;
	[dreg:$0xd] =	wrdreg s25  }
0x12: {  	s22 =	sadd.s32 $0xB1E00, s16;
	s24 =	sadd.s32 $0x7E00, s13;
	[dreg:$0xe] =	wrdreg s26  }
.Ltmp0:
0x13: {  	s20 =	sadd.s32 $0xA600, s13;
	s23 =	sadd.s32 $0xCE00, s13;
	(pc) =	sbr.rel .LBB2_1-.Ltmp0, $4  }
0x14: {  	s26 =	sadd.s32 s7, s8;
	s0 =	simm.s32 $0x80;
	[dreg:$0x8] =	wrdreg s21  }
0x15: {  	s9 =	simm.s32 $0x6800;
	s14 =	simm.s32 $0x2780;
	[dreg:$0xa] =	wrdreg s22  }
0x16: {  	[dreg:$0xc] =	wrdreg s24;
	s21 =	sadd.s32 $0x1200, s13;
	s22 =	sadd.s32 $0x101E00, s16  }
0x17: {  	s24 =	sadd.s32 $0x3A00, s13;
	s25 =	smax.u32 s18, $0x1;
	s13 =	simm.s32 $0x2700  }
.LBB2_11:
0x18: {  	[tilespmem:s9], [sflag:$0x2] =	stream.indirect.gather [hbm4b:s7+s30], $0x80, s18, s30, $0xb8;
	[tilespmem:$0x1E800] =	vst v63  }
0x19: {  	s17 =	rddreg [dreg:$0x6]  }
.LBB2_12:
0x1a: {  	_ =	swait.ge [sflag:s10], $0x3E80  }
0x1b: {  	[sflag:s10] =	ssyncset.done $0x0  }
0x1c: {  	[sflag:s10] =	ssyncadd.s32 $0xFFFFC180  }
0x1d: {  	[spmem:s1] =	stream.indirect.scatter.add.f32 [tilespmem:s31], [sflag:$0x3], $0x80, s13, s30, $0xb8;
	[tilespmem:$0x1E800] =	vst v63  }
0x1e: {  	_ =	swait.ge [sflag:s28], $0x3E80  }
0x1f: {  	[sflag:s28] =	ssyncset.done $0x0  }
0x20: {  	[sflag:s28] =	ssyncadd.s32 $0xFFFFC180  }
0x21: {  	_ =	swait.ge [sflag:s12], $0x3E80  }
0x22: {  	[sflag:s12] =	ssyncset.done $0x0  }
0x23: {  	[sflag:s12] =	ssyncadd.s32 $0xFFFFC180  }
0x24: {  	[spmem:s1] =	stream.indirect.scatter.add.f32 [tilespmem:s9], [sflag:$0x3], $0x80, s14, s30, $0xb8;
	[tilespmem:$0x1E800] =	vst v63  }
0x25: {  	_ =	swait.ge [sflag:s28], $0x3E80  }
0x26: {  	[sflag:s28] =	ssyncset.done $0x0  }
0x27: {  	s2 =	sadd.s32 $0x1, s2;
	[sflag:s28] =	ssyncadd.s32 $0xFFFFC180  }
0x28: {  	s17 =	sadd.s32 s17, s8;
	p1 =	sne.s32 s2, s25;
	[bflag:$0x0] =	sbarrier.arrive $0xFFFF  }
0x29: {  	[hbm:s17], [sflag:s16] =	dma.local [spmem:s15], $0x2800  }
.Ltmp1:
0x2a: {  	_ =	swait.ge [sflag:s28], $0x2800;
	(pc) =	sbr.rel @!p1 .LBB2_13-.Ltmp1, $3  }
0x2b: {  	[sflag:s28] =	ssyncset.done $0x0  }
0x2c: {  	[sflag:s28] =	ssyncadd.s32 $0xFFFFD800  }
0x2d: {  	[bflag:$0x0] =	sbarrier.arrive $0xFFFF;
	_ =	sdelay $0x1  }
.LBB2_1:
.Ltmp2:
0x2e: {  	(pc) =	sbr.rel @!p0 .LBB2_2-.Ltmp2, $3  }
0x2f: {  	_ =	sdelay $0x1  }
0x30: {  	s17 =	sshll.u32 s3, $0x6  }
0x31: {  	s15 =	sshrl.u32 s11, $0x3;
	s16 =	sor.u32 $0x1C03, s17  }
0x32: {  	s16 =	sor.u32 $0x1C03, s17;
	s19 =	rddreg [dreg:$0xe]  }
0x33: {  	[spmem:s15], [sflag:s16] =	dma.local [hbm:s19], $0x2800  }
0x34: {  	_ =	swait.ge [sflag:s28], $0x2800  }
0x35: {  	[sflag:s28] =	ssyncset.done $0x0  }
0x36: {  	[sflag:s28] =	ssyncadd.s32 $0xFFFFD800  }
0x37: {  	s18 =	simm.s32 $0x0;
	[bflag:$0x0] =	sbarrier.arrive $0xFFFF  }
0x38: {  	[tilespmem:s18], [sflag:$0x3] =	stream.linear.gather [hbm4b:s20+s18], $0x1400, $0x38;
	[tilespmem:$0x1E800] =	vst v63  }
0x39: {  	_ =	swait.ge [sflag:s28], $0x1400  }
0x3a: {  	[sflag:s28] =	ssyncset.done $0x0  }
0x3b: {  	[sflag:s28] =	ssyncadd.s32 $0xFFFFEC00  }
0x3c: {  	[tilespmem:s29], [sflag:$0x3] =	stream.linear.gather [hbm4b:s21+s18], $0x1400, $0x38;
	[tilespmem:$0x1E800] =	vst v63  }
0x3d: {  	_ =	swait.ge [sflag:s28], $0x1400  }
0x3e: {  	[sflag:s28] =	ssyncset.done $0x0  }
0x3f: {  	[sflag:s28] =	ssyncadd.s32 $0xFFFFEC00  }
0x40: {  	[tilespmem:s31], [sflag:$0x1] =	stream.indirect.gather [hbm4b:s6+s30], $0x80, s18, s30, $0xb8;
	[tilespmem:$0x1E800] =	vst v63  }
0x41: {  	_ = 	snop  }
0x42: {  	[tilespmem:s9], [sflag:$0x2] =	stream.indirect.gather [hbm4b:s6+s30], $0x80, s0, s30, $0xb8;
	[tilespmem:$0x1E800] =	vst v63  }
0x43: {  	_ =	swait.ge [sflag:s10], $0x3E80  }
0x44: {  	[sflag:s10] =	ssyncset.done $0x0  }
0x45: {  	s19 =	simm.s32 $0x1400;
	[sflag:s10] =	ssyncadd.s32 $0xFFFFC180  }
0x46: {  	[spmem:s1] =	stream.indirect.scatter.add.f32 [tilespmem:s31], [sflag:$0x3], $0x80, s19, s30, $0xb8;
	[tilespmem:$0x1E800] =	vst v63  }
0x47: {  	_ =	swait.ge [sflag:s28], $0x3E80  }
0x48: {  	[sflag:s28] =	ssyncset.done $0x0  }
0x49: {  	s18 =	simm.s32 $0x100;
	[sflag:s28] =	ssyncadd.s32 $0xFFFFC180  }
0x4a: {  	[tilespmem:s31], [sflag:$0x1] =	stream.indirect.gather [hbm4b:s6+s30], $0x80, s18, s30, $0xb8;
	[tilespmem:$0x1E800] =	vst v63  }
0x4b: {  	_ =	swait.ge [sflag:s12], $0x3E80  }
0x4c: {  	[sflag:s12] =	ssyncset.done $0x0  }
0x4d: {  	s19 =	simm.s32 $0x1480;
	[sflag:s12] =	ssyncadd.s32 $0xFFFFC180  }
0x4e: {  	[spmem:s1] =	stream.indirect.scatter.add.f32 [tilespmem:s9], [sflag:$0x3], $0x80, s19, s30, $0xb8;
	[tilespmem:$0x1E800] =	vst v63  }
0x4f: {  	_ =	swait.ge [sflag:s28], $0x3E80  }
0x50: {  	[sflag:s28] =	ssyncset.done $0x0  }
0x51: {  	s17 =	simm.s32 $0x400;
	s18 =	simm.s32 $0x180;
	[sflag:s28] =	ssyncadd.s32 $0xFFFFC180  }
.LBB2_8:
0x52: {  	[tilespmem:s9], [sflag:$0x2] =	stream.indirect.gather [hbm4b:s6+s30], $0x80, s18, s30, $0xb8;
	[tilespmem:$0x1E800] =	vst v63  }
0x53: {  	s18 =	smov.u32 s17  }
0x54: {  	p1 =	sne.s32 s17, $0x4800;
	s17 =	sadd.s32 $0x400, s17;
	_ =	swait.ge [sflag:s10], $0x3E80  }
0x55: {  	s18 =	sshra.s32 s18, $0x2;
	[sflag:s10] =	ssyncset.done $0x0  }
0x56: {  	s19 =	sadd.s32 $0x1400, s18;
	[sflag:s10] =	ssyncadd.s32 $0xFFFFC180  }
0x57: {  	[spmem:s1] =	stream.indirect.scatter.add.f32 [tilespmem:s31], [sflag:$0x3], $0x80, s19, s30, $0xb8;
	[tilespmem:$0x1E800] =	vst v63  }
0x58: {  	_ =	swait.ge [sflag:s28], $0x3E80  }
0x59: {  	[sflag:s28] =	ssyncset.done $0x0  }
0x5a: {  	s19 =	sadd.s32 $0x100, s18;
	[sflag:s28] =	ssyncadd.s32 $0xFFFFC180  }
0x5b: {  	[tilespmem:s31], [sflag:$0x1] =	stream.indirect.gather [hbm4b:s6+s30], $0x80, s19, s30, $0xb8;
	[tilespmem:$0x1E800] =	vst v63  }
0x5c: {  	_ =	swait.ge [sflag:s12], $0x3E80  }
0x5d: {  	[sflag:s12] =	ssyncset.done $0x0  }
.Ltmp3:
0x5e: {  	s19 =	sadd.s32 $0x1480, s18;
	[sflag:s12] =	ssyncadd.s32 $0xFFFFC180;
	(pc) =	sbr.rel @p1 .LBB2_8-.Ltmp3, $4  }
0x5f: {  	[spmem:s1] =	stream.indirect.scatter.add.f32 [tilespmem:s9], [sflag:$0x3], $0x80, s19, s30, $0xb8;
	[tilespmem:$0x1E800] =	vst v63  }
0x60: {  	_ =	swait.ge [sflag:s28], $0x3E80  }
0x61: {  	[sflag:s28] =	ssyncset.done $0x0  }
0x62: {  	s18 =	sadd.s32 $0x180, s18;
	[sflag:s28] =	ssyncadd.s32 $0xFFFFC180  }
0x63: {  	[tilespmem:s9], [sflag:$0x2] =	stream.indirect.gather [hbm4b:s6+s30], $0x80, s18, s30, $0xb8;
	[tilespmem:$0x1E800] =	vst v63  }
0x64: {  	_ =	swait.ge [sflag:s10], $0x3E80  }
0x65: {  	[sflag:s10] =	ssyncset.done $0x0  }
0x66: {  	[sflag:s10] =	ssyncadd.s32 $0xFFFFC180  }
0x67: {  	[spmem:s1] =	stream.indirect.scatter.add.f32 [tilespmem:s31], [sflag:$0x3], $0x80, s13, s30, $0xb8;
	[tilespmem:$0x1E800] =	vst v63  }
0x68: {  	_ =	swait.ge [sflag:s28], $0x3E80  }
0x69: {  	[sflag:s28] =	ssyncset.done $0x0  }
0x6a: {  	[sflag:s28] =	ssyncadd.s32 $0xFFFFC180  }
0x6b: {  	_ =	swait.ge [sflag:s12], $0x3E80  }
0x6c: {  	[sflag:s12] =	ssyncset.done $0x0  }
0x6d: {  	[sflag:s12] =	ssyncadd.s32 $0xFFFFC180  }
0x6e: {  	[spmem:s1] =	stream.indirect.scatter.add.f32 [tilespmem:s9], [sflag:$0x3], $0x80, s14, s30, $0xb8;
	[tilespmem:$0x1E800] =	vst v63  }
0x6f: {  	_ =	swait.ge [sflag:s28], $0x3E80  }
0x70: {  	[sflag:s28] =	ssyncset.done $0x0  }
0x71: {  	[sflag:s28] =	ssyncadd.s32 $0xFFFFC180  }
0x72: {  	[bflag:$0x0] =	sbarrier.arrive $0xFFFF  }
0x73: {  	[hbm:s22], [sflag:s16] =	dma.local [spmem:s15], $0x2800  }
0x74: {  	_ =	swait.ge [sflag:s28], $0x2800  }
0x75: {  	[sflag:s28] =	ssyncset.done $0x0  }
0x76: {  	[sflag:s28] =	ssyncadd.s32 $0xFFFFD800  }
0x77: {  	[bflag:$0x0] =	sbarrier.arrive $0xFFFF  }
0x78: {  	[spmem:s15], [sflag:s16] =	dma.local [hbm:s26], $0x2800  }
0x79: {  	_ =	swait.ge [sflag:s28], $0x2800  }
0x7a: {  	[sflag:s28] =	ssyncset.done $0x0  }
0x7b: {  	[sflag:s28] =	ssyncadd.s32 $0xFFFFD800  }
0x7c: {  	s17 =	simm.s32 $0x0;
	[bflag:$0x0] =	sbarrier.arrive $0xFFFF  }
0x7d: {  	[tilespmem:s17], [sflag:$0x3] =	stream.linear.gather [hbm4b:s23+s17], $0x1400, $0x38;
	[tilespmem:$0x1E800] =	vst v63  }
0x7e: {  	_ =	swait.ge [sflag:s28], $0x1400  }
0x7f: {  	[sflag:s28] =	ssyncset.done $0x0  }
0x80: {  	[sflag:s28] =	ssyncadd.s32 $0xFFFFEC00  }
0x81: {  	[tilespmem:s29], [sflag:$0x3] =	stream.linear.gather [hbm4b:s24+s17], $0x1400, $0x38;
	[tilespmem:$0x1E800] =	vst v63  }
0x82: {  	_ =	swait.ge [sflag:s28], $0x1400  }
0x83: {  	[sflag:s28] =	ssyncset.done $0x0  }
0x84: {  	[sflag:s28] =	ssyncadd.s32 $0xFFFFEC00  }
0x85: {  	[tilespmem:s31], [sflag:$0x1] =	stream.indirect.gather [hbm4b:s7+s30], $0x80, s17, s30, $0xb8;
	[tilespmem:$0x1E800] =	vst v63  }
0x86: {  	_ = 	snop  }
0x87: {  	[tilespmem:s9], [sflag:$0x2] =	stream.indirect.gather [hbm4b:s7+s30], $0x80, s0, s30, $0xb8;
	[tilespmem:$0x1E800] =	vst v63  }
0x88: {  	_ =	swait.ge [sflag:s10], $0x3E80  }
0x89: {  	[sflag:s10] =	ssyncset.done $0x0  }
0x8a: {  	s19 =	simm.s32 $0x1400;
	[sflag:s10] =	ssyncadd.s32 $0xFFFFC180  }
0x8b: {  	[spmem:s1] =	stream.indirect.scatter.add.f32 [tilespmem:s31], [sflag:$0x3], $0x80, s19, s30, $0xb8;
	[tilespmem:$0x1E800] =	vst v63  }
0x8c: {  	_ =	swait.ge [sflag:s28], $0x3E80  }
0x8d: {  	[sflag:s28] =	ssyncset.done $0x0  }
0x8e: {  	s18 =	simm.s32 $0x100;
	[sflag:s28] =	ssyncadd.s32 $0xFFFFC180  }
0x8f: {  	[tilespmem:s31], [sflag:$0x1] =	stream.indirect.gather [hbm4b:s7+s30], $0x80, s18, s30, $0xb8;
	[tilespmem:$0x1E800] =	vst v63  }
0x90: {  	_ =	swait.ge [sflag:s12], $0x3E80  }
0x91: {  	[sflag:s12] =	ssyncset.done $0x0  }
0x92: {  	s19 =	simm.s32 $0x1480;
	[sflag:s12] =	ssyncadd.s32 $0xFFFFC180  }
0x93: {  	[spmem:s1] =	stream.indirect.scatter.add.f32 [tilespmem:s9], [sflag:$0x3], $0x80, s19, s30, $0xb8;
	[tilespmem:$0x1E800] =	vst v63  }
0x94: {  	_ =	swait.ge [sflag:s28], $0x3E80  }
0x95: {  	[sflag:s28] =	ssyncset.done $0x0  }
0x96: {  	s17 =	simm.s32 $0x400;
	s18 =	simm.s32 $0x180;
	[sflag:s28] =	ssyncadd.s32 $0xFFFFC180  }
.LBB2_10:
0x97: {  	[tilespmem:s9], [sflag:$0x2] =	stream.indirect.gather [hbm4b:s7+s30], $0x80, s18, s30, $0xb8;
	[tilespmem:$0x1E800] =	vst v63  }
0x98: {  	s18 =	smov.u32 s17  }
0x99: {  	p1 =	sne.s32 s17, $0x4800;
	s17 =	sadd.s32 $0x400, s17;
	_ =	swait.ge [sflag:s10], $0x3E80  }
0x9a: {  	s18 =	sshra.s32 s18, $0x2;
	[sflag:s10] =	ssyncset.done $0x0  }
0x9b: {  	s19 =	sadd.s32 $0x1400, s18;
	[sflag:s10] =	ssyncadd.s32 $0xFFFFC180  }
0x9c: {  	[spmem:s1] =	stream.indirect.scatter.add.f32 [tilespmem:s31], [sflag:$0x3], $0x80, s19, s30, $0xb8;
	[tilespmem:$0x1E800] =	vst v63  }
0x9d: {  	_ =	swait.ge [sflag:s28], $0x3E80  }
0x9e: {  	[sflag:s28] =	ssyncset.done $0x0  }
0x9f: {  	s19 =	sadd.s32 $0x100, s18;
	[sflag:s28] =	ssyncadd.s32 $0xFFFFC180  }
0xa0: {  	[tilespmem:s31], [sflag:$0x1] =	stream.indirect.gather [hbm4b:s7+s30], $0x80, s19, s30, $0xb8;
	[tilespmem:$0x1E800] =	vst v63  }
0xa1: {  	_ =	swait.ge [sflag:s12], $0x3E80  }
0xa2: {  	[sflag:s12] =	ssyncset.done $0x0  }
.Ltmp4:
0xa3: {  	s19 =	sadd.s32 $0x1480, s18;
	[sflag:s12] =	ssyncadd.s32 $0xFFFFC180;
	(pc) =	sbr.rel @p1 .LBB2_10-.Ltmp4, $4  }
0xa4: {  	[spmem:s1] =	stream.indirect.scatter.add.f32 [tilespmem:s9], [sflag:$0x3], $0x80, s19, s30, $0xb8;
	[tilespmem:$0x1E800] =	vst v63  }
0xa5: {  	_ =	swait.ge [sflag:s28], $0x3E80  }
0xa6: {  	[sflag:s28] =	ssyncset.done $0x0  }
0xa7: {  	s18 =	sadd.s32 $0x180, s18;
	[sflag:s28] =	ssyncadd.s32 $0xFFFFC180  }
.Ltmp5:
0xa8: {  	_ = 	snop;
	(pc) =	sbr.rel .LBB2_11-.Ltmp5, $1  }
0xa9: {  	_ =	sdelay $0x3  }
.LBB2_2:
0xaa: {  	s17 =	rddreg [dreg:$0x7]  }
0xab: {  	[spmem:s15], [sflag:s16] =	dma.local [hbm:s17], $0x2800  }
0xac: {  	_ =	swait.ge [sflag:s28], $0x2800  }
0xad: {  	[sflag:s28] =	ssyncset.done $0x0  }
0xae: {  	[sflag:s28] =	ssyncadd.s32 $0xFFFFD800  }
0xaf: {  	[bflag:$0x0] =	sbarrier.arrive $0xFFFF  }
0xb0: {  	s17 =	simm.s32 $0x0;
	s18 =	rddreg [dreg:$0x8]  }
0xb1: {  	[tilespmem:s17], [sflag:$0x3] =	stream.linear.gather [hbm4b:s18+s17], $0x1400, $0x38;
	[tilespmem:$0x1E800] =	vst v63  }
0xb2: {  	_ =	swait.ge [sflag:s28], $0x1400  }
0xb3: {  	[sflag:s28] =	ssyncset.done $0x0  }
0xb4: {  	s19 =	rddreg [dreg:$0x9];
	[sflag:s28] =	ssyncadd.s32 $0xFFFFEC00  }
0xb5: {  	[tilespmem:s29], [sflag:$0x3] =	stream.linear.gather [hbm4b:s19+s17], $0x1400, $0x38;
	[tilespmem:$0x1E800] =	vst v63  }
0xb6: {  	_ =	swait.ge [sflag:s28], $0x1400  }
0xb7: {  	[sflag:s28] =	ssyncset.done $0x0  }
0xb8: {  	[sflag:s28] =	ssyncadd.s32 $0xFFFFEC00  }
0xb9: {  	[tilespmem:s31], [sflag:$0x1] =	stream.indirect.gather [hbm4b:s4+s30], $0x80, s17, s30, $0xb8;
	[tilespmem:$0x1E800] =	vst v63  }
0xba: {  	_ = 	snop  }
0xbb: {  	[tilespmem:s9], [sflag:$0x2] =	stream.indirect.gather [hbm4b:s4+s30], $0x80, s0, s30, $0xb8;
	[tilespmem:$0x1E800] =	vst v63  }
0xbc: {  	_ =	swait.ge [sflag:s10], $0x3E80  }
0xbd: {  	[sflag:s10] =	ssyncset.done $0x0  }
0xbe: {  	s19 =	simm.s32 $0x1400;
	[sflag:s10] =	ssyncadd.s32 $0xFFFFC180  }
0xbf: {  	[spmem:s1] =	stream.indirect.scatter.add.f32 [tilespmem:s31], [sflag:$0x3], $0x80, s19, s30, $0xb8;
	[tilespmem:$0x1E800] =	vst v63  }
0xc0: {  	_ =	swait.ge [sflag:s28], $0x3E80  }
0xc1: {  	[sflag:s28] =	ssyncset.done $0x0  }
0xc2: {  	s18 =	simm.s32 $0x100;
	[sflag:s28] =	ssyncadd.s32 $0xFFFFC180  }
0xc3: {  	[tilespmem:s31], [sflag:$0x1] =	stream.indirect.gather [hbm4b:s4+s30], $0x80, s18, s30, $0xb8;
	[tilespmem:$0x1E800] =	vst v63  }
0xc4: {  	_ =	swait.ge [sflag:s12], $0x3E80  }
0xc5: {  	[sflag:s12] =	ssyncset.done $0x0  }
0xc6: {  	s19 =	simm.s32 $0x1480;
	[sflag:s12] =	ssyncadd.s32 $0xFFFFC180  }
0xc7: {  	[spmem:s1] =	stream.indirect.scatter.add.f32 [tilespmem:s9], [sflag:$0x3], $0x80, s19, s30, $0xb8;
	[tilespmem:$0x1E800] =	vst v63  }
0xc8: {  	_ =	swait.ge [sflag:s28], $0x3E80  }
0xc9: {  	[sflag:s28] =	ssyncset.done $0x0  }
0xca: {  	s17 =	simm.s32 $0x400;
	s18 =	simm.s32 $0x180;
	[sflag:s28] =	ssyncadd.s32 $0xFFFFC180  }
.LBB2_3:
0xcb: {  	[tilespmem:s9], [sflag:$0x2] =	stream.indirect.gather [hbm4b:s4+s30], $0x80, s18, s30, $0xb8;
	[tilespmem:$0x1E800] =	vst v63  }
0xcc: {  	s18 =	smov.u32 s17  }
0xcd: {  	p1 =	sne.s32 s17, $0x4800;
	s17 =	sadd.s32 $0x400, s17;
	_ =	swait.ge [sflag:s10], $0x3E80  }
0xce: {  	s18 =	sshra.s32 s18, $0x2;
	[sflag:s10] =	ssyncset.done $0x0  }
0xcf: {  	s19 =	sadd.s32 $0x1400, s18;
	[sflag:s10] =	ssyncadd.s32 $0xFFFFC180  }
0xd0: {  	[spmem:s1] =	stream.indirect.scatter.add.f32 [tilespmem:s31], [sflag:$0x3], $0x80, s19, s30, $0xb8;
	[tilespmem:$0x1E800] =	vst v63  }
0xd1: {  	_ =	swait.ge [sflag:s28], $0x3E80  }
0xd2: {  	[sflag:s28] =	ssyncset.done $0x0  }
0xd3: {  	s19 =	sadd.s32 $0x100, s18;
	[sflag:s28] =	ssyncadd.s32 $0xFFFFC180  }
0xd4: {  	[tilespmem:s31], [sflag:$0x1] =	stream.indirect.gather [hbm4b:s4+s30], $0x80, s19, s30, $0xb8;
	[tilespmem:$0x1E800] =	vst v63  }
0xd5: {  	_ =	swait.ge [sflag:s12], $0x3E80  }
0xd6: {  	[sflag:s12] =	ssyncset.done $0x0  }
.Ltmp6:
0xd7: {  	s19 =	sadd.s32 $0x1480, s18;
	[sflag:s12] =	ssyncadd.s32 $0xFFFFC180;
	(pc) =	sbr.rel @p1 .LBB2_3-.Ltmp6, $4  }
0xd8: {  	[spmem:s1] =	stream.indirect.scatter.add.f32 [tilespmem:s9], [sflag:$0x3], $0x80, s19, s30, $0xb8;
	[tilespmem:$0x1E800] =	vst v63  }
0xd9: {  	_ =	swait.ge [sflag:s28], $0x3E80  }
0xda: {  	[sflag:s28] =	ssyncset.done $0x0  }
0xdb: {  	s18 =	sadd.s32 $0x180, s18;
	[sflag:s28] =	ssyncadd.s32 $0xFFFFC180  }
0xdc: {  	[tilespmem:s9], [sflag:$0x2] =	stream.indirect.gather [hbm4b:s4+s30], $0x80, s18, s30, $0xb8;
	[tilespmem:$0x1E800] =	vst v63  }
0xdd: {  	_ =	swait.ge [sflag:s10], $0x3E80  }
0xde: {  	[sflag:s10] =	ssyncset.done $0x0  }
0xdf: {  	[sflag:s10] =	ssyncadd.s32 $0xFFFFC180  }
0xe0: {  	[spmem:s1] =	stream.indirect.scatter.add.f32 [tilespmem:s31], [sflag:$0x3], $0x80, s13, s30, $0xb8;
	[tilespmem:$0x1E800] =	vst v63  }
0xe1: {  	_ =	swait.ge [sflag:s28], $0x3E80  }
0xe2: {  	[sflag:s28] =	ssyncset.done $0x0  }
0xe3: {  	[sflag:s28] =	ssyncadd.s32 $0xFFFFC180  }
0xe4: {  	_ =	swait.ge [sflag:s12], $0x3E80  }
0xe5: {  	[sflag:s12] =	ssyncset.done $0x0  }
0xe6: {  	[sflag:s12] =	ssyncadd.s32 $0xFFFFC180  }
0xe7: {  	[spmem:s1] =	stream.indirect.scatter.add.f32 [tilespmem:s9], [sflag:$0x3], $0x80, s14, s30, $0xb8;
	[tilespmem:$0x1E800] =	vst v63  }
0xe8: {  	_ =	swait.ge [sflag:s28], $0x3E80  }
0xe9: {  	[sflag:s28] =	ssyncset.done $0x0  }
0xea: {  	[sflag:s28] =	ssyncadd.s32 $0xFFFFC180  }
0xeb: {  	[bflag:$0x0] =	sbarrier.arrive $0xFFFF  }
0xec: {  	s17 =	rddreg [dreg:$0xa]  }
0xed: {  	[hbm:s17], [sflag:s16] =	dma.local [spmem:s15], $0x2800  }
0xee: {  	_ =	swait.ge [sflag:s28], $0x2800  }
0xef: {  	[sflag:s28] =	ssyncset.done $0x0  }
0xf0: {  	[sflag:s28] =	ssyncadd.s32 $0xFFFFD800  }
0xf1: {  	[bflag:$0x0] =	sbarrier.arrive $0xFFFF  }
0xf2: {  	s18 =	rddreg [dreg:$0xb]  }
0xf3: {  	[spmem:s15], [sflag:s16] =	dma.local [hbm:s18], $0x2800  }
0xf4: {  	_ =	swait.ge [sflag:s28], $0x2800  }
0xf5: {  	[sflag:s28] =	ssyncset.done $0x0  }
0xf6: {  	[sflag:s28] =	ssyncadd.s32 $0xFFFFD800  }
0xf7: {  	[bflag:$0x0] =	sbarrier.arrive $0xFFFF  }
0xf8: {  	s17 =	simm.s32 $0x0;
	s19 =	rddreg [dreg:$0xc]  }
0xf9: {  	[tilespmem:s17], [sflag:$0x3] =	stream.linear.gather [hbm4b:s19+s17], $0x1400, $0x38;
	[tilespmem:$0x1E800] =	vst v63  }
0xfa: {  	_ =	swait.ge [sflag:s28], $0x1400  }
0xfb: {  	[sflag:s28] =	ssyncset.done $0x0  }
0xfc: {  	s19 =	rddreg [dreg:$0xd];
	[sflag:s28] =	ssyncadd.s32 $0xFFFFEC00  }
0xfd: {  	[tilespmem:s29], [sflag:$0x3] =	stream.linear.gather [hbm4b:s19+s17], $0x1400, $0x38;
	[tilespmem:$0x1E800] =	vst v63  }
0xfe: {  	_ =	swait.ge [sflag:s28], $0x1400  }
0xff: {  	[sflag:s28] =	ssyncset.done $0x0  }
0x100: {  	[sflag:s28] =	ssyncadd.s32 $0xFFFFEC00  }
0x101: {  	[tilespmem:s31], [sflag:$0x1] =	stream.indirect.gather [hbm4b:s5+s30], $0x80, s17, s30, $0xb8;
	[tilespmem:$0x1E800] =	vst v63  }
0x102: {  	_ = 	snop  }
0x103: {  	[tilespmem:s9], [sflag:$0x2] =	stream.indirect.gather [hbm4b:s5+s30], $0x80, s0, s30, $0xb8;
	[tilespmem:$0x1E800] =	vst v63  }
0x104: {  	_ =	swait.ge [sflag:s10], $0x3E80  }
0x105: {  	[sflag:s10] =	ssyncset.done $0x0  }
0x106: {  	s19 =	simm.s32 $0x1400;
	[sflag:s10] =	ssyncadd.s32 $0xFFFFC180  }
0x107: {  	[spmem:s1] =	stream.indirect.scatter.add.f32 [tilespmem:s31], [sflag:$0x3], $0x80, s19, s30, $0xb8;
	[tilespmem:$0x1E800] =	vst v63  }
0x108: {  	_ =	swait.ge [sflag:s28], $0x3E80  }
0x109: {  	[sflag:s28] =	ssyncset.done $0x0  }
0x10a: {  	s18 =	simm.s32 $0x100;
	[sflag:s28] =	ssyncadd.s32 $0xFFFFC180  }
0x10b: {  	[tilespmem:s31], [sflag:$0x1] =	stream.indirect.gather [hbm4b:s5+s30], $0x80, s18, s30, $0xb8;
	[tilespmem:$0x1E800] =	vst v63  }
0x10c: {  	_ =	swait.ge [sflag:s12], $0x3E80  }
0x10d: {  	[sflag:s12] =	ssyncset.done $0x0  }
0x10e: {  	s19 =	simm.s32 $0x1480;
	[sflag:s12] =	ssyncadd.s32 $0xFFFFC180  }
0x10f: {  	[spmem:s1] =	stream.indirect.scatter.add.f32 [tilespmem:s9], [sflag:$0x3], $0x80, s19, s30, $0xb8;
	[tilespmem:$0x1E800] =	vst v63  }
0x110: {  	_ =	swait.ge [sflag:s28], $0x3E80  }
0x111: {  	[sflag:s28] =	ssyncset.done $0x0  }
0x112: {  	s17 =	simm.s32 $0x400;
	s18 =	simm.s32 $0x180;
	[sflag:s28] =	ssyncadd.s32 $0xFFFFC180  }
.LBB2_5:
0x113: {  	[tilespmem:s9], [sflag:$0x2] =	stream.indirect.gather [hbm4b:s5+s30], $0x80, s18, s30, $0xb8;
	[tilespmem:$0x1E800] =	vst v63  }
0x114: {  	s18 =	smov.u32 s17  }
0x115: {  	p1 =	seq.s32 s17, $0x4800;
	s17 =	sadd.s32 $0x400, s17;
	_ =	swait.ge [sflag:s10], $0x3E80  }
0x116: {  	s18 =	sshra.s32 s18, $0x2;
	[sflag:s10] =	ssyncset.done $0x0  }
0x117: {  	s19 =	sadd.s32 $0x1400, s18;
	[sflag:s10] =	ssyncadd.s32 $0xFFFFC180  }
0x118: {  	[spmem:s1] =	stream.indirect.scatter.add.f32 [tilespmem:s31], [sflag:$0x3], $0x80, s19, s30, $0xb8;
	[tilespmem:$0x1E800] =	vst v63  }
0x119: {  	_ =	swait.ge [sflag:s28], $0x3E80  }
0x11a: {  	[sflag:s28] =	ssyncset.done $0x0  }
0x11b: {  	s19 =	sadd.s32 $0x100, s18;
	[sflag:s28] =	ssyncadd.s32 $0xFFFFC180  }
0x11c: {  	[tilespmem:s31], [sflag:$0x1] =	stream.indirect.gather [hbm4b:s5+s30], $0x80, s19, s30, $0xb8;
	[tilespmem:$0x1E800] =	vst v63  }
0x11d: {  	_ =	swait.ge [sflag:s12], $0x3E80  }
0x11e: {  	[sflag:s12] =	ssyncset.done $0x0  }
.Ltmp7:
0x11f: {  	s19 =	sadd.s32 $0x1480, s18;
	[sflag:s12] =	ssyncadd.s32 $0xFFFFC180;
	(pc) =	sbr.rel @!p1 .LBB2_5-.Ltmp7, $4  }
0x120: {  	[spmem:s1] =	stream.indirect.scatter.add.f32 [tilespmem:s9], [sflag:$0x3], $0x80, s19, s30, $0xb8;
	[tilespmem:$0x1E800] =	vst v63  }
0x121: {  	_ =	swait.ge [sflag:s28], $0x3E80  }
0x122: {  	[sflag:s28] =	ssyncset.done $0x0  }
0x123: {  	s18 =	sadd.s32 $0x180, s18;
	[sflag:s28] =	ssyncadd.s32 $0xFFFFC180  }
.Ltmp8:
0x124: {  	(pc) =	sbr.rel .LBB2_12-.Ltmp8, $3  }
0x125: {  	_ =	sdelay $0x1  }
0x126: {  	[tilespmem:s9], [sflag:$0x2] =	stream.indirect.gather [hbm4b:s5+s30], $0x80, s18, s30, $0xb8;
	[tilespmem:$0x1E800] =	vst v63  }
0x127: {  	s17 =	rddreg [dreg:$0x5]  }
.LBB2_13:
0x128: {  	_ =	sfence.sel $0x180000  }
0x129: {  	[bflag:$0x0] =	sbarrier.arrive $0xFFFF  }
0x12a: {  	_ =	strace $0x9000004A  }
0x12b: {  	[bflag:$0x2] =	sbarrier.arrive $0xFFFF  }
0x12c: {  	p0 =	sne.s32 s3, $0x0;
	s0 =	rddreg [dreg:$0x4]  }
0x12d: {  	s0 =	sadd.s32 @!p0 $0x100000, s0  }
0x12e: {  	[sflag:s0] =	ssyncadd.tile.s32 @!p0 $0x1;
	_ =	shalt  }
.Lfunc_end2:
_tile_overlayer_lowered:
.L_overlay_start_2:
0x12f: {  	(tag) =	ssettag $0x2  }
0x130: {  	s0 =	rddreg [dreg:$0x0];
	s2 =	stileid.u32  }
0x131: {  	s1 =	rddreg [dreg:$0x1];
	p0 =	sne.s32 s2, $0x0  }
0x132: {  	s3 =	rddreg [dreg:$0x2];
	[bflag:$0x3] =	sbarrier.arrive $0xFFFF;
	s2 =	simm.s32 @!p0 $0x1C03  }
0x133: {  	[timem:s3], [sflag:s2] =	dma.local @!p0 [hbm:s0], s1  }
0x134: {  	s0 =	simm.s32 @!p0 $0x3  }
0x135: {  	_ =	swait.ge @!p0 [sflag:s0], s1  }
0x136: {  	s1 =	ssub.s32 @!p0 $0x0, s1;
	[sflag:s0] =	ssyncset.done @!p0 $0x0  }
0x137: {  	[sflag:s0] =	ssyncadd.s32 @!p0 s1  }
0x138: {  	[bflag:$0x3] =	sbarrier.arrive $0xFFFF  }
0x139: {  	_ =	shalt  }

</sc_bundles>
